<compile_context>
chip_gen: v7x
topology: tpu7x:2x2x1
jax: 0.10.2.dev20260603
libtpu: 0.0.44.dev20260713+nightly
codegen_flags: <defaults>
</compile_context>

<pallas_src>
import functools

import jax
import jax.numpy as jnp
from jax import lax
from jax.experimental import pallas as pl
from jax.experimental.pallas import tpu as pltpu
from jax.experimental.pallas import tpu_sc as plsc

N = 10000
NPAD = 10112
E = 160000
NSC = 2
NSUB = 16
EPT = E // NSUB
CHUNK = 96
NCHUNK = 106
EPT_PAD = NCHUNK * CHUNK
ROWS_PER_SUB = NPAD // NSUB
H = 192
HW = 128
HP = 256


def _sc_aggregate(hr2, srcp, dstp, zeros, col_split):
    mesh = plsc.VectorSubcoreMesh(core_axis_name="c", subcore_axis_name="s")

    @functools.partial(
        pl.kernel,
        mesh=mesh,
        out_type=jax.ShapeDtypeStruct((NSC, NPAD, HW), jnp.float32),
        scratch_types=[
            pltpu.VMEM((EPT_PAD,), jnp.int32),
            pltpu.VMEM((NCHUNK, CHUNK), jnp.int32),
            pltpu.VMEM((CHUNK, HW), jnp.float32),
            pltpu.VMEM((CHUNK, HW), jnp.float32),
            pltpu.VMEM_SHARED((NPAD, HW), jnp.float32),
            pltpu.SemaphoreType.DMA,
        ],
    )
    def agg_kernel(hr_hbm, src_hbm, dst_hbm, zeros_hbm, out_hbm,
                   src_v, dst_v, rows0, rows1, acc, sem):
        c = lax.axis_index("c")
        s = lax.axis_index("s")
        pltpu.sync_copy(zeros_hbm, acc.at[pl.ds(s * ROWS_PER_SUB, ROWS_PER_SUB)])
        if col_split:
            pltpu.sync_copy(src_hbm.at[s], src_v)
        else:
            pltpu.sync_copy(src_hbm.at[c, s], src_v)
        pltpu.sync_copy(dst_hbm.at[s], dst_v)
        plsc.subcore_barrier()

        def issue(j, buf):
            idx = src_v.at[pl.ds(j * CHUNK, CHUNK)]
            if not col_split:
                pltpu.async_copy(hr_hbm.at[idx], buf, sem)
                return

            @pl.when(c == 0)
            def _():
                pltpu.async_copy(hr_hbm.at[idx, pl.ds(0, HW)], buf, sem)

            @pl.when(c == 1)
            def _():
                pltpu.async_copy(hr_hbm.at[idx, pl.ds(HW, HW)], buf, sem)

        def wait(j, buf):
            idx = src_v.at[pl.ds(j * CHUNK, CHUNK)]
            if col_split:
                pltpu.make_async_copy(
                    hr_hbm.at[idx, pl.ds(0, HW)], buf, sem).wait()
            else:
                pltpu.make_async_copy(hr_hbm.at[idx], buf, sem).wait()

        issue(0, rows0)

        def body(i, carry):
            ja = 2 * i
            issue(ja + 1, rows1)
            wait(ja, rows0)
            pltpu.sync_copy(rows0, acc.at[dst_v.at[ja]], add=True)

            @pl.when(i < NCHUNK // 2 - 1)
            def _():
                issue(ja + 2, rows0)

            wait(ja + 1, rows1)
            pltpu.sync_copy(rows1, acc.at[dst_v.at[ja + 1]], add=True)
            return carry

        lax.fori_loop(0, NCHUNK // 2, body, 0)
        plsc.subcore_barrier()
        pltpu.sync_copy(acc.at[pl.ds(s * ROWS_PER_SUB, ROWS_PER_SUB)],
                        out_hbm.at[c, pl.ds(s * ROWS_PER_SUB, ROWS_PER_SUB)])

    return agg_kernel(hr2, srcp, dstp, zeros)


def _tc_layer0(aggx, x, Wr0, Wroot, br, Wnextp):
    BLK = 1000
    d = x.shape[1]

    def k(agg_ref, x_ref, wr0_ref, wroot_ref, br_ref, wnext_ref,
          hnew_ref, hrn_ref):
        aggx = jnp.concatenate([agg_ref[0], agg_ref[1]], axis=1)
        rel = lax.dot_general(
            aggx, wr0_ref[...], (((1,), (1,)), ((), ())),
            preferred_element_type=jnp.float32)
        root = lax.dot_general(
            x_ref[...], wroot_ref[...], (((1,), (1,)), ((), ())),
            preferred_element_type=jnp.float32)
        hnew = jnp.maximum(rel + root + br_ref[...], 0.0)
        hnew_ref[...] = hnew
        r = lax.dot_general(
            hnew, wnext_ref[...], (((1,), (1,)), ((), ())),
            preferred_element_type=jnp.float32)
        hrn_ref[0] = r[:, :HW]
        hrn_ref[1] = r[:, HW:]

    return pl.pallas_call(
        k,
        grid=(N // BLK,),
        in_specs=[pl.BlockSpec((NSC, BLK, HW), lambda i: (0, i, 0)),
                  pl.BlockSpec((BLK, d), lambda i: (i, 0)),
                  pl.BlockSpec((H, d), lambda i: (0, 0)),
                  pl.BlockSpec((H, d), lambda i: (0, 0)),
                  pl.BlockSpec((1, H), lambda i: (0, 0)),
                  pl.BlockSpec((HP, H), lambda i: (0, 0))],
        out_specs=[pl.BlockSpec((BLK, H), lambda i: (i, 0)),
                   pl.BlockSpec((2, BLK, HW), lambda i: (0, i, 0))],
        out_shape=[jax.ShapeDtypeStruct((N, H), jnp.float32),
                   jax.ShapeDtypeStruct((2, N, HW), jnp.float32)],
    )(aggx, x, Wr0, Wroot, br, Wnextp)


def _tc_layer(aggs, h, Wroot, br, Wnextp):
    BLK = 1000
    d = h.shape[1]

    def k(agg_ref, h_ref, wroot_ref, br_ref, wnext_ref, hnew_ref, hrn_ref):
        agg = jnp.concatenate([agg_ref[0], agg_ref[1][:, :H - HW]], axis=1)
        root = lax.dot_general(
            h_ref[...], wroot_ref[...], (((1,), (1,)), ((), ())),
            preferred_element_type=jnp.float32)
        hnew = jnp.maximum(agg + root + br_ref[...], 0.0)
        hnew_ref[...] = hnew
        r = lax.dot_general(
            hnew, wnext_ref[...], (((1,), (1,)), ((), ())),
            preferred_element_type=jnp.float32)
        hrn_ref[0] = r[:, :HW]
        hrn_ref[1] = r[:, HW:]

    return pl.pallas_call(
        k,
        grid=(N // BLK,),
        in_specs=[pl.BlockSpec((NSC, BLK, HW), lambda i: (0, i, 0)),
                  pl.BlockSpec((BLK, d), lambda i: (i, 0)),
                  pl.BlockSpec((H, d), lambda i: (0, 0)),
                  pl.BlockSpec((1, H), lambda i: (0, 0)),
                  pl.BlockSpec((HP, H), lambda i: (0, 0))],
        out_specs=[pl.BlockSpec((BLK, H), lambda i: (i, 0)),
                   pl.BlockSpec((2, BLK, HW), lambda i: (0, i, 0))],
        out_shape=[jax.ShapeDtypeStruct((N, H), jnp.float32),
                   jax.ShapeDtypeStruct((2, N, HW), jnp.float32)],
    )(aggs, h, Wroot, br, Wnextp)


def _tc_final(aggs, h, Wroot, br, Wlin, blin):
    BLK = 1000
    d = h.shape[1]
    DO = Wlin.shape[0]

    def k(agg_ref, h_ref, wroot_ref, br_ref, wlin_ref, blin_ref, o_ref):
        agg = jnp.concatenate([agg_ref[0], agg_ref[1][:, :H - HW]], axis=1)
        root = lax.dot_general(
            h_ref[...], wroot_ref[...], (((1,), (1,)), ((), ())),
            preferred_element_type=jnp.float32)
        hnew = jnp.maximum(agg + root + br_ref[...], 0.0)
        o_ref[...] = lax.dot_general(
            hnew, wlin_ref[...], (((1,), (1,)), ((), ())),
            preferred_element_type=jnp.float32) + blin_ref[...]

    return pl.pallas_call(
        k,
        grid=(N // BLK,),
        in_specs=[pl.BlockSpec((NSC, BLK, HW), lambda i: (0, i, 0)),
                  pl.BlockSpec((BLK, d), lambda i: (i, 0)),
                  pl.BlockSpec((H, d), lambda i: (0, 0)),
                  pl.BlockSpec((1, H), lambda i: (0, 0)),
                  pl.BlockSpec((DO, H), lambda i: (0, 0)),
                  pl.BlockSpec((1, DO), lambda i: (0, 0))],
        out_specs=pl.BlockSpec((BLK, DO), lambda i: (i, 0)),
        out_shape=jax.ShapeDtypeStruct((N, DO), jnp.float32),
    )(aggs, h, Wroot, br, Wlin, blin)


def _pad_w(Wr):
    return jnp.pad(Wr, ((0, HP - H), (0, 0)))


def kernel(x, edge_index, W_rel0, b_rel0, W_root0, W_rel1, b_rel1, W_root1,
           W_rel2, b_rel2, W_root2, W_lin, b_lin):
    src = edge_index[0]
    dst = edge_index[1]
    pad = EPT_PAD * NSUB - E
    src0 = jnp.pad(src, (0, pad), constant_values=0
                   ).reshape(NSUB, EPT_PAD)
    srcp = jnp.stack([src0, src0 + N])
    dstp = jnp.pad(dst, (0, pad), constant_values=N
                   ).reshape(NSUB, NCHUNK, CHUNK)
    zeros = jnp.zeros((ROWS_PER_SUB, HW), jnp.float32)

    def agg(hr):
        return _sc_aggregate(hr.reshape(2 * N, HW), srcp, dstp, zeros,
                             col_split=False)

    agg0 = _sc_aggregate(x, src0, dstp, zeros, col_split=True)
    h1, hr1 = _tc_layer0(agg0, x, W_rel0, W_root0, b_rel0.reshape(1, -1),
                         _pad_w(W_rel1))
    agg1 = agg(hr1)
    h2, hr2 = _tc_layer(agg1, h1, W_root1, b_rel1.reshape(1, -1),
                        _pad_w(W_rel2))
    agg2 = agg(hr2)
    return _tc_final(agg2, h2, W_root2, b_rel2.reshape(1, -1),
                     W_lin, b_lin.reshape(1, -1))

# --- scband reference (transcript-rebuilt; emitter-appended) ---
"""Pipeline reference for scband-graph-conv-model-10977936408636 (READ-ONLY COPY).

The authoritative reference and input builder live on the scoring server;
editing this copy changes nothing except your own understanding.
"""

import jax, jax.numpy as jnp
import numpy as np

N = 10000
E = 160000
D_IN = 256
HIDDEN = [192, 192, 192]
D_OUT = 256


def setup_inputs(seed: int = 0) -> dict:
    key = jax.random.key(seed)
    ks = jax.random.split(key, 20)
    inp = {}
    inp["x"] = jax.random.normal(ks[0], (N, D_IN), dtype=jnp.float32)
    inp["edge_index"] = jax.random.randint(ks[1], (2, E), 0, N, dtype=jnp.int32)
    # GraphConv layer params: lin_rel (weight+bias), lin_root (weight only, bias=False)
    d_prev = D_IN
    ki = 2
    for i, h in enumerate(HIDDEN):
        s = 1.0 / np.sqrt(d_prev)
        inp[f"W_rel{i}"] = jax.random.normal(ks[ki], (h, d_prev), dtype=jnp.float32) * s; ki += 1
        inp[f"b_rel{i}"] = jax.random.normal(ks[ki], (h,), dtype=jnp.float32) * s; ki += 1
        inp[f"W_root{i}"] = jax.random.normal(ks[ki], (h, d_prev), dtype=jnp.float32) * s; ki += 1
        d_prev = h
    s = 1.0 / np.sqrt(d_prev)
    inp["W_lin"] = jax.random.normal(ks[ki], (D_OUT, d_prev), dtype=jnp.float32) * s; ki += 1
    inp["b_lin"] = jax.random.normal(ks[ki], (D_OUT,), dtype=jnp.float32) * s
    return inp


def reference(x, edge_index, W_rel0, b_rel0, W_root0, W_rel1, b_rel1, W_root1, W_rel2, b_rel2, W_root2, W_lin, b_lin):
    # PyG GraphConv (aggr='add'): out = lin_rel(sum_j x_j) + lin_root(x)
    src = edge_index[0]
    dst = edge_index[1]
    h = x
    params = ((W_rel0, b_rel0, W_root0), (W_rel1, b_rel1, W_root1), (W_rel2, b_rel2, W_root2))
    for Wr, br, Wroot in params:
        msg = jnp.take(h, src, axis=0)                      # gather x_j
        agg = jax.ops.segment_sum(msg, dst, num_segments=N)  # scatter-add to dst
        h = agg @ Wr.T + br + h @ Wroot.T
        h = jax.nn.relu(h)
    return h @ W_lin.T + b_lin

if __name__ == "__main__":
    import jax
    _d = setup_inputs()
    print(jax.jit(kernel)(*tuple(_d.values())))

</pallas_src>

<mosaic_0001>
#map = affine_map<(d0, d1) -> (0, 0)>
#map1 = affine_map<(d0, d1) -> (0, 0, 0)>
module attributes {stable_mosaic.version = 14 : i64} {
  func.func @agg_kernel(%arg0: i32, %arg1: i32, %arg2: memref<10000x256xf32, #tpu.memory_space<hbm>>, %arg3: memref<16x10176xi32, #tpu.memory_space<hbm>>, %arg4: memref<16x106x96xi32, #tpu.memory_space<hbm>>, %arg5: memref<632x128xf32, #tpu.memory_space<hbm>>, %arg6: memref<2x10112x128xf32, #tpu.memory_space<hbm>>, %arg7: memref<10176xi32, #tpu.memory_space<vmem>>, %arg8: memref<106x96xi32, #tpu.memory_space<vmem>>, %arg9: memref<96x128xf32, #tpu.memory_space<vmem>>, %arg10: memref<96x128xf32, #tpu.memory_space<vmem>>, %arg11: memref<10112x128xf32, #tpu.memory_space<vmem_shared>>, %arg12: memref<!tpu.dma_semaphore, #tpu.memory_space<semaphore_mem>>) attributes {dimension_semantics = [#tpu.dimension_semantics<core_parallel>, #tpu.dimension_semantics<subcore_parallel>], iteration_bounds = array<i64: 2, 16>, scalar_prefetch = 0 : i64, scratch_operands = 6 : i64, tpu.core_type = #tpu.core_type<sc_vector_subcore>, window_params = [{transform_indices = #map}, {transform_indices = #map}, {transform_indices = #map1}, {transform_indices = #map}, {transform_indices = #map1}]} {
    %mul3A = arith.constant 632 : i32
    %mul3A_0 = arith.muli %arg1, %mul3A : i32
    "tpu.region"() ({
      %run_scoped3A = tpu.sem_alloc : memref<!tpu.dma_semaphore, #tpu.memory_space<semaphore_mem>>
      %dma_start3A = arith.constant 0 : i32
      %dma_start3A_18 = tpu.memref_slice %arg11[%mul3A_0, %dma_start3A] : memref<10112x128xf32, #tpu.memory_space<vmem_shared>> -> memref<632x128xf32, #tpu.memory_space<vmem_shared>>
      tpu.enqueue_dma source(%arg5 : memref<632x128xf32, #tpu.memory_space<hbm>>) target(%dma_start3A_18 : memref<632x128xf32, #tpu.memory_space<vmem_shared>>) target_semaphore(%run_scoped3A : memref<!tpu.dma_semaphore, #tpu.memory_space<semaphore_mem>>)
      %dma_wait3A = arith.constant 0 : i32
      %dma_wait3A_19 = tpu.memref_slice %arg11[%mul3A_0, %dma_wait3A] : memref<10112x128xf32, #tpu.memory_space<vmem_shared>> -> memref<632x128xf32, #tpu.memory_space<vmem_shared>>
      tpu.wait_dma2 semaphore(%run_scoped3A : memref<!tpu.dma_semaphore, #tpu.memory_space<semaphore_mem>>) src(%arg5 : memref<632x128xf32, #tpu.memory_space<hbm>>) dst(%dma_wait3A_19 : memref<632x128xf32, #tpu.memory_space<vmem_shared>>)
      tpu.yield
    }) : () -> ()
    "tpu.region"() ({
      %run_scoped3A = tpu.sem_alloc : memref<!tpu.dma_semaphore, #tpu.memory_space<semaphore_mem>>
      %dma_start3A = arith.constant 0 : i32
      %dma_start3A_18 = tpu.memref_slice %arg3[%arg1, %dma_start3A] : memref<16x10176xi32, #tpu.memory_space<hbm>> -> memref<1x10176xi32, #tpu.memory_space<hbm>>
      %dma_start3A_19 = tpu.memref_squeeze %dma_start3A_18 : memref<1x10176xi32, #tpu.memory_space<hbm>> -> memref<10176xi32, #tpu.memory_space<hbm>>
      %dma_start3A_20 = arith.constant 0 : i32
      %dma_start3A_21 = tpu.memref_slice %arg3[%arg1, %dma_start3A_20] : memref<16x10176xi32, #tpu.memory_space<hbm>> -> memref<1x10176xi32, #tpu.memory_space<hbm>>
      %dma_start3A_22 = tpu.memref_squeeze %dma_start3A_21 : memref<1x10176xi32, #tpu.memory_space<hbm>> -> memref<10176xi32, #tpu.memory_space<hbm>>
      tpu.enqueue_dma source(%dma_start3A_22 : memref<10176xi32, #tpu.memory_space<hbm>>) target(%arg7 : memref<10176xi32, #tpu.memory_space<vmem>>) target_semaphore(%run_scoped3A : memref<!tpu.dma_semaphore, #tpu.memory_space<semaphore_mem>>)
      %dma_wait3A = arith.constant 0 : i32
      %dma_wait3A_23 = tpu.memref_slice %arg3[%arg1, %dma_wait3A] : memref<16x10176xi32, #tpu.memory_space<hbm>> -> memref<1x10176xi32, #tpu.memory_space<hbm>>
      %dma_wait3A_24 = tpu.memref_squeeze %dma_wait3A_23 : memref<1x10176xi32, #tpu.memory_space<hbm>> -> memref<10176xi32, #tpu.memory_space<hbm>>
      %dma_wait3A_25 = arith.constant 0 : i32
      %dma_wait3A_26 = tpu.memref_slice %arg3[%arg1, %dma_wait3A_25] : memref<16x10176xi32, #tpu.memory_space<hbm>> -> memref<1x10176xi32, #tpu.memory_space<hbm>>
      %dma_wait3A_27 = tpu.memref_squeeze %dma_wait3A_26 : memref<1x10176xi32, #tpu.memory_space<hbm>> -> memref<10176xi32, #tpu.memory_space<hbm>>
      tpu.wait_dma2 semaphore(%run_scoped3A : memref<!tpu.dma_semaphore, #tpu.memory_space<semaphore_mem>>) src(%dma_wait3A_27 : memref<10176xi32, #tpu.memory_space<hbm>>) dst(%arg7 : memref<10176xi32, #tpu.memory_space<vmem>>)
      tpu.yield
    }) : () -> ()
    "tpu.region"() ({
      %run_scoped3A = tpu.sem_alloc : memref<!tpu.dma_semaphore, #tpu.memory_space<semaphore_mem>>
      %dma_start3A = arith.constant 0 : i32
      %dma_start3A_18 = arith.constant 0 : i32
      %dma_start3A_19 = tpu.memref_slice %arg4[%arg1, %dma_start3A, %dma_start3A_18] : memref<16x106x96xi32, #tpu.memory_space<hbm>> -> memref<1x106x96xi32, #tpu.memory_space<hbm>>
      %dma_start3A_20 = tpu.memref_squeeze %dma_start3A_19 : memref<1x106x96xi32, #tpu.memory_space<hbm>> -> memref<106x96xi32, #tpu.memory_space<hbm>>
      %dma_start3A_21 = arith.constant 0 : i32
      %dma_start3A_22 = arith.constant 0 : i32
      %dma_start3A_23 = tpu.memref_slice %arg4[%arg1, %dma_start3A_21, %dma_start3A_22] : memref<16x106x96xi32, #tpu.memory_space<hbm>> -> memref<1x106x96xi32, #tpu.memory_space<hbm>>
      %dma_start3A_24 = tpu.memref_squeeze %dma_start3A_23 : memref<1x106x96xi32, #tpu.memory_space<hbm>> -> memref<106x96xi32, #tpu.memory_space<hbm>>
      tpu.enqueue_dma source(%dma_start3A_24 : memref<106x96xi32, #tpu.memory_space<hbm>>) target(%arg8 : memref<106x96xi32, #tpu.memory_space<vmem>>) target_semaphore(%run_scoped3A : memref<!tpu.dma_semaphore, #tpu.memory_space<semaphore_mem>>)
      %dma_wait3A = arith.constant 0 : i32
      %dma_wait3A_25 = arith.constant 0 : i32
      %dma_wait3A_26 = tpu.memref_slice %arg4[%arg1, %dma_wait3A, %dma_wait3A_25] : memref<16x106x96xi32, #tpu.memory_space<hbm>> -> memref<1x106x96xi32, #tpu.memory_space<hbm>>
      %dma_wait3A_27 = tpu.memref_squeeze %dma_wait3A_26 : memref<1x106x96xi32, #tpu.memory_space<hbm>> -> memref<106x96xi32, #tpu.memory_space<hbm>>
      %dma_wait3A_28 = arith.constant 0 : i32
      %dma_wait3A_29 = arith.constant 0 : i32
      %dma_wait3A_30 = tpu.memref_slice %arg4[%arg1, %dma_wait3A_28, %dma_wait3A_29] : memref<16x106x96xi32, #tpu.memory_space<hbm>> -> memref<1x106x96xi32, #tpu.memory_space<hbm>>
      %dma_wait3A_31 = tpu.memref_squeeze %dma_wait3A_30 : memref<1x106x96xi32, #tpu.memory_space<hbm>> -> memref<106x96xi32, #tpu.memory_space<hbm>>
      tpu.wait_dma2 semaphore(%run_scoped3A : memref<!tpu.dma_semaphore, #tpu.memory_space<semaphore_mem>>) src(%dma_wait3A_31 : memref<106x96xi32, #tpu.memory_space<hbm>>) dst(%arg8 : memref<106x96xi32, #tpu.memory_space<vmem>>)
      tpu.yield
    }) : () -> ()
    %barrier3A = arith.constant 0 : index
    tpu.barrier barrier_id(%barrier3A)
    %eq3A = arith.constant 0 : i32
    %eq3A_1 = arith.cmpi eq, %arg0, %eq3A : i32
    %convert_element_type3A = arith.extui %eq3A_1 : i1 to i32
    %cond3A = arith.constant 0 : i32
    %cond3A_2 = arith.cmpi ne, %convert_element_type3A, %cond3A : i32
    scf.if %cond3A_2 {
      %dma_start3A = arith.constant 0 : i32
      %dma_start3A_18 = tpu.memref_slice %arg7[%dma_start3A] : memref<10176xi32, #tpu.memory_space<vmem>> -> memref<96xi32, #tpu.memory_space<vmem>>
      %dma_start3A_19 = arith.constant 0 : i32
      %dma_start3A_20 = arith.constant 0 : i32
      %dma_start3A_21 = tpu.memref_slice %arg2[%dma_start3A_19, %dma_start3A_20] : memref<10000x256xf32, #tpu.memory_space<hbm>> -> memref<10000x128xf32, #tpu.memory_space<hbm>>
      tpu.enqueue_indirect_dma source(%dma_start3A_21 : memref<10000x128xf32, #tpu.memory_space<hbm>>) target(%arg9 : memref<96x128xf32, #tpu.memory_space<vmem>>) offsets(%dma_start3A_18 : memref<96xi32, #tpu.memory_space<vmem>>) semaphore(%arg12 : memref<!tpu.dma_semaphore, #tpu.memory_space<semaphore_mem>>)
    } else {
    }
    %eq3A_3 = arith.constant 1 : i32
    %eq3A_4 = arith.cmpi eq, %arg0, %eq3A_3 : i32
    %convert_element_type3A_5 = arith.extui %eq3A_4 : i1 to i32
    %cond3A_6 = arith.constant 0 : i32
    %cond3A_7 = arith.cmpi ne, %convert_element_type3A_5, %cond3A_6 : i32
    scf.if %cond3A_7 {
      %dma_start3A = arith.constant 0 : i32
      %dma_start3A_18 = tpu.memref_slice %arg7[%dma_start3A] : memref<10176xi32, #tpu.memory_space<vmem>> -> memref<96xi32, #tpu.memory_space<vmem>>
      %dma_start3A_19 = arith.constant 0 : i32
      %dma_start3A_20 = arith.constant 128 : i32
      %dma_start3A_21 = tpu.memref_slice %arg2[%dma_start3A_19, %dma_start3A_20] : memref<10000x256xf32, #tpu.memory_space<hbm>> -> memref<10000x128xf32, #tpu.memory_space<hbm>>
      tpu.enqueue_indirect_dma source(%dma_start3A_21 : memref<10000x128xf32, #tpu.memory_space<hbm>>) target(%arg9 : memref<96x128xf32, #tpu.memory_space<vmem>>) offsets(%dma_start3A_18 : memref<96xi32, #tpu.memory_space<vmem>>) semaphore(%arg12 : memref<!tpu.dma_semaphore, #tpu.memory_space<semaphore_mem>>)
    } else {
    }
    %scan3A = arith.constant 0 : i32
    %scan3A_8 = arith.constant 0 : i32
    %scan3A_9 = arith.constant 53 : i32
    %scan3A_10 = arith.addi %scan3A_8, %scan3A_9 : i32
    %scan3A_11 = arith.constant 1 : i32
    scf.for %scan3A_18 = %scan3A_8 to %scan3A_10 step %scan3A_11  : i32 {
      %mul3A_19 = arith.constant 2 : i32
      %mul3A_20 = arith.muli %mul3A_19, %scan3A_18 : i32
      %add3A = arith.constant 1 : i32
      %add3A_21 = arith.addi %mul3A_20, %add3A : i32
      %mul3A_22 = arith.constant 96 : i32
      %mul3A_23 = arith.muli %add3A_21, %mul3A_22 : i32
      %eq3A_24 = arith.constant 0 : i32
      %eq3A_25 = arith.cmpi eq, %arg0, %eq3A_24 : i32
      %convert_element_type3A_26 = arith.extui %eq3A_25 : i1 to i32
      %cond3A_27 = arith.constant 0 : i32
      %cond3A_28 = arith.cmpi ne, %convert_element_type3A_26, %cond3A_27 : i32
      scf.if %cond3A_28 {
        %dma_start3A = tpu.memref_slice %arg7[%mul3A_23] : memref<10176xi32, #tpu.memory_space<vmem>> -> memref<96xi32, #tpu.memory_space<vmem>>
        %dma_start3A_53 = arith.constant 0 : i32
        %dma_start3A_54 = arith.constant 0 : i32
        %dma_start3A_55 = tpu.memref_slice %arg2[%dma_start3A_53, %dma_start3A_54] : memref<10000x256xf32, #tpu.memory_space<hbm>> -> memref<10000x128xf32, #tpu.memory_space<hbm>>
        tpu.enqueue_indirect_dma source(%dma_start3A_55 : memref<10000x128xf32, #tpu.memory_space<hbm>>) target(%arg10 : memref<96x128xf32, #tpu.memory_space<vmem>>) offsets(%dma_start3A : memref<96xi32, #tpu.memory_space<vmem>>) semaphore(%arg12 : memref<!tpu.dma_semaphore, #tpu.memory_space<semaphore_mem>>)
      } else {
      }
      %eq3A_29 = arith.constant 1 : i32
      %eq3A_30 = arith.cmpi eq, %arg0, %eq3A_29 : i32
      %convert_element_type3A_31 = arith.extui %eq3A_30 : i1 to i32
      %cond3A_32 = arith.constant 0 : i32
      %cond3A_33 = arith.cmpi ne, %convert_element_type3A_31, %cond3A_32 : i32
      scf.if %cond3A_33 {
        %dma_start3A = tpu.memref_slice %arg7[%mul3A_23] : memref<10176xi32, #tpu.memory_space<vmem>> -> memref<96xi32, #tpu.memory_space<vmem>>
        %dma_start3A_53 = arith.constant 0 : i32
        %dma_start3A_54 = arith.constant 128 : i32
        %dma_start3A_55 = tpu.memref_slice %arg2[%dma_start3A_53, %dma_start3A_54] : memref<10000x256xf32, #tpu.memory_space<hbm>> -> memref<10000x128xf32, #tpu.memory_space<hbm>>
        tpu.enqueue_indirect_dma source(%dma_start3A_55 : memref<10000x128xf32, #tpu.memory_space<hbm>>) target(%arg10 : memref<96x128xf32, #tpu.memory_space<vmem>>) offsets(%dma_start3A : memref<96xi32, #tpu.memory_space<vmem>>) semaphore(%arg12 : memref<!tpu.dma_semaphore, #tpu.memory_space<semaphore_mem>>)
      } else {
      }
      %mul3A_34 = arith.constant 96 : i32
      %mul3A_35 = arith.muli %mul3A_20, %mul3A_34 : i32
      %dma_wait3A = tpu.memref_slice %arg7[%mul3A_35] : memref<10176xi32, #tpu.memory_space<vmem>> -> memref<96xi32, #tpu.memory_space<vmem>>
      %dma_wait3A_36 = arith.constant 0 : i32
      %dma_wait3A_37 = arith.constant 0 : i32
      %dma_wait3A_38 = tpu.memref_slice %arg2[%dma_wait3A_36, %dma_wait3A_37] : memref<10000x256xf32, #tpu.memory_space<hbm>> -> memref<10000x128xf32, #tpu.memory_space<hbm>>
      tpu.wait_indirect_dma semaphore(%arg12 : memref<!tpu.dma_semaphore, #tpu.memory_space<semaphore_mem>>) src(%dma_wait3A_38 : memref<10000x128xf32, #tpu.memory_space<hbm>>) dst(%arg9 : memref<96x128xf32, #tpu.memory_space<vmem>>)
      "tpu.region"() ({
        %run_scoped3A = tpu.sem_alloc : memref<!tpu.dma_semaphore, #tpu.memory_space<semaphore_mem>>
        %dma_start3A = arith.constant 0 : i32
        %dma_start3A_53 = tpu.memref_slice %arg8[%mul3A_20, %dma_start3A] : memref<106x96xi32, #tpu.memory_space<vmem>> -> memref<1x96xi32, #tpu.memory_space<vmem>>
        %dma_start3A_54 = tpu.memref_squeeze %dma_start3A_53 : memref<1x96xi32, #tpu.memory_space<vmem>> -> memref<96xi32, #tpu.memory_space<vmem>>
        %dma_start3A_55 = arith.constant 0 : i32
        %dma_start3A_56 = arith.constant 0 : i32
        %dma_start3A_57 = tpu.memref_slice %arg11[%dma_start3A_55, %dma_start3A_56] : memref<10112x128xf32, #tpu.memory_space<vmem_shared>> -> memref<10112x128xf32, #tpu.memory_space<vmem_shared>>
        tpu.enqueue_indirect_dma source(%arg9 : memref<96x128xf32, #tpu.memory_space<vmem>>) target(%dma_start3A_57 : memref<10112x128xf32, #tpu.memory_space<vmem_shared>>) offsets(%dma_start3A_54 : memref<96xi32, #tpu.memory_space<vmem>>) semaphore(%run_scoped3A : memref<!tpu.dma_semaphore, #tpu.memory_space<semaphore_mem>>) {add = true}
        %dma_wait3A_58 = arith.constant 0 : i32
        %dma_wait3A_59 = tpu.memref_slice %arg8[%mul3A_20, %dma_wait3A_58] : memref<106x96xi32, #tpu.memory_space<vmem>> -> memref<1x96xi32, #tpu.memory_space<vmem>>
        %dma_wait3A_60 = tpu.memref_squeeze %dma_wait3A_59 : memref<1x96xi32, #tpu.memory_space<vmem>> -> memref<96xi32, #tpu.memory_space<vmem>>
        %dma_wait3A_61 = arith.constant 0 : i32
        %dma_wait3A_62 = arith.constant 0 : i32
        %dma_wait3A_63 = tpu.memref_slice %arg11[%dma_wait3A_61, %dma_wait3A_62] : memref<10112x128xf32, #tpu.memory_space<vmem_shared>> -> memref<10112x128xf32, #tpu.memory_space<vmem_shared>>
        tpu.wait_indirect_dma semaphore(%run_scoped3A : memref<!tpu.dma_semaphore, #tpu.memory_space<semaphore_mem>>) src(%arg9 : memref<96x128xf32, #tpu.memory_space<vmem>>) dst(%dma_wait3A_63 : memref<10112x128xf32, #tpu.memory_space<vmem_shared>>)
        tpu.yield
      }) : () -> ()
      %lt3A = arith.constant 52 : i32
      %lt3A_39 = arith.cmpi slt, %scan3A_18, %lt3A : i32
      %convert_element_type3A_40 = arith.extui %lt3A_39 : i1 to i32
      %cond3A_41 = arith.constant 0 : i32
      %cond3A_42 = arith.cmpi ne, %convert_element_type3A_40, %cond3A_41 : i32
      scf.if %cond3A_42 {
        %add3A_53 = arith.constant 2 : i32
        %add3A_54 = arith.addi %mul3A_20, %add3A_53 : i32
        %mul3A_55 = arith.constant 96 : i32
        %mul3A_56 = arith.muli %add3A_54, %mul3A_55 : i32
        %eq3A_57 = arith.constant 0 : i32
        %eq3A_58 = arith.cmpi eq, %arg0, %eq3A_57 : i32
        %convert_element_type3A_59 = arith.extui %eq3A_58 : i1 to i32
        %cond3A_60 = arith.constant 0 : i32
        %cond3A_61 = arith.cmpi ne, %convert_element_type3A_59, %cond3A_60 : i32
        scf.if %cond3A_61 {
          %dma_start3A = tpu.memref_slice %arg7[%mul3A_56] : memref<10176xi32, #tpu.memory_space<vmem>> -> memref<96xi32, #tpu.memory_space<vmem>>
          %dma_start3A_67 = arith.constant 0 : i32
          %dma_start3A_68 = arith.constant 0 : i32
          %dma_start3A_69 = tpu.memref_slice %arg2[%dma_start3A_67, %dma_start3A_68] : memref<10000x256xf32, #tpu.memory_space<hbm>> -> memref<10000x128xf32, #tpu.memory_space<hbm>>
          tpu.enqueue_indirect_dma source(%dma_start3A_69 : memref<10000x128xf32, #tpu.memory_space<hbm>>) target(%arg9 : memref<96x128xf32, #tpu.memory_space<vmem>>) offsets(%dma_start3A : memref<96xi32, #tpu.memory_space<vmem>>) semaphore(%arg12 : memref<!tpu.dma_semaphore, #tpu.memory_space<semaphore_mem>>)
        } else {
        }
        %eq3A_62 = arith.constant 1 : i32
        %eq3A_63 = arith.cmpi eq, %arg0, %eq3A_62 : i32
        %convert_element_type3A_64 = arith.extui %eq3A_63 : i1 to i32
        %cond3A_65 = arith.constant 0 : i32
        %cond3A_66 = arith.cmpi ne, %convert_element_type3A_64, %cond3A_65 : i32
        scf.if %cond3A_66 {
          %dma_start3A = tpu.memref_slice %arg7[%mul3A_56] : memref<10176xi32, #tpu.memory_space<vmem>> -> memref<96xi32, #tpu.memory_space<vmem>>
          %dma_start3A_67 = arith.constant 0 : i32
          %dma_start3A_68 = arith.constant 128 : i32
          %dma_start3A_69 = tpu.memref_slice %arg2[%dma_start3A_67, %dma_start3A_68] : memref<10000x256xf32, #tpu.memory_space<hbm>> -> memref<10000x128xf32, #tpu.memory_space<hbm>>
          tpu.enqueue_indirect_dma source(%dma_start3A_69 : memref<10000x128xf32, #tpu.memory_space<hbm>>) target(%arg9 : memref<96x128xf32, #tpu.memory_space<vmem>>) offsets(%dma_start3A : memref<96xi32, #tpu.memory_space<vmem>>) semaphore(%arg12 : memref<!tpu.dma_semaphore, #tpu.memory_space<semaphore_mem>>)
        } else {
        }
      } else {
      }
      %add3A_43 = arith.constant 1 : i32
      %add3A_44 = arith.addi %mul3A_20, %add3A_43 : i32
      %mul3A_45 = arith.constant 96 : i32
      %mul3A_46 = arith.muli %add3A_44, %mul3A_45 : i32
      %dma_wait3A_47 = tpu.memref_slice %arg7[%mul3A_46] : memref<10176xi32, #tpu.memory_space<vmem>> -> memref<96xi32, #tpu.memory_space<vmem>>
      %dma_wait3A_48 = arith.constant 0 : i32
      %dma_wait3A_49 = arith.constant 0 : i32
      %dma_wait3A_50 = tpu.memref_slice %arg2[%dma_wait3A_48, %dma_wait3A_49] : memref<10000x256xf32, #tpu.memory_space<hbm>> -> memref<10000x128xf32, #tpu.memory_space<hbm>>
      tpu.wait_indirect_dma semaphore(%arg12 : memref<!tpu.dma_semaphore, #tpu.memory_space<semaphore_mem>>) src(%dma_wait3A_50 : memref<10000x128xf32, #tpu.memory_space<hbm>>) dst(%arg10 : memref<96x128xf32, #tpu.memory_space<vmem>>)
      %add3A_51 = arith.constant 1 : i32
      %add3A_52 = arith.addi %mul3A_20, %add3A_51 : i32
      "tpu.region"() ({
        %run_scoped3A = tpu.sem_alloc : memref<!tpu.dma_semaphore, #tpu.memory_space<semaphore_mem>>
        %dma_start3A = arith.constant 0 : i32
        %dma_start3A_53 = tpu.memref_slice %arg8[%add3A_52, %dma_start3A] : memref<106x96xi32, #tpu.memory_space<vmem>> -> memref<1x96xi32, #tpu.memory_space<vmem>>
        %dma_start3A_54 = tpu.memref_squeeze %dma_start3A_53 : memref<1x96xi32, #tpu.memory_space<vmem>> -> memref<96xi32, #tpu.memory_space<vmem>>
        %dma_start3A_55 = arith.constant 0 : i32
        %dma_start3A_56 = arith.constant 0 : i32
        %dma_start3A_57 = tpu.memref_slice %arg11[%dma_start3A_55, %dma_start3A_56] : memref<10112x128xf32, #tpu.memory_space<vmem_shared>> -> memref<10112x128xf32, #tpu.memory_space<vmem_shared>>
        tpu.enqueue_indirect_dma source(%arg10 : memref<96x128xf32, #tpu.memory_space<vmem>>) target(%dma_start3A_57 : memref<10112x128xf32, #tpu.memory_space<vmem_shared>>) offsets(%dma_start3A_54 : memref<96xi32, #tpu.memory_space<vmem>>) semaphore(%run_scoped3A : memref<!tpu.dma_semaphore, #tpu.memory_space<semaphore_mem>>) {add = true}
        %dma_wait3A_58 = arith.constant 0 : i32
        %dma_wait3A_59 = tpu.memref_slice %arg8[%add3A_52, %dma_wait3A_58] : memref<106x96xi32, #tpu.memory_space<vmem>> -> memref<1x96xi32, #tpu.memory_space<vmem>>
        %dma_wait3A_60 = tpu.memref_squeeze %dma_wait3A_59 : memref<1x96xi32, #tpu.memory_space<vmem>> -> memref<96xi32, #tpu.memory_space<vmem>>
        %dma_wait3A_61 = arith.constant 0 : i32
        %dma_wait3A_62 = arith.constant 0 : i32
        %dma_wait3A_63 = tpu.memref_slice %arg11[%dma_wait3A_61, %dma_wait3A_62] : memref<10112x128xf32, #tpu.memory_space<vmem_shared>> -> memref<10112x128xf32, #tpu.memory_space<vmem_shared>>
        tpu.wait_indirect_dma semaphore(%run_scoped3A : memref<!tpu.dma_semaphore, #tpu.memory_space<semaphore_mem>>) src(%arg10 : memref<96x128xf32, #tpu.memory_space<vmem>>) dst(%dma_wait3A_63 : memref<10112x128xf32, #tpu.memory_space<vmem_shared>>)
        tpu.yield
      }) : () -> ()
    }
    %scan3A_12 = arith.constant 53 : i32
    %barrier3A_13 = arith.constant 0 : index
    tpu.barrier barrier_id(%barrier3A_13)
    %mul3A_14 = arith.constant 632 : i32
    %mul3A_15 = arith.muli %arg1, %mul3A_14 : i32
    %mul3A_16 = arith.constant 632 : i32
    %mul3A_17 = arith.muli %arg1, %mul3A_16 : i32
    "tpu.region"() ({
      %run_scoped3A = tpu.sem_alloc : memref<!tpu.dma_semaphore, #tpu.memory_space<semaphore_mem>>
      %dma_start3A = arith.constant 0 : i32
      %dma_start3A_18 = tpu.memref_slice %arg6[%arg0, %mul3A_17, %dma_start3A] : memref<2x10112x128xf32, #tpu.memory_space<hbm>> -> memref<1x632x128xf32, #tpu.memory_space<hbm>>
      %dma_start3A_19 = tpu.memref_squeeze %dma_start3A_18 : memref<1x632x128xf32, #tpu.memory_space<hbm>> -> memref<632x128xf32, #tpu.memory_space<hbm>>
      %dma_start3A_20 = arith.constant 0 : i32
      %dma_start3A_21 = tpu.memref_slice %arg11[%mul3A_15, %dma_start3A_20] : memref<10112x128xf32, #tpu.memory_space<vmem_shared>> -> memref<632x128xf32, #tpu.memory_space<vmem_shared>>
      tpu.enqueue_dma source(%dma_start3A_21 : memref<632x128xf32, #tpu.memory_space<vmem_shared>>) target(%dma_start3A_19 : memref<632x128xf32, #tpu.memory_space<hbm>>) target_semaphore(%run_scoped3A : memref<!tpu.dma_semaphore, #tpu.memory_space<semaphore_mem>>)
      %dma_wait3A = arith.constant 0 : i32
      %dma_wait3A_22 = tpu.memref_slice %arg6[%arg0, %mul3A_17, %dma_wait3A] : memref<2x10112x128xf32, #tpu.memory_space<hbm>> -> memref<1x632x128xf32, #tpu.memory_space<hbm>>
      %dma_wait3A_23 = tpu.memref_squeeze %dma_wait3A_22 : memref<1x632x128xf32, #tpu.memory_space<hbm>> -> memref<632x128xf32, #tpu.memory_space<hbm>>
      %dma_wait3A_24 = arith.constant 0 : i32
      %dma_wait3A_25 = tpu.memref_slice %arg11[%mul3A_15, %dma_wait3A_24] : memref<10112x128xf32, #tpu.memory_space<vmem_shared>> -> memref<632x128xf32, #tpu.memory_space<vmem_shared>>
      tpu.wait_dma2 semaphore(%run_scoped3A : memref<!tpu.dma_semaphore, #tpu.memory_space<semaphore_mem>>) src(%dma_wait3A_25 : memref<632x128xf32, #tpu.memory_space<vmem_shared>>) dst(%dma_wait3A_23 : memref<632x128xf32, #tpu.memory_space<hbm>>)
      tpu.yield
    }) : () -> ()
    return
  }
}

#map = affine_map<(d0, d1) -> (0, 0)>
#map1 = affine_map<(d0, d1) -> (0, 0, 0)>
module attributes {stable_mosaic.version = 14 : i64} {
  func.func @agg_kernel(%arg0: i32, %arg1: i32, %arg2: memref<20000x128xf32, #tpu.memory_space<hbm>>, %arg3: memref<2x16x10176xi32, #tpu.memory_space<hbm>>, %arg4: memref<16x106x96xi32, #tpu.memory_space<hbm>>, %arg5: memref<632x128xf32, #tpu.memory_space<hbm>>, %arg6: memref<2x10112x128xf32, #tpu.memory_space<hbm>>, %arg7: memref<10176xi32, #tpu.memory_space<vmem>>, %arg8: memref<106x96xi32, #tpu.memory_space<vmem>>, %arg9: memref<96x128xf32, #tpu.memory_space<vmem>>, %arg10: memref<96x128xf32, #tpu.memory_space<vmem>>, %arg11: memref<10112x128xf32, #tpu.memory_space<vmem_shared>>, %arg12: memref<!tpu.dma_semaphore, #tpu.memory_space<semaphore_mem>>) attributes {dimension_semantics = [#tpu.dimension_semantics<core_parallel>, #tpu.dimension_semantics<subcore_parallel>], iteration_bounds = array<i64: 2, 16>, scalar_prefetch = 0 : i64, scratch_operands = 6 : i64, tpu.core_type = #tpu.core_type<sc_vector_subcore>, window_params = [{transform_indices = #map}, {transform_indices = #map1}, {transform_indices = #map1}, {transform_indices = #map}, {transform_indices = #map1}]} {
    %mul3A = arith.constant 632 : i32
    %mul3A_0 = arith.muli %arg1, %mul3A : i32
    "tpu.region"() ({
      %run_scoped3A = tpu.sem_alloc : memref<!tpu.dma_semaphore, #tpu.memory_space<semaphore_mem>>
      %dma_start3A_15 = arith.constant 0 : i32
      %dma_start3A_16 = tpu.memref_slice %arg11[%mul3A_0, %dma_start3A_15] : memref<10112x128xf32, #tpu.memory_space<vmem_shared>> -> memref<632x128xf32, #tpu.memory_space<vmem_shared>>
      tpu.enqueue_dma source(%arg5 : memref<632x128xf32, #tpu.memory_space<hbm>>) target(%dma_start3A_16 : memref<632x128xf32, #tpu.memory_space<vmem_shared>>) target_semaphore(%run_scoped3A : memref<!tpu.dma_semaphore, #tpu.memory_space<semaphore_mem>>)
      %dma_wait3A = arith.constant 0 : i32
      %dma_wait3A_17 = tpu.memref_slice %arg11[%mul3A_0, %dma_wait3A] : memref<10112x128xf32, #tpu.memory_space<vmem_shared>> -> memref<632x128xf32, #tpu.memory_space<vmem_shared>>
      tpu.wait_dma2 semaphore(%run_scoped3A : memref<!tpu.dma_semaphore, #tpu.memory_space<semaphore_mem>>) src(%arg5 : memref<632x128xf32, #tpu.memory_space<hbm>>) dst(%dma_wait3A_17 : memref<632x128xf32, #tpu.memory_space<vmem_shared>>)
      tpu.yield
    }) : () -> ()
    "tpu.region"() ({
      %run_scoped3A = tpu.sem_alloc : memref<!tpu.dma_semaphore, #tpu.memory_space<semaphore_mem>>
      %dma_start3A_15 = arith.constant 0 : i32
      %dma_start3A_16 = tpu.memref_slice %arg3[%arg0, %arg1, %dma_start3A_15] : memref<2x16x10176xi32, #tpu.memory_space<hbm>> -> memref<1x1x10176xi32, #tpu.memory_space<hbm>>
      %dma_start3A_17 = tpu.memref_squeeze %dma_start3A_16 : memref<1x1x10176xi32, #tpu.memory_space<hbm>> -> memref<10176xi32, #tpu.memory_space<hbm>>
      %dma_start3A_18 = arith.constant 0 : i32
      %dma_start3A_19 = tpu.memref_slice %arg3[%arg0, %arg1, %dma_start3A_18] : memref<2x16x10176xi32, #tpu.memory_space<hbm>> -> memref<1x1x10176xi32, #tpu.memory_space<hbm>>
      %dma_start3A_20 = tpu.memref_squeeze %dma_start3A_19 : memref<1x1x10176xi32, #tpu.memory_space<hbm>> -> memref<10176xi32, #tpu.memory_space<hbm>>
      tpu.enqueue_dma source(%dma_start3A_20 : memref<10176xi32, #tpu.memory_space<hbm>>) target(%arg7 : memref<10176xi32, #tpu.memory_space<vmem>>) target_semaphore(%run_scoped3A : memref<!tpu.dma_semaphore, #tpu.memory_space<semaphore_mem>>)
      %dma_wait3A = arith.constant 0 : i32
      %dma_wait3A_21 = tpu.memref_slice %arg3[%arg0, %arg1, %dma_wait3A] : memref<2x16x10176xi32, #tpu.memory_space<hbm>> -> memref<1x1x10176xi32, #tpu.memory_space<hbm>>
      %dma_wait3A_22 = tpu.memref_squeeze %dma_wait3A_21 : memref<1x1x10176xi32, #tpu.memory_space<hbm>> -> memref<10176xi32, #tpu.memory_space<hbm>>
      %dma_wait3A_23 = arith.constant 0 : i32
      %dma_wait3A_24 = tpu.memref_slice %arg3[%arg0, %arg1, %dma_wait3A_23] : memref<2x16x10176xi32, #tpu.memory_space<hbm>> -> memref<1x1x10176xi32, #tpu.memory_space<hbm>>
      %dma_wait3A_25 = tpu.memref_squeeze %dma_wait3A_24 : memref<1x1x10176xi32, #tpu.memory_space<hbm>> -> memref<10176xi32, #tpu.memory_space<hbm>>
      tpu.wait_dma2 semaphore(%run_scoped3A : memref<!tpu.dma_semaphore, #tpu.memory_space<semaphore_mem>>) src(%dma_wait3A_25 : memref<10176xi32, #tpu.memory_space<hbm>>) dst(%arg7 : memref<10176xi32, #tpu.memory_space<vmem>>)
      tpu.yield
    }) : () -> ()
    "tpu.region"() ({
      %run_scoped3A = tpu.sem_alloc : memref<!tpu.dma_semaphore, #tpu.memory_space<semaphore_mem>>
      %dma_start3A_15 = arith.constant 0 : i32
      %dma_start3A_16 = arith.constant 0 : i32
      %dma_start3A_17 = tpu.memref_slice %arg4[%arg1, %dma_start3A_15, %dma_start3A_16] : memref<16x106x96xi32, #tpu.memory_space<hbm>> -> memref<1x106x96xi32, #tpu.memory_space<hbm>>
      %dma_start3A_18 = tpu.memref_squeeze %dma_start3A_17 : memref<1x106x96xi32, #tpu.memory_space<hbm>> -> memref<106x96xi32, #tpu.memory_space<hbm>>
      %dma_start3A_19 = arith.constant 0 : i32
      %dma_start3A_20 = arith.constant 0 : i32
      %dma_start3A_21 = tpu.memref_slice %arg4[%arg1, %dma_start3A_19, %dma_start3A_20] : memref<16x106x96xi32, #tpu.memory_space<hbm>> -> memref<1x106x96xi32, #tpu.memory_space<hbm>>
      %dma_start3A_22 = tpu.memref_squeeze %dma_start3A_21 : memref<1x106x96xi32, #tpu.memory_space<hbm>> -> memref<106x96xi32, #tpu.memory_space<hbm>>
      tpu.enqueue_dma source(%dma_start3A_22 : memref<106x96xi32, #tpu.memory_space<hbm>>) target(%arg8 : memref<106x96xi32, #tpu.memory_space<vmem>>) target_semaphore(%run_scoped3A : memref<!tpu.dma_semaphore, #tpu.memory_space<semaphore_mem>>)
      %dma_wait3A = arith.constant 0 : i32
      %dma_wait3A_23 = arith.constant 0 : i32
      %dma_wait3A_24 = tpu.memref_slice %arg4[%arg1, %dma_wait3A, %dma_wait3A_23] : memref<16x106x96xi32, #tpu.memory_space<hbm>> -> memref<1x106x96xi32, #tpu.memory_space<hbm>>
      %dma_wait3A_25 = tpu.memref_squeeze %dma_wait3A_24 : memref<1x106x96xi32, #tpu.memory_space<hbm>> -> memref<106x96xi32, #tpu.memory_space<hbm>>
      %dma_wait3A_26 = arith.constant 0 : i32
      %dma_wait3A_27 = arith.constant 0 : i32
      %dma_wait3A_28 = tpu.memref_slice %arg4[%arg1, %dma_wait3A_26, %dma_wait3A_27] : memref<16x106x96xi32, #tpu.memory_space<hbm>> -> memref<1x106x96xi32, #tpu.memory_space<hbm>>
      %dma_wait3A_29 = tpu.memref_squeeze %dma_wait3A_28 : memref<1x106x96xi32, #tpu.memory_space<hbm>> -> memref<106x96xi32, #tpu.memory_space<hbm>>
      tpu.wait_dma2 semaphore(%run_scoped3A : memref<!tpu.dma_semaphore, #tpu.memory_space<semaphore_mem>>) src(%dma_wait3A_29 : memref<106x96xi32, #tpu.memory_space<hbm>>) dst(%arg8 : memref<106x96xi32, #tpu.memory_space<vmem>>)
      tpu.yield
    }) : () -> ()
    %barrier3A = arith.constant 0 : index
    tpu.barrier barrier_id(%barrier3A)
    %dma_start3A = arith.constant 0 : i32
    %dma_start3A_1 = tpu.memref_slice %arg7[%dma_start3A] : memref<10176xi32, #tpu.memory_space<vmem>> -> memref<96xi32, #tpu.memory_space<vmem>>
    %dma_start3A_2 = arith.constant 0 : i32
    %dma_start3A_3 = arith.constant 0 : i32
    %dma_start3A_4 = tpu.memref_slice %arg2[%dma_start3A_2, %dma_start3A_3] : memref<20000x128xf32, #tpu.memory_space<hbm>> -> memref<20000x128xf32, #tpu.memory_space<hbm>>
    tpu.enqueue_indirect_dma source(%dma_start3A_4 : memref<20000x128xf32, #tpu.memory_space<hbm>>) target(%arg9 : memref<96x128xf32, #tpu.memory_space<vmem>>) offsets(%dma_start3A_1 : memref<96xi32, #tpu.memory_space<vmem>>) semaphore(%arg12 : memref<!tpu.dma_semaphore, #tpu.memory_space<semaphore_mem>>)
    %scan3A = arith.constant 0 : i32
    %scan3A_5 = arith.constant 0 : i32
    %scan3A_6 = arith.constant 53 : i32
    %scan3A_7 = arith.addi %scan3A_5, %scan3A_6 : i32
    %scan3A_8 = arith.constant 1 : i32
    scf.for %scan3A_15 = %scan3A_5 to %scan3A_7 step %scan3A_8  : i32 {
      %mul3A_16 = arith.constant 2 : i32
      %mul3A_17 = arith.muli %mul3A_16, %scan3A_15 : i32
      %add3A = arith.constant 1 : i32
      %add3A_18 = arith.addi %mul3A_17, %add3A : i32
      %mul3A_19 = arith.constant 96 : i32
      %mul3A_20 = arith.muli %add3A_18, %mul3A_19 : i32
      %dma_start3A_21 = tpu.memref_slice %arg7[%mul3A_20] : memref<10176xi32, #tpu.memory_space<vmem>> -> memref<96xi32, #tpu.memory_space<vmem>>
      %dma_start3A_22 = arith.constant 0 : i32
      %dma_start3A_23 = arith.constant 0 : i32
      %dma_start3A_24 = tpu.memref_slice %arg2[%dma_start3A_22, %dma_start3A_23] : memref<20000x128xf32, #tpu.memory_space<hbm>> -> memref<20000x128xf32, #tpu.memory_space<hbm>>
      tpu.enqueue_indirect_dma source(%dma_start3A_24 : memref<20000x128xf32, #tpu.memory_space<hbm>>) target(%arg10 : memref<96x128xf32, #tpu.memory_space<vmem>>) offsets(%dma_start3A_21 : memref<96xi32, #tpu.memory_space<vmem>>) semaphore(%arg12 : memref<!tpu.dma_semaphore, #tpu.memory_space<semaphore_mem>>)
      %mul3A_25 = arith.constant 96 : i32
      %mul3A_26 = arith.muli %mul3A_17, %mul3A_25 : i32
      %dma_wait3A = tpu.memref_slice %arg7[%mul3A_26] : memref<10176xi32, #tpu.memory_space<vmem>> -> memref<96xi32, #tpu.memory_space<vmem>>
      %dma_wait3A_27 = arith.constant 0 : i32
      %dma_wait3A_28 = arith.constant 0 : i32
      %dma_wait3A_29 = tpu.memref_slice %arg2[%dma_wait3A_27, %dma_wait3A_28] : memref<20000x128xf32, #tpu.memory_space<hbm>> -> memref<20000x128xf32, #tpu.memory_space<hbm>>
      tpu.wait_indirect_dma semaphore(%arg12 : memref<!tpu.dma_semaphore, #tpu.memory_space<semaphore_mem>>) src(%dma_wait3A_29 : memref<20000x128xf32, #tpu.memory_space<hbm>>) dst(%arg9 : memref<96x128xf32, #tpu.memory_space<vmem>>)
      "tpu.region"() ({
        %run_scoped3A = tpu.sem_alloc : memref<!tpu.dma_semaphore, #tpu.memory_space<semaphore_mem>>
        %dma_start3A_42 = arith.constant 0 : i32
        %dma_start3A_43 = tpu.memref_slice %arg8[%mul3A_17, %dma_start3A_42] : memref<106x96xi32, #tpu.memory_space<vmem>> -> memref<1x96xi32, #tpu.memory_space<vmem>>
        %dma_start3A_44 = tpu.memref_squeeze %dma_start3A_43 : memref<1x96xi32, #tpu.memory_space<vmem>> -> memref<96xi32, #tpu.memory_space<vmem>>
        %dma_start3A_45 = arith.constant 0 : i32
        %dma_start3A_46 = arith.constant 0 : i32
        %dma_start3A_47 = tpu.memref_slice %arg11[%dma_start3A_45, %dma_start3A_46] : memref<10112x128xf32, #tpu.memory_space<vmem_shared>> -> memref<10112x128xf32, #tpu.memory_space<vmem_shared>>
        tpu.enqueue_indirect_dma source(%arg9 : memref<96x128xf32, #tpu.memory_space<vmem>>) target(%dma_start3A_47 : memref<10112x128xf32, #tpu.memory_space<vmem_shared>>) offsets(%dma_start3A_44 : memref<96xi32, #tpu.memory_space<vmem>>) semaphore(%run_scoped3A : memref<!tpu.dma_semaphore, #tpu.memory_space<semaphore_mem>>) {add = true}
        %dma_wait3A_48 = arith.constant 0 : i32
        %dma_wait3A_49 = tpu.memref_slice %arg8[%mul3A_17, %dma_wait3A_48] : memref<106x96xi32, #tpu.memory_space<vmem>> -> memref<1x96xi32, #tpu.memory_space<vmem>>
        %dma_wait3A_50 = tpu.memref_squeeze %dma_wait3A_49 : memref<1x96xi32, #tpu.memory_space<vmem>> -> memref<96xi32, #tpu.memory_space<vmem>>
        %dma_wait3A_51 = arith.constant 0 : i32
        %dma_wait3A_52 = arith.constant 0 : i32
        %dma_wait3A_53 = tpu.memref_slice %arg11[%dma_wait3A_51, %dma_wait3A_52] : memref<10112x128xf32, #tpu.memory_space<vmem_shared>> -> memref<10112x128xf32, #tpu.memory_space<vmem_shared>>
        tpu.wait_indirect_dma semaphore(%run_scoped3A : memref<!tpu.dma_semaphore, #tpu.memory_space<semaphore_mem>>) src(%arg9 : memref<96x128xf32, #tpu.memory_space<vmem>>) dst(%dma_wait3A_53 : memref<10112x128xf32, #tpu.memory_space<vmem_shared>>)
        tpu.yield
      }) : () -> ()
      %lt3A = arith.constant 52 : i32
      %lt3A_30 = arith.cmpi slt, %scan3A_15, %lt3A : i32
      %convert_element_type3A = arith.extui %lt3A_30 : i1 to i32
      %cond3A = arith.constant 0 : i32
      %cond3A_31 = arith.cmpi ne, %convert_element_type3A, %cond3A : i32
      scf.if %cond3A_31 {
        %add3A_42 = arith.constant 2 : i32
        %add3A_43 = arith.addi %mul3A_17, %add3A_42 : i32
        %mul3A_44 = arith.constant 96 : i32
        %mul3A_45 = arith.muli %add3A_43, %mul3A_44 : i32
        %dma_start3A_46 = tpu.memref_slice %arg7[%mul3A_45] : memref<10176xi32, #tpu.memory_space<vmem>> -> memref<96xi32, #tpu.memory_space<vmem>>
        %dma_start3A_47 = arith.constant 0 : i32
        %dma_start3A_48 = arith.constant 0 : i32
        %dma_start3A_49 = tpu.memref_slice %arg2[%dma_start3A_47, %dma_start3A_48] : memref<20000x128xf32, #tpu.memory_space<hbm>> -> memref<20000x128xf32, #tpu.memory_space<hbm>>
        tpu.enqueue_indirect_dma source(%dma_start3A_49 : memref<20000x128xf32, #tpu.memory_space<hbm>>) target(%arg9 : memref<96x128xf32, #tpu.memory_space<vmem>>) offsets(%dma_start3A_46 : memref<96xi32, #tpu.memory_space<vmem>>) semaphore(%arg12 : memref<!tpu.dma_semaphore, #tpu.memory_space<semaphore_mem>>)
      } else {
      }
      %add3A_32 = arith.constant 1 : i32
      %add3A_33 = arith.addi %mul3A_17, %add3A_32 : i32
      %mul3A_34 = arith.constant 96 : i32
      %mul3A_35 = arith.muli %add3A_33, %mul3A_34 : i32
      %dma_wait3A_36 = tpu.memref_slice %arg7[%mul3A_35] : memref<10176xi32, #tpu.memory_space<vmem>> -> memref<96xi32, #tpu.memory_space<vmem>>
      %dma_wait3A_37 = arith.constant 0 : i32
      %dma_wait3A_38 = arith.constant 0 : i32
      %dma_wait3A_39 = tpu.memref_slice %arg2[%dma_wait3A_37, %dma_wait3A_38] : memref<20000x128xf32, #tpu.memory_space<hbm>> -> memref<20000x128xf32, #tpu.memory_space<hbm>>
      tpu.wait_indirect_dma semaphore(%arg12 : memref<!tpu.dma_semaphore, #tpu.memory_space<semaphore_mem>>) src(%dma_wait3A_39 : memref<20000x128xf32, #tpu.memory_space<hbm>>) dst(%arg10 : memref<96x128xf32, #tpu.memory_space<vmem>>)
      %add3A_40 = arith.constant 1 : i32
      %add3A_41 = arith.addi %mul3A_17, %add3A_40 : i32
      "tpu.region"() ({
        %run_scoped3A = tpu.sem_alloc : memref<!tpu.dma_semaphore, #tpu.memory_space<semaphore_mem>>
        %dma_start3A_42 = arith.constant 0 : i32
        %dma_start3A_43 = tpu.memref_slice %arg8[%add3A_41, %dma_start3A_42] : memref<106x96xi32, #tpu.memory_space<vmem>> -> memref<1x96xi32, #tpu.memory_space<vmem>>
        %dma_start3A_44 = tpu.memref_squeeze %dma_start3A_43 : memref<1x96xi32, #tpu.memory_space<vmem>> -> memref<96xi32, #tpu.memory_space<vmem>>
        %dma_start3A_45 = arith.constant 0 : i32
        %dma_start3A_46 = arith.constant 0 : i32
        %dma_start3A_47 = tpu.memref_slice %arg11[%dma_start3A_45, %dma_start3A_46] : memref<10112x128xf32, #tpu.memory_space<vmem_shared>> -> memref<10112x128xf32, #tpu.memory_space<vmem_shared>>
        tpu.enqueue_indirect_dma source(%arg10 : memref<96x128xf32, #tpu.memory_space<vmem>>) target(%dma_start3A_47 : memref<10112x128xf32, #tpu.memory_space<vmem_shared>>) offsets(%dma_start3A_44 : memref<96xi32, #tpu.memory_space<vmem>>) semaphore(%run_scoped3A : memref<!tpu.dma_semaphore, #tpu.memory_space<semaphore_mem>>) {add = true}
        %dma_wait3A_48 = arith.constant 0 : i32
        %dma_wait3A_49 = tpu.memref_slice %arg8[%add3A_41, %dma_wait3A_48] : memref<106x96xi32, #tpu.memory_space<vmem>> -> memref<1x96xi32, #tpu.memory_space<vmem>>
        %dma_wait3A_50 = tpu.memref_squeeze %dma_wait3A_49 : memref<1x96xi32, #tpu.memory_space<vmem>> -> memref<96xi32, #tpu.memory_space<vmem>>
        %dma_wait3A_51 = arith.constant 0 : i32
        %dma_wait3A_52 = arith.constant 0 : i32
        %dma_wait3A_53 = tpu.memref_slice %arg11[%dma_wait3A_51, %dma_wait3A_52] : memref<10112x128xf32, #tpu.memory_space<vmem_shared>> -> memref<10112x128xf32, #tpu.memory_space<vmem_shared>>
        tpu.wait_indirect_dma semaphore(%run_scoped3A : memref<!tpu.dma_semaphore, #tpu.memory_space<semaphore_mem>>) src(%arg10 : memref<96x128xf32, #tpu.memory_space<vmem>>) dst(%dma_wait3A_53 : memref<10112x128xf32, #tpu.memory_space<vmem_shared>>)
        tpu.yield
      }) : () -> ()
    }
    %scan3A_9 = arith.constant 53 : i32
    %barrier3A_10 = arith.constant 0 : index
    tpu.barrier barrier_id(%barrier3A_10)
    %mul3A_11 = arith.constant 632 : i32
    %mul3A_12 = arith.muli %arg1, %mul3A_11 : i32
    %mul3A_13 = arith.constant 632 : i32
    %mul3A_14 = arith.muli %arg1, %mul3A_13 : i32
    "tpu.region"() ({
      %run_scoped3A = tpu.sem_alloc : memref<!tpu.dma_semaphore, #tpu.memory_space<semaphore_mem>>
      %dma_start3A_15 = arith.constant 0 : i32
      %dma_start3A_16 = tpu.memref_slice %arg6[%arg0, %mul3A_14, %dma_start3A_15] : memref<2x10112x128xf32, #tpu.memory_space<hbm>> -> memref<1x632x128xf32, #tpu.memory_space<hbm>>
      %dma_start3A_17 = tpu.memref_squeeze %dma_start3A_16 : memref<1x632x128xf32, #tpu.memory_space<hbm>> -> memref<632x128xf32, #tpu.memory_space<hbm>>
      %dma_start3A_18 = arith.constant 0 : i32
      %dma_start3A_19 = tpu.memref_slice %arg11[%mul3A_12, %dma_start3A_18] : memref<10112x128xf32, #tpu.memory_space<vmem_shared>> -> memref<632x128xf32, #tpu.memory_space<vmem_shared>>
      tpu.enqueue_dma source(%dma_start3A_19 : memref<632x128xf32, #tpu.memory_space<vmem_shared>>) target(%dma_start3A_17 : memref<632x128xf32, #tpu.memory_space<hbm>>) target_semaphore(%run_scoped3A : memref<!tpu.dma_semaphore, #tpu.memory_space<semaphore_mem>>)
      %dma_wait3A = arith.constant 0 : i32
      %dma_wait3A_20 = tpu.memref_slice %arg6[%arg0, %mul3A_14, %dma_wait3A] : memref<2x10112x128xf32, #tpu.memory_space<hbm>> -> memref<1x632x128xf32, #tpu.memory_space<hbm>>
      %dma_wait3A_21 = tpu.memref_squeeze %dma_wait3A_20 : memref<1x632x128xf32, #tpu.memory_space<hbm>> -> memref<632x128xf32, #tpu.memory_space<hbm>>
      %dma_wait3A_22 = arith.constant 0 : i32
      %dma_wait3A_23 = tpu.memref_slice %arg11[%mul3A_12, %dma_wait3A_22] : memref<10112x128xf32, #tpu.memory_space<vmem_shared>> -> memref<632x128xf32, #tpu.memory_space<vmem_shared>>
      tpu.wait_dma2 semaphore(%run_scoped3A : memref<!tpu.dma_semaphore, #tpu.memory_space<semaphore_mem>>) src(%dma_wait3A_23 : memref<632x128xf32, #tpu.memory_space<vmem_shared>>) dst(%dma_wait3A_21 : memref<632x128xf32, #tpu.memory_space<hbm>>)
      tpu.yield
    }) : () -> ()
    return
  }
}

#map = affine_map<(d0, d1) -> (0, 0)>
#map1 = affine_map<(d0, d1) -> (0, 0, 0)>
module attributes {stable_mosaic.version = 14 : i64} {
  func.func @agg_kernel(%arg0: i32, %arg1: i32, %arg2: memref<20000x128xf32, #tpu.memory_space<hbm>>, %arg3: memref<2x16x10176xi32, #tpu.memory_space<hbm>>, %arg4: memref<16x106x96xi32, #tpu.memory_space<hbm>>, %arg5: memref<632x128xf32, #tpu.memory_space<hbm>>, %arg6: memref<2x10112x128xf32, #tpu.memory_space<hbm>>, %arg7: memref<10176xi32, #tpu.memory_space<vmem>>, %arg8: memref<106x96xi32, #tpu.memory_space<vmem>>, %arg9: memref<96x128xf32, #tpu.memory_space<vmem>>, %arg10: memref<96x128xf32, #tpu.memory_space<vmem>>, %arg11: memref<10112x128xf32, #tpu.memory_space<vmem_shared>>, %arg12: memref<!tpu.dma_semaphore, #tpu.memory_space<semaphore_mem>>) attributes {dimension_semantics = [#tpu.dimension_semantics<core_parallel>, #tpu.dimension_semantics<subcore_parallel>], iteration_bounds = array<i64: 2, 16>, scalar_prefetch = 0 : i64, scratch_operands = 6 : i64, tpu.core_type = #tpu.core_type<sc_vector_subcore>, window_params = [{transform_indices = #map}, {transform_indices = #map1}, {transform_indices = #map1}, {transform_indices = #map}, {transform_indices = #map1}]} {
    %mul3A = arith.constant 632 : i32
    %mul3A_0 = arith.muli %arg1, %mul3A : i32
    "tpu.region"() ({
      %run_scoped3A = tpu.sem_alloc : memref<!tpu.dma_semaphore, #tpu.memory_space<semaphore_mem>>
      %dma_start3A_15 = arith.constant 0 : i32
      %dma_start3A_16 = tpu.memref_slice %arg11[%mul3A_0, %dma_start3A_15] : memref<10112x128xf32, #tpu.memory_space<vmem_shared>> -> memref<632x128xf32, #tpu.memory_space<vmem_shared>>
      tpu.enqueue_dma source(%arg5 : memref<632x128xf32, #tpu.memory_space<hbm>>) target(%dma_start3A_16 : memref<632x128xf32, #tpu.memory_space<vmem_shared>>) target_semaphore(%run_scoped3A : memref<!tpu.dma_semaphore, #tpu.memory_space<semaphore_mem>>)
      %dma_wait3A = arith.constant 0 : i32
      %dma_wait3A_17 = tpu.memref_slice %arg11[%mul3A_0, %dma_wait3A] : memref<10112x128xf32, #tpu.memory_space<vmem_shared>> -> memref<632x128xf32, #tpu.memory_space<vmem_shared>>
      tpu.wait_dma2 semaphore(%run_scoped3A : memref<!tpu.dma_semaphore, #tpu.memory_space<semaphore_mem>>) src(%arg5 : memref<632x128xf32, #tpu.memory_space<hbm>>) dst(%dma_wait3A_17 : memref<632x128xf32, #tpu.memory_space<vmem_shared>>)
      tpu.yield
    }) : () -> ()
    "tpu.region"() ({
      %run_scoped3A = tpu.sem_alloc : memref<!tpu.dma_semaphore, #tpu.memory_space<semaphore_mem>>
      %dma_start3A_15 = arith.constant 0 : i32
      %dma_start3A_16 = tpu.memref_slice %arg3[%arg0, %arg1, %dma_start3A_15] : memref<2x16x10176xi32, #tpu.memory_space<hbm>> -> memref<1x1x10176xi32, #tpu.memory_space<hbm>>
      %dma_start3A_17 = tpu.memref_squeeze %dma_start3A_16 : memref<1x1x10176xi32, #tpu.memory_space<hbm>> -> memref<10176xi32, #tpu.memory_space<hbm>>
      %dma_start3A_18 = arith.constant 0 : i32
      %dma_start3A_19 = tpu.memref_slice %arg3[%arg0, %arg1, %dma_start3A_18] : memref<2x16x10176xi32, #tpu.memory_space<hbm>> -> memref<1x1x10176xi32, #tpu.memory_space<hbm>>
      %dma_start3A_20 = tpu.memref_squeeze %dma_start3A_19 : memref<1x1x10176xi32, #tpu.memory_space<hbm>> -> memref<10176xi32, #tpu.memory_space<hbm>>
      tpu.enqueue_dma source(%dma_start3A_20 : memref<10176xi32, #tpu.memory_space<hbm>>) target(%arg7 : memref<10176xi32, #tpu.memory_space<vmem>>) target_semaphore(%run_scoped3A : memref<!tpu.dma_semaphore, #tpu.memory_space<semaphore_mem>>)
      %dma_wait3A = arith.constant 0 : i32
      %dma_wait3A_21 = tpu.memref_slice %arg3[%arg0, %arg1, %dma_wait3A] : memref<2x16x10176xi32, #tpu.memory_space<hbm>> -> memref<1x1x10176xi32, #tpu.memory_space<hbm>>
      %dma_wait3A_22 = tpu.memref_squeeze %dma_wait3A_21 : memref<1x1x10176xi32, #tpu.memory_space<hbm>> -> memref<10176xi32, #tpu.memory_space<hbm>>
      %dma_wait3A_23 = arith.constant 0 : i32
      %dma_wait3A_24 = tpu.memref_slice %arg3[%arg0, %arg1, %dma_wait3A_23] : memref<2x16x10176xi32, #tpu.memory_space<hbm>> -> memref<1x1x10176xi32, #tpu.memory_space<hbm>>
      %dma_wait3A_25 = tpu.memref_squeeze %dma_wait3A_24 : memref<1x1x10176xi32, #tpu.memory_space<hbm>> -> memref<10176xi32, #tpu.memory_space<hbm>>
      tpu.wait_dma2 semaphore(%run_scoped3A : memref<!tpu.dma_semaphore, #tpu.memory_space<semaphore_mem>>) src(%dma_wait3A_25 : memref<10176xi32, #tpu.memory_space<hbm>>) dst(%arg7 : memref<10176xi32, #tpu.memory_space<vmem>>)
      tpu.yield
    }) : () -> ()
    "tpu.region"() ({
      %run_scoped3A = tpu.sem_alloc : memref<!tpu.dma_semaphore, #tpu.memory_space<semaphore_mem>>
      %dma_start3A_15 = arith.constant 0 : i32
      %dma_start3A_16 = arith.constant 0 : i32
      %dma_start3A_17 = tpu.memref_slice %arg4[%arg1, %dma_start3A_15, %dma_start3A_16] : memref<16x106x96xi32, #tpu.memory_space<hbm>> -> memref<1x106x96xi32, #tpu.memory_space<hbm>>
      %dma_start3A_18 = tpu.memref_squeeze %dma_start3A_17 : memref<1x106x96xi32, #tpu.memory_space<hbm>> -> memref<106x96xi32, #tpu.memory_space<hbm>>
      %dma_start3A_19 = arith.constant 0 : i32
      %dma_start3A_20 = arith.constant 0 : i32
      %dma_start3A_21 = tpu.memref_slice %arg4[%arg1, %dma_start3A_19, %dma_start3A_20] : memref<16x106x96xi32, #tpu.memory_space<hbm>> -> memref<1x106x96xi32, #tpu.memory_space<hbm>>
      %dma_start3A_22 = tpu.memref_squeeze %dma_start3A_21 : memref<1x106x96xi32, #tpu.memory_space<hbm>> -> memref<106x96xi32, #tpu.memory_space<hbm>>
      tpu.enqueue_dma source(%dma_start3A_22 : memref<106x96xi32, #tpu.memory_space<hbm>>) target(%arg8 : memref<106x96xi32, #tpu.memory_space<vmem>>) target_semaphore(%run_scoped3A : memref<!tpu.dma_semaphore, #tpu.memory_space<semaphore_mem>>)
      %dma_wait3A = arith.constant 0 : i32
      %dma_wait3A_23 = arith.constant 0 : i32
      %dma_wait3A_24 = tpu.memref_slice %arg4[%arg1, %dma_wait3A, %dma_wait3A_23] : memref<16x106x96xi32, #tpu.memory_space<hbm>> -> memref<1x106x96xi32, #tpu.memory_space<hbm>>
      %dma_wait3A_25 = tpu.memref_squeeze %dma_wait3A_24 : memref<1x106x96xi32, #tpu.memory_space<hbm>> -> memref<106x96xi32, #tpu.memory_space<hbm>>
      %dma_wait3A_26 = arith.constant 0 : i32
      %dma_wait3A_27 = arith.constant 0 : i32
      %dma_wait3A_28 = tpu.memref_slice %arg4[%arg1, %dma_wait3A_26, %dma_wait3A_27] : memref<16x106x96xi32, #tpu.memory_space<hbm>> -> memref<1x106x96xi32, #tpu.memory_space<hbm>>
      %dma_wait3A_29 = tpu.memref_squeeze %dma_wait3A_28 : memref<1x106x96xi32, #tpu.memory_space<hbm>> -> memref<106x96xi32, #tpu.memory_space<hbm>>
      tpu.wait_dma2 semaphore(%run_scoped3A : memref<!tpu.dma_semaphore, #tpu.memory_space<semaphore_mem>>) src(%dma_wait3A_29 : memref<106x96xi32, #tpu.memory_space<hbm>>) dst(%arg8 : memref<106x96xi32, #tpu.memory_space<vmem>>)
      tpu.yield
    }) : () -> ()
    %barrier3A = arith.constant 0 : index
    tpu.barrier barrier_id(%barrier3A)
    %dma_start3A = arith.constant 0 : i32
    %dma_start3A_1 = tpu.memref_slice %arg7[%dma_start3A] : memref<10176xi32, #tpu.memory_space<vmem>> -> memref<96xi32, #tpu.memory_space<vmem>>
    %dma_start3A_2 = arith.constant 0 : i32
    %dma_start3A_3 = arith.constant 0 : i32
    %dma_start3A_4 = tpu.memref_slice %arg2[%dma_start3A_2, %dma_start3A_3] : memref<20000x128xf32, #tpu.memory_space<hbm>> -> memref<20000x128xf32, #tpu.memory_space<hbm>>
    tpu.enqueue_indirect_dma source(%dma_start3A_4 : memref<20000x128xf32, #tpu.memory_space<hbm>>) target(%arg9 : memref<96x128xf32, #tpu.memory_space<vmem>>) offsets(%dma_start3A_1 : memref<96xi32, #tpu.memory_space<vmem>>) semaphore(%arg12 : memref<!tpu.dma_semaphore, #tpu.memory_space<semaphore_mem>>)
    %scan3A = arith.constant 0 : i32
    %scan3A_5 = arith.constant 0 : i32
    %scan3A_6 = arith.constant 53 : i32
    %scan3A_7 = arith.addi %scan3A_5, %scan3A_6 : i32
    %scan3A_8 = arith.constant 1 : i32
    scf.for %scan3A_15 = %scan3A_5 to %scan3A_7 step %scan3A_8  : i32 {
      %mul3A_16 = arith.constant 2 : i32
      %mul3A_17 = arith.muli %mul3A_16, %scan3A_15 : i32
      %add3A = arith.constant 1 : i32
      %add3A_18 = arith.addi %mul3A_17, %add3A : i32
      %mul3A_19 = arith.constant 96 : i32
      %mul3A_20 = arith.muli %add3A_18, %mul3A_19 : i32
      %dma_start3A_21 = tpu.memref_slice %arg7[%mul3A_20] : memref<10176xi32, #tpu.memory_space<vmem>> -> memref<96xi32, #tpu.memory_space<vmem>>
      %dma_start3A_22 = arith.constant 0 : i32
      %dma_start3A_23 = arith.constant 0 : i32
      %dma_start3A_24 = tpu.memref_slice %arg2[%dma_start3A_22, %dma_start3A_23] : memref<20000x128xf32, #tpu.memory_space<hbm>> -> memref<20000x128xf32, #tpu.memory_space<hbm>>
      tpu.enqueue_indirect_dma source(%dma_start3A_24 : memref<20000x128xf32, #tpu.memory_space<hbm>>) target(%arg10 : memref<96x128xf32, #tpu.memory_space<vmem>>) offsets(%dma_start3A_21 : memref<96xi32, #tpu.memory_space<vmem>>) semaphore(%arg12 : memref<!tpu.dma_semaphore, #tpu.memory_space<semaphore_mem>>)
      %mul3A_25 = arith.constant 96 : i32
      %mul3A_26 = arith.muli %mul3A_17, %mul3A_25 : i32
      %dma_wait3A = tpu.memref_slice %arg7[%mul3A_26] : memref<10176xi32, #tpu.memory_space<vmem>> -> memref<96xi32, #tpu.memory_space<vmem>>
      %dma_wait3A_27 = arith.constant 0 : i32
      %dma_wait3A_28 = arith.constant 0 : i32
      %dma_wait3A_29 = tpu.memref_slice %arg2[%dma_wait3A_27, %dma_wait3A_28] : memref<20000x128xf32, #tpu.memory_space<hbm>> -> memref<20000x128xf32, #tpu.memory_space<hbm>>
      tpu.wait_indirect_dma semaphore(%arg12 : memref<!tpu.dma_semaphore, #tpu.memory_space<semaphore_mem>>) src(%dma_wait3A_29 : memref<20000x128xf32, #tpu.memory_space<hbm>>) dst(%arg9 : memref<96x128xf32, #tpu.memory_space<vmem>>)
      "tpu.region"() ({
        %run_scoped3A = tpu.sem_alloc : memref<!tpu.dma_semaphore, #tpu.memory_space<semaphore_mem>>
        %dma_start3A_42 = arith.constant 0 : i32
        %dma_start3A_43 = tpu.memref_slice %arg8[%mul3A_17, %dma_start3A_42] : memref<106x96xi32, #tpu.memory_space<vmem>> -> memref<1x96xi32, #tpu.memory_space<vmem>>
        %dma_start3A_44 = tpu.memref_squeeze %dma_start3A_43 : memref<1x96xi32, #tpu.memory_space<vmem>> -> memref<96xi32, #tpu.memory_space<vmem>>
        %dma_start3A_45 = arith.constant 0 : i32
        %dma_start3A_46 = arith.constant 0 : i32
        %dma_start3A_47 = tpu.memref_slice %arg11[%dma_start3A_45, %dma_start3A_46] : memref<10112x128xf32, #tpu.memory_space<vmem_shared>> -> memref<10112x128xf32, #tpu.memory_space<vmem_shared>>
        tpu.enqueue_indirect_dma source(%arg9 : memref<96x128xf32, #tpu.memory_space<vmem>>) target(%dma_start3A_47 : memref<10112x128xf32, #tpu.memory_space<vmem_shared>>) offsets(%dma_start3A_44 : memref<96xi32, #tpu.memory_space<vmem>>) semaphore(%run_scoped3A : memref<!tpu.dma_semaphore, #tpu.memory_space<semaphore_mem>>) {add = true}
        %dma_wait3A_48 = arith.constant 0 : i32
        %dma_wait3A_49 = tpu.memref_slice %arg8[%mul3A_17, %dma_wait3A_48] : memref<106x96xi32, #tpu.memory_space<vmem>> -> memref<1x96xi32, #tpu.memory_space<vmem>>
        %dma_wait3A_50 = tpu.memref_squeeze %dma_wait3A_49 : memref<1x96xi32, #tpu.memory_space<vmem>> -> memref<96xi32, #tpu.memory_space<vmem>>
        %dma_wait3A_51 = arith.constant 0 : i32
        %dma_wait3A_52 = arith.constant 0 : i32
        %dma_wait3A_53 = tpu.memref_slice %arg11[%dma_wait3A_51, %dma_wait3A_52] : memref<10112x128xf32, #tpu.memory_space<vmem_shared>> -> memref<10112x128xf32, #tpu.memory_space<vmem_shared>>
        tpu.wait_indirect_dma semaphore(%run_scoped3A : memref<!tpu.dma_semaphore, #tpu.memory_space<semaphore_mem>>) src(%arg9 : memref<96x128xf32, #tpu.memory_space<vmem>>) dst(%dma_wait3A_53 : memref<10112x128xf32, #tpu.memory_space<vmem_shared>>)
        tpu.yield
      }) : () -> ()
      %lt3A = arith.constant 52 : i32
      %lt3A_30 = arith.cmpi slt, %scan3A_15, %lt3A : i32
      %convert_element_type3A = arith.extui %lt3A_30 : i1 to i32
      %cond3A = arith.constant 0 : i32
      %cond3A_31 = arith.cmpi ne, %convert_element_type3A, %cond3A : i32
      scf.if %cond3A_31 {
        %add3A_42 = arith.constant 2 : i32
        %add3A_43 = arith.addi %mul3A_17, %add3A_42 : i32
        %mul3A_44 = arith.constant 96 : i32
        %mul3A_45 = arith.muli %add3A_43, %mul3A_44 : i32
        %dma_start3A_46 = tpu.memref_slice %arg7[%mul3A_45] : memref<10176xi32, #tpu.memory_space<vmem>> -> memref<96xi32, #tpu.memory_space<vmem>>
        %dma_start3A_47 = arith.constant 0 : i32
        %dma_start3A_48 = arith.constant 0 : i32
        %dma_start3A_49 = tpu.memref_slice %arg2[%dma_start3A_47, %dma_start3A_48] : memref<20000x128xf32, #tpu.memory_space<hbm>> -> memref<20000x128xf32, #tpu.memory_space<hbm>>
        tpu.enqueue_indirect_dma source(%dma_start3A_49 : memref<20000x128xf32, #tpu.memory_space<hbm>>) target(%arg9 : memref<96x128xf32, #tpu.memory_space<vmem>>) offsets(%dma_start3A_46 : memref<96xi32, #tpu.memory_space<vmem>>) semaphore(%arg12 : memref<!tpu.dma_semaphore, #tpu.memory_space<semaphore_mem>>)
      } else {
      }
      %add3A_32 = arith.constant 1 : i32
      %add3A_33 = arith.addi %mul3A_17, %add3A_32 : i32
      %mul3A_34 = arith.constant 96 : i32
      %mul3A_35 = arith.muli %add3A_33, %mul3A_34 : i32
      %dma_wait3A_36 = tpu.memref_slice %arg7[%mul3A_35] : memref<10176xi32, #tpu.memory_space<vmem>> -> memref<96xi32, #tpu.memory_space<vmem>>
      %dma_wait3A_37 = arith.constant 0 : i32
      %dma_wait3A_38 = arith.constant 0 : i32
      %dma_wait3A_39 = tpu.memref_slice %arg2[%dma_wait3A_37, %dma_wait3A_38] : memref<20000x128xf32, #tpu.memory_space<hbm>> -> memref<20000x128xf32, #tpu.memory_space<hbm>>
      tpu.wait_indirect_dma semaphore(%arg12 : memref<!tpu.dma_semaphore, #tpu.memory_space<semaphore_mem>>) src(%dma_wait3A_39 : memref<20000x128xf32, #tpu.memory_space<hbm>>) dst(%arg10 : memref<96x128xf32, #tpu.memory_space<vmem>>)
      %add3A_40 = arith.constant 1 : i32
      %add3A_41 = arith.addi %mul3A_17, %add3A_40 : i32
      "tpu.region"() ({
        %run_scoped3A = tpu.sem_alloc : memref<!tpu.dma_semaphore, #tpu.memory_space<semaphore_mem>>
        %dma_start3A_42 = arith.constant 0 : i32
        %dma_start3A_43 = tpu.memref_slice %arg8[%add3A_41, %dma_start3A_42] : memref<106x96xi32, #tpu.memory_space<vmem>> -> memref<1x96xi32, #tpu.memory_space<vmem>>
        %dma_start3A_44 = tpu.memref_squeeze %dma_start3A_43 : memref<1x96xi32, #tpu.memory_space<vmem>> -> memref<96xi32, #tpu.memory_space<vmem>>
        %dma_start3A_45 = arith.constant 0 : i32
        %dma_start3A_46 = arith.constant 0 : i32
        %dma_start3A_47 = tpu.memref_slice %arg11[%dma_start3A_45, %dma_start3A_46] : memref<10112x128xf32, #tpu.memory_space<vmem_shared>> -> memref<10112x128xf32, #tpu.memory_space<vmem_shared>>
        tpu.enqueue_indirect_dma source(%arg10 : memref<96x128xf32, #tpu.memory_space<vmem>>) target(%dma_start3A_47 : memref<10112x128xf32, #tpu.memory_space<vmem_shared>>) offsets(%dma_start3A_44 : memref<96xi32, #tpu.memory_space<vmem>>) semaphore(%run_scoped3A : memref<!tpu.dma_semaphore, #tpu.memory_space<semaphore_mem>>) {add = true}
        %dma_wait3A_48 = arith.constant 0 : i32
        %dma_wait3A_49 = tpu.memref_slice %arg8[%add3A_41, %dma_wait3A_48] : memref<106x96xi32, #tpu.memory_space<vmem>> -> memref<1x96xi32, #tpu.memory_space<vmem>>
        %dma_wait3A_50 = tpu.memref_squeeze %dma_wait3A_49 : memref<1x96xi32, #tpu.memory_space<vmem>> -> memref<96xi32, #tpu.memory_space<vmem>>
        %dma_wait3A_51 = arith.constant 0 : i32
        %dma_wait3A_52 = arith.constant 0 : i32
        %dma_wait3A_53 = tpu.memref_slice %arg11[%dma_wait3A_51, %dma_wait3A_52] : memref<10112x128xf32, #tpu.memory_space<vmem_shared>> -> memref<10112x128xf32, #tpu.memory_space<vmem_shared>>
        tpu.wait_indirect_dma semaphore(%run_scoped3A : memref<!tpu.dma_semaphore, #tpu.memory_space<semaphore_mem>>) src(%arg10 : memref<96x128xf32, #tpu.memory_space<vmem>>) dst(%dma_wait3A_53 : memref<10112x128xf32, #tpu.memory_space<vmem_shared>>)
        tpu.yield
      }) : () -> ()
    }
    %scan3A_9 = arith.constant 53 : i32
    %barrier3A_10 = arith.constant 0 : index
    tpu.barrier barrier_id(%barrier3A_10)
    %mul3A_11 = arith.constant 632 : i32
    %mul3A_12 = arith.muli %arg1, %mul3A_11 : i32
    %mul3A_13 = arith.constant 632 : i32
    %mul3A_14 = arith.muli %arg1, %mul3A_13 : i32
    "tpu.region"() ({
      %run_scoped3A = tpu.sem_alloc : memref<!tpu.dma_semaphore, #tpu.memory_space<semaphore_mem>>
      %dma_start3A_15 = arith.constant 0 : i32
      %dma_start3A_16 = tpu.memref_slice %arg6[%arg0, %mul3A_14, %dma_start3A_15] : memref<2x10112x128xf32, #tpu.memory_space<hbm>> -> memref<1x632x128xf32, #tpu.memory_space<hbm>>
      %dma_start3A_17 = tpu.memref_squeeze %dma_start3A_16 : memref<1x632x128xf32, #tpu.memory_space<hbm>> -> memref<632x128xf32, #tpu.memory_space<hbm>>
      %dma_start3A_18 = arith.constant 0 : i32
      %dma_start3A_19 = tpu.memref_slice %arg11[%mul3A_12, %dma_start3A_18] : memref<10112x128xf32, #tpu.memory_space<vmem_shared>> -> memref<632x128xf32, #tpu.memory_space<vmem_shared>>
      tpu.enqueue_dma source(%dma_start3A_19 : memref<632x128xf32, #tpu.memory_space<vmem_shared>>) target(%dma_start3A_17 : memref<632x128xf32, #tpu.memory_space<hbm>>) target_semaphore(%run_scoped3A : memref<!tpu.dma_semaphore, #tpu.memory_space<semaphore_mem>>)
      %dma_wait3A = arith.constant 0 : i32
      %dma_wait3A_20 = tpu.memref_slice %arg6[%arg0, %mul3A_14, %dma_wait3A] : memref<2x10112x128xf32, #tpu.memory_space<hbm>> -> memref<1x632x128xf32, #tpu.memory_space<hbm>>
      %dma_wait3A_21 = tpu.memref_squeeze %dma_wait3A_20 : memref<1x632x128xf32, #tpu.memory_space<hbm>> -> memref<632x128xf32, #tpu.memory_space<hbm>>
      %dma_wait3A_22 = arith.constant 0 : i32
      %dma_wait3A_23 = tpu.memref_slice %arg11[%mul3A_12, %dma_wait3A_22] : memref<10112x128xf32, #tpu.memory_space<vmem_shared>> -> memref<632x128xf32, #tpu.memory_space<vmem_shared>>
      tpu.wait_dma2 semaphore(%run_scoped3A : memref<!tpu.dma_semaphore, #tpu.memory_space<semaphore_mem>>) src(%dma_wait3A_23 : memref<632x128xf32, #tpu.memory_space<vmem_shared>>) dst(%dma_wait3A_21 : memref<632x128xf32, #tpu.memory_space<hbm>>)
      tpu.yield
    }) : () -> ()
    return
  }
}

module attributes {stable_mosaic.version = 14 : i64} {
  func.func @k(%arg0: i32, %arg1: memref<2x1000x128xf32, #tpu.memory_space<vmem>>, %arg2: memref<1000x256xf32, #tpu.memory_space<vmem>>, %arg3: memref<192x256xf32, #tpu.memory_space<vmem>>, %arg4: memref<192x256xf32, #tpu.memory_space<vmem>>, %arg5: memref<1x192xf32, #tpu.memory_space<vmem>>, %arg6: memref<256x192xf32, #tpu.memory_space<vmem>>, %arg7: memref<1000x192xf32, #tpu.memory_space<vmem>>, %arg8: memref<2x1000x128xf32, #tpu.memory_space<vmem>>) attributes {dimension_semantics = [#tpu.dimension_semantics<arbitrary>], iteration_bounds = array<i64: 10>, scalar_prefetch = 0 : i64, scratch_operands = 0 : i64, tpu.core_type = #tpu.core_type<tc>, window_params = [{transform_indices = @transform_0, window_bounds = array<i64: 2, 1000, 128>}, {transform_indices = @transform_1, window_bounds = array<i64: 1000, 256>}, {pipeline_mode = #tpu.pipeline_mode<synchronous>, transform_indices = @transform_2, window_bounds = array<i64: 192, 256>}, {pipeline_mode = #tpu.pipeline_mode<synchronous>, transform_indices = @transform_3, window_bounds = array<i64: 192, 256>}, {pipeline_mode = #tpu.pipeline_mode<synchronous>, transform_indices = @transform_4, window_bounds = array<i64: 1, 192>}, {pipeline_mode = #tpu.pipeline_mode<synchronous>, transform_indices = @transform_5, window_bounds = array<i64: 256, 192>}, {transform_indices = @transform_6, window_bounds = array<i64: 1000, 192>}, {transform_indices = @transform_7, window_bounds = array<i64: 2, 1000, 128>}]} {
    %get3A = arith.constant 0 : index
    %get3A_0 = arith.constant 0 : index
    %get3A_1 = arith.constant 0 : index
    %get3A_2 = vector.load %arg1[%get3A, %get3A_0, %get3A_1] : memref<2x1000x128xf32, #tpu.memory_space<vmem>>, vector<1x1000x128xf32>
    %get3A_3 = vector.shape_cast %get3A_2 : vector<1x1000x128xf32> to vector<1000x128xf32>
    %get3A_4 = arith.constant 1 : index
    %get3A_5 = arith.constant 0 : index
    %get3A_6 = arith.constant 0 : index
    %get3A_7 = vector.load %arg1[%get3A_4, %get3A_5, %get3A_6] : memref<2x1000x128xf32, #tpu.memory_space<vmem>>, vector<1x1000x128xf32>
    %get3A_8 = vector.shape_cast %get3A_7 : vector<1x1000x128xf32> to vector<1000x128xf32>
    %concatenate3A = tpu.concatenate %get3A_3, %get3A_8 in 1 : vector<1000x128xf32>, vector<1000x128xf32> -> vector<1000x256xf32>
    %get3A_9 = arith.constant 0 : index
    %get3A_10 = arith.constant 0 : index
    %get3A_11 = vector.load %arg3[%get3A_9, %get3A_10] : memref<192x256xf32, #tpu.memory_space<vmem>>, vector<192x256xf32>
    %dot_general3A = arith.constant dense<0.000000e+00> : vector<1000x192xf32>
    %dot_general3A_12 = tpu.matmul %concatenate3A, %get3A_11, %dot_general3A {dimension_numbers = #tpu.dot_dimension_numbers<[1], [1], [0], [0], [0, 0, 1, 0], [], []>, transpose_lhs_hint = false} : vector<1000x256xf32>, vector<192x256xf32>, vector<1000x192xf32> -> vector<1000x192xf32>
    %get3A_13 = arith.constant 0 : index
    %get3A_14 = arith.constant 0 : index
    %get3A_15 = vector.load %arg2[%get3A_13, %get3A_14] : memref<1000x256xf32, #tpu.memory_space<vmem>>, vector<1000x256xf32>
    %get3A_16 = arith.constant 0 : index
    %get3A_17 = arith.constant 0 : index
    %get3A_18 = vector.load %arg4[%get3A_16, %get3A_17] : memref<192x256xf32, #tpu.memory_space<vmem>>, vector<192x256xf32>
    %dot_general3A_19 = arith.constant dense<0.000000e+00> : vector<1000x192xf32>
    %dot_general3A_20 = tpu.matmul %get3A_15, %get3A_18, %dot_general3A_19 {dimension_numbers = #tpu.dot_dimension_numbers<[1], [1], [0], [0], [0, 0, 1, 0], [], []>, transpose_lhs_hint = false} : vector<1000x256xf32>, vector<192x256xf32>, vector<1000x192xf32> -> vector<1000x192xf32>
    %add3A = arith.addf %dot_general3A_12, %dot_general3A_20 : vector<1000x192xf32>
    %get3A_21 = arith.constant 0 : index
    %get3A_22 = arith.constant 0 : index
    %get3A_23 = vector.load %arg5[%get3A_21, %get3A_22] : memref<1x192xf32, #tpu.memory_space<vmem>>, vector<1x192xf32>
    %add3A_24 = vector.broadcast %get3A_23 : vector<1x192xf32> to vector<1000x192xf32>
    %add3A_25 = arith.addf %add3A, %add3A_24 : vector<1000x192xf32>
    %max3A = arith.constant 0.000000e+00 : f32
    %max3A_26 = vector.broadcast %max3A : f32 to vector<1000x192xf32>
    %max3A_27 = arith.maximumf %add3A_25, %max3A_26 : vector<1000x192xf32>
    %swap3A = arith.constant 0 : index
    %swap3A_28 = arith.constant 0 : index
    %swap3A_29 = vector.load %arg7[%swap3A, %swap3A_28] : memref<1000x192xf32, #tpu.memory_space<vmem>>, vector<1000x192xf32>
    tpu.vector_store %arg7[%swap3A, %swap3A_28], %max3A_27 {strides = array<i32>} : memref<1000x192xf32, #tpu.memory_space<vmem>>, vector<1000x192xf32>,
    %get3A_30 = arith.constant 0 : index
    %get3A_31 = arith.constant 0 : index
    %get3A_32 = vector.load %arg6[%get3A_30, %get3A_31] : memref<256x192xf32, #tpu.memory_space<vmem>>, vector<256x192xf32>
    %dot_general3A_33 = arith.constant dense<0.000000e+00> : vector<1000x256xf32>
    %dot_general3A_34 = tpu.matmul %max3A_27, %get3A_32, %dot_general3A_33 {dimension_numbers = #tpu.dot_dimension_numbers<[1], [1], [0], [0], [0, 0, 1, 0], [], []>, transpose_lhs_hint = false} : vector<1000x192xf32>, vector<256x192xf32>, vector<1000x256xf32> -> vector<1000x256xf32>
    %slice3A = vector.extract_strided_slice %dot_general3A_34 {offsets = [0, 0], sizes = [1000, 128], strides = [1, 1]} : vector<1000x256xf32> to vector<1000x128xf32>
    %swap3A_35 = arith.constant 0 : index
    %swap3A_36 = arith.constant 0 : index
    %swap3A_37 = arith.constant 0 : index
    %swap3A_38 = vector.load %arg8[%swap3A_35, %swap3A_36, %swap3A_37] : memref<2x1000x128xf32, #tpu.memory_space<vmem>>, vector<1x1000x128xf32>
    %swap3A_39 = vector.shape_cast %swap3A_38 : vector<1x1000x128xf32> to vector<1000x128xf32>
    %swap3A_40 = vector.shape_cast %slice3A : vector<1000x128xf32> to vector<1x1000x128xf32>
    tpu.vector_store %arg8[%swap3A_35, %swap3A_36, %swap3A_37], %swap3A_40 {strides = array<i32>} : memref<2x1000x128xf32, #tpu.memory_space<vmem>>, vector<1x1000x128xf32>,
    %slice3A_41 = vector.extract_strided_slice %dot_general3A_34 {offsets = [0, 128], sizes = [1000, 128], strides = [1, 1]} : vector<1000x256xf32> to vector<1000x128xf32>
    %swap3A_42 = arith.constant 1 : index
    %swap3A_43 = arith.constant 0 : index
    %swap3A_44 = arith.constant 0 : index
    %swap3A_45 = vector.load %arg8[%swap3A_42, %swap3A_43, %swap3A_44] : memref<2x1000x128xf32, #tpu.memory_space<vmem>>, vector<1x1000x128xf32>
    %swap3A_46 = vector.shape_cast %swap3A_45 : vector<1x1000x128xf32> to vector<1000x128xf32>
    %swap3A_47 = vector.shape_cast %slice3A_41 : vector<1000x128xf32> to vector<1x1000x128xf32>
    tpu.vector_store %arg8[%swap3A_42, %swap3A_43, %swap3A_44], %swap3A_47 {strides = array<i32>} : memref<2x1000x128xf32, #tpu.memory_space<vmem>>, vector<1x1000x128xf32>,
    return
  }
  func.func @transform_0(%arg0: i32) -> (i32, i32, i32) {
    %c0_i32 = arith.constant 0 : i32
    %c0_i32_0 = arith.constant 0 : i32
    %c0_i32_1 = arith.constant 0 : i32
    return %c0_i32, %arg0, %c0_i32_0 : i32, i32, i32
  }
  func.func @transform_1(%arg0: i32) -> (i32, i32) {
    %c0_i32 = arith.constant 0 : i32
    %c0_i32_0 = arith.constant 0 : i32
    return %arg0, %c0_i32 : i32, i32
  }
  func.func @transform_2(%arg0: i32) -> (i32, i32) {
    %c0_i32 = arith.constant 0 : i32
    %c0_i32_0 = arith.constant 0 : i32
    %c0_i32_1 = arith.constant 0 : i32
    return %c0_i32, %c0_i32_0 : i32, i32
  }
  func.func @transform_3(%arg0: i32) -> (i32, i32) {
    %c0_i32 = arith.constant 0 : i32
    %c0_i32_0 = arith.constant 0 : i32
    %c0_i32_1 = arith.constant 0 : i32
    return %c0_i32, %c0_i32_0 : i32, i32
  }
  func.func @transform_4(%arg0: i32) -> (i32, i32) {
    %c0_i32 = arith.constant 0 : i32
    %c0_i32_0 = arith.constant 0 : i32
    %c0_i32_1 = arith.constant 0 : i32
    return %c0_i32, %c0_i32_0 : i32, i32
  }
  func.func @transform_5(%arg0: i32) -> (i32, i32) {
    %c0_i32 = arith.constant 0 : i32
    %c0_i32_0 = arith.constant 0 : i32
    %c0_i32_1 = arith.constant 0 : i32
    return %c0_i32, %c0_i32_0 : i32, i32
  }
  func.func @transform_6(%arg0: i32) -> (i32, i32) {
    %c0_i32 = arith.constant 0 : i32
    %c0_i32_0 = arith.constant 0 : i32
    return %arg0, %c0_i32 : i32, i32
  }
  func.func @transform_7(%arg0: i32) -> (i32, i32, i32) {
    %c0_i32 = arith.constant 0 : i32
    %c0_i32_0 = arith.constant 0 : i32
    %c0_i32_1 = arith.constant 0 : i32
    return %c0_i32, %arg0, %c0_i32_0 : i32, i32, i32
  }
}

module attributes {stable_mosaic.version = 14 : i64} {
  func.func @k(%arg0: i32, %arg1: memref<2x1000x128xf32, #tpu.memory_space<vmem>>, %arg2: memref<1000x192xf32, #tpu.memory_space<vmem>>, %arg3: memref<192x192xf32, #tpu.memory_space<vmem>>, %arg4: memref<1x192xf32, #tpu.memory_space<vmem>>, %arg5: memref<256x192xf32, #tpu.memory_space<vmem>>, %arg6: memref<1000x192xf32, #tpu.memory_space<vmem>>, %arg7: memref<2x1000x128xf32, #tpu.memory_space<vmem>>) attributes {dimension_semantics = [#tpu.dimension_semantics<arbitrary>], iteration_bounds = array<i64: 10>, scalar_prefetch = 0 : i64, scratch_operands = 0 : i64, tpu.core_type = #tpu.core_type<tc>, window_params = [{transform_indices = @transform_0, window_bounds = array<i64: 2, 1000, 128>}, {transform_indices = @transform_1, window_bounds = array<i64: 1000, 192>}, {pipeline_mode = #tpu.pipeline_mode<synchronous>, transform_indices = @transform_2, window_bounds = array<i64: 192, 192>}, {pipeline_mode = #tpu.pipeline_mode<synchronous>, transform_indices = @transform_3, window_bounds = array<i64: 1, 192>}, {pipeline_mode = #tpu.pipeline_mode<synchronous>, transform_indices = @transform_4, window_bounds = array<i64: 256, 192>}, {transform_indices = @transform_5, window_bounds = array<i64: 1000, 192>}, {transform_indices = @transform_6, window_bounds = array<i64: 2, 1000, 128>}]} {
    %get3A = arith.constant 0 : index
    %get3A_0 = arith.constant 0 : index
    %get3A_1 = arith.constant 0 : index
    %get3A_2 = vector.load %arg1[%get3A, %get3A_0, %get3A_1] : memref<2x1000x128xf32, #tpu.memory_space<vmem>>, vector<1x1000x128xf32>
    %get3A_3 = vector.shape_cast %get3A_2 : vector<1x1000x128xf32> to vector<1000x128xf32>
    %get3A_4 = arith.constant 1 : index
    %get3A_5 = arith.constant 0 : index
    %get3A_6 = arith.constant 0 : index
    %get3A_7 = vector.load %arg1[%get3A_4, %get3A_5, %get3A_6] : memref<2x1000x128xf32, #tpu.memory_space<vmem>>, vector<1x1000x128xf32>
    %get3A_8 = vector.shape_cast %get3A_7 : vector<1x1000x128xf32> to vector<1000x128xf32>
    %slice3A = vector.extract_strided_slice %get3A_8 {offsets = [0, 0], sizes = [1000, 64], strides = [1, 1]} : vector<1000x128xf32> to vector<1000x64xf32>
    %concatenate3A = tpu.concatenate %get3A_3, %slice3A in 1 : vector<1000x128xf32>, vector<1000x64xf32> -> vector<1000x192xf32>
    %get3A_9 = arith.constant 0 : index
    %get3A_10 = arith.constant 0 : index
    %get3A_11 = vector.load %arg2[%get3A_9, %get3A_10] : memref<1000x192xf32, #tpu.memory_space<vmem>>, vector<1000x192xf32>
    %get3A_12 = arith.constant 0 : index
    %get3A_13 = arith.constant 0 : index
    %get3A_14 = vector.load %arg3[%get3A_12, %get3A_13] : memref<192x192xf32, #tpu.memory_space<vmem>>, vector<192x192xf32>
    %dot_general3A = arith.constant dense<0.000000e+00> : vector<1000x192xf32>
    %dot_general3A_15 = tpu.matmul %get3A_11, %get3A_14, %dot_general3A {dimension_numbers = #tpu.dot_dimension_numbers<[1], [1], [0], [0], [0, 0, 1, 0], [], []>, transpose_lhs_hint = false} : vector<1000x192xf32>, vector<192x192xf32>, vector<1000x192xf32> -> vector<1000x192xf32>
    %add3A = arith.addf %concatenate3A, %dot_general3A_15 : vector<1000x192xf32>
    %get3A_16 = arith.constant 0 : index
    %get3A_17 = arith.constant 0 : index
    %get3A_18 = vector.load %arg4[%get3A_16, %get3A_17] : memref<1x192xf32, #tpu.memory_space<vmem>>, vector<1x192xf32>
    %add3A_19 = vector.broadcast %get3A_18 : vector<1x192xf32> to vector<1000x192xf32>
    %add3A_20 = arith.addf %add3A, %add3A_19 : vector<1000x192xf32>
    %max3A = arith.constant 0.000000e+00 : f32
    %max3A_21 = vector.broadcast %max3A : f32 to vector<1000x192xf32>
    %max3A_22 = arith.maximumf %add3A_20, %max3A_21 : vector<1000x192xf32>
    %swap3A = arith.constant 0 : index
    %swap3A_23 = arith.constant 0 : index
    %swap3A_24 = vector.load %arg6[%swap3A, %swap3A_23] : memref<1000x192xf32, #tpu.memory_space<vmem>>, vector<1000x192xf32>
    tpu.vector_store %arg6[%swap3A, %swap3A_23], %max3A_22 {strides = array<i32>} : memref<1000x192xf32, #tpu.memory_space<vmem>>, vector<1000x192xf32>,
    %get3A_25 = arith.constant 0 : index
    %get3A_26 = arith.constant 0 : index
    %get3A_27 = vector.load %arg5[%get3A_25, %get3A_26] : memref<256x192xf32, #tpu.memory_space<vmem>>, vector<256x192xf32>
    %dot_general3A_28 = arith.constant dense<0.000000e+00> : vector<1000x256xf32>
    %dot_general3A_29 = tpu.matmul %max3A_22, %get3A_27, %dot_general3A_28 {dimension_numbers = #tpu.dot_dimension_numbers<[1], [1], [0], [0], [0, 0, 1, 0], [], []>, transpose_lhs_hint = false} : vector<1000x192xf32>, vector<256x192xf32>, vector<1000x256xf32> -> vector<1000x256xf32>
    %slice3A_30 = vector.extract_strided_slice %dot_general3A_29 {offsets = [0, 0], sizes = [1000, 128], strides = [1, 1]} : vector<1000x256xf32> to vector<1000x128xf32>
    %swap3A_31 = arith.constant 0 : index
    %swap3A_32 = arith.constant 0 : index
    %swap3A_33 = arith.constant 0 : index
    %swap3A_34 = vector.load %arg7[%swap3A_31, %swap3A_32, %swap3A_33] : memref<2x1000x128xf32, #tpu.memory_space<vmem>>, vector<1x1000x128xf32>
    %swap3A_35 = vector.shape_cast %swap3A_34 : vector<1x1000x128xf32> to vector<1000x128xf32>
    %swap3A_36 = vector.shape_cast %slice3A_30 : vector<1000x128xf32> to vector<1x1000x128xf32>
    tpu.vector_store %arg7[%swap3A_31, %swap3A_32, %swap3A_33], %swap3A_36 {strides = array<i32>} : memref<2x1000x128xf32, #tpu.memory_space<vmem>>, vector<1x1000x128xf32>,
    %slice3A_37 = vector.extract_strided_slice %dot_general3A_29 {offsets = [0, 128], sizes = [1000, 128], strides = [1, 1]} : vector<1000x256xf32> to vector<1000x128xf32>
    %swap3A_38 = arith.constant 1 : index
    %swap3A_39 = arith.constant 0 : index
    %swap3A_40 = arith.constant 0 : index
    %swap3A_41 = vector.load %arg7[%swap3A_38, %swap3A_39, %swap3A_40] : memref<2x1000x128xf32, #tpu.memory_space<vmem>>, vector<1x1000x128xf32>
    %swap3A_42 = vector.shape_cast %swap3A_41 : vector<1x1000x128xf32> to vector<1000x128xf32>
    %swap3A_43 = vector.shape_cast %slice3A_37 : vector<1000x128xf32> to vector<1x1000x128xf32>
    tpu.vector_store %arg7[%swap3A_38, %swap3A_39, %swap3A_40], %swap3A_43 {strides = array<i32>} : memref<2x1000x128xf32, #tpu.memory_space<vmem>>, vector<1x1000x128xf32>,
    return
  }
  func.func @transform_0(%arg0: i32) -> (i32, i32, i32) {
    %c0_i32 = arith.constant 0 : i32
    %c0_i32_0 = arith.constant 0 : i32
    %c0_i32_1 = arith.constant 0 : i32
    return %c0_i32, %arg0, %c0_i32_0 : i32, i32, i32
  }
  func.func @transform_1(%arg0: i32) -> (i32, i32) {
    %c0_i32 = arith.constant 0 : i32
    %c0_i32_0 = arith.constant 0 : i32
    return %arg0, %c0_i32 : i32, i32
  }
  func.func @transform_2(%arg0: i32) -> (i32, i32) {
    %c0_i32 = arith.constant 0 : i32
    %c0_i32_0 = arith.constant 0 : i32
    %c0_i32_1 = arith.constant 0 : i32
    return %c0_i32, %c0_i32_0 : i32, i32
  }
  func.func @transform_3(%arg0: i32) -> (i32, i32) {
    %c0_i32 = arith.constant 0 : i32
    %c0_i32_0 = arith.constant 0 : i32
    %c0_i32_1 = arith.constant 0 : i32
    return %c0_i32, %c0_i32_0 : i32, i32
  }
  func.func @transform_4(%arg0: i32) -> (i32, i32) {
    %c0_i32 = arith.constant 0 : i32
    %c0_i32_0 = arith.constant 0 : i32
    %c0_i32_1 = arith.constant 0 : i32
    return %c0_i32, %c0_i32_0 : i32, i32
  }
  func.func @transform_5(%arg0: i32) -> (i32, i32) {
    %c0_i32 = arith.constant 0 : i32
    %c0_i32_0 = arith.constant 0 : i32
    return %arg0, %c0_i32 : i32, i32
  }
  func.func @transform_6(%arg0: i32) -> (i32, i32, i32) {
    %c0_i32 = arith.constant 0 : i32
    %c0_i32_0 = arith.constant 0 : i32
    %c0_i32_1 = arith.constant 0 : i32
    return %c0_i32, %arg0, %c0_i32_0 : i32, i32, i32
  }
}

module attributes {stable_mosaic.version = 14 : i64} {
  func.func @k(%arg0: i32, %arg1: memref<2x1000x128xf32, #tpu.memory_space<vmem>>, %arg2: memref<1000x192xf32, #tpu.memory_space<vmem>>, %arg3: memref<192x192xf32, #tpu.memory_space<vmem>>, %arg4: memref<1x192xf32, #tpu.memory_space<vmem>>, %arg5: memref<256x192xf32, #tpu.memory_space<vmem>>, %arg6: memref<1x256xf32, #tpu.memory_space<vmem>>, %arg7: memref<1000x256xf32, #tpu.memory_space<vmem>>) attributes {dimension_semantics = [#tpu.dimension_semantics<arbitrary>], iteration_bounds = array<i64: 10>, scalar_prefetch = 0 : i64, scratch_operands = 0 : i64, tpu.core_type = #tpu.core_type<tc>, window_params = [{transform_indices = @transform_0, window_bounds = array<i64: 2, 1000, 128>}, {transform_indices = @transform_1, window_bounds = array<i64: 1000, 192>}, {pipeline_mode = #tpu.pipeline_mode<synchronous>, transform_indices = @transform_2, window_bounds = array<i64: 192, 192>}, {pipeline_mode = #tpu.pipeline_mode<synchronous>, transform_indices = @transform_3, window_bounds = array<i64: 1, 192>}, {pipeline_mode = #tpu.pipeline_mode<synchronous>, transform_indices = @transform_4, window_bounds = array<i64: 256, 192>}, {pipeline_mode = #tpu.pipeline_mode<synchronous>, transform_indices = @transform_5, window_bounds = array<i64: 1, 256>}, {transform_indices = @transform_6, window_bounds = array<i64: 1000, 256>}]} {
    %get3A = arith.constant 0 : index
    %get3A_0 = arith.constant 0 : index
    %get3A_1 = arith.constant 0 : index
    %get3A_2 = vector.load %arg1[%get3A, %get3A_0, %get3A_1] : memref<2x1000x128xf32, #tpu.memory_space<vmem>>, vector<1x1000x128xf32>
    %get3A_3 = vector.shape_cast %get3A_2 : vector<1x1000x128xf32> to vector<1000x128xf32>
    %get3A_4 = arith.constant 1 : index
    %get3A_5 = arith.constant 0 : index
    %get3A_6 = arith.constant 0 : index
    %get3A_7 = vector.load %arg1[%get3A_4, %get3A_5, %get3A_6] : memref<2x1000x128xf32, #tpu.memory_space<vmem>>, vector<1x1000x128xf32>
    %get3A_8 = vector.shape_cast %get3A_7 : vector<1x1000x128xf32> to vector<1000x128xf32>
    %slice3A = vector.extract_strided_slice %get3A_8 {offsets = [0, 0], sizes = [1000, 64], strides = [1, 1]} : vector<1000x128xf32> to vector<1000x64xf32>
    %concatenate3A = tpu.concatenate %get3A_3, %slice3A in 1 : vector<1000x128xf32>, vector<1000x64xf32> -> vector<1000x192xf32>
    %get3A_9 = arith.constant 0 : index
    %get3A_10 = arith.constant 0 : index
    %get3A_11 = vector.load %arg2[%get3A_9, %get3A_10] : memref<1000x192xf32, #tpu.memory_space<vmem>>, vector<1000x192xf32>
    %get3A_12 = arith.constant 0 : index
    %get3A_13 = arith.constant 0 : index
    %get3A_14 = vector.load %arg3[%get3A_12, %get3A_13] : memref<192x192xf32, #tpu.memory_space<vmem>>, vector<192x192xf32>
    %dot_general3A = arith.constant dense<0.000000e+00> : vector<1000x192xf32>
    %dot_general3A_15 = tpu.matmul %get3A_11, %get3A_14, %dot_general3A {dimension_numbers = #tpu.dot_dimension_numbers<[1], [1], [0], [0], [0, 0, 1, 0], [], []>, transpose_lhs_hint = false} : vector<1000x192xf32>, vector<192x192xf32>, vector<1000x192xf32> -> vector<1000x192xf32>
    %add3A = arith.addf %concatenate3A, %dot_general3A_15 : vector<1000x192xf32>
    %get3A_16 = arith.constant 0 : index
    %get3A_17 = arith.constant 0 : index
    %get3A_18 = vector.load %arg4[%get3A_16, %get3A_17] : memref<1x192xf32, #tpu.memory_space<vmem>>, vector<1x192xf32>
    %add3A_19 = vector.broadcast %get3A_18 : vector<1x192xf32> to vector<1000x192xf32>
    %add3A_20 = arith.addf %add3A, %add3A_19 : vector<1000x192xf32>
    %max3A = arith.constant 0.000000e+00 : f32
    %max3A_21 = vector.broadcast %max3A : f32 to vector<1000x192xf32>
    %max3A_22 = arith.maximumf %add3A_20, %max3A_21 : vector<1000x192xf32>
    %get3A_23 = arith.constant 0 : index
    %get3A_24 = arith.constant 0 : index
    %get3A_25 = vector.load %arg5[%get3A_23, %get3A_24] : memref<256x192xf32, #tpu.memory_space<vmem>>, vector<256x192xf32>
    %dot_general3A_26 = arith.constant dense<0.000000e+00> : vector<1000x256xf32>
    %dot_general3A_27 = tpu.matmul %max3A_22, %get3A_25, %dot_general3A_26 {dimension_numbers = #tpu.dot_dimension_numbers<[1], [1], [0], [0], [0, 0, 1, 0], [], []>, transpose_lhs_hint = false} : vector<1000x192xf32>, vector<256x192xf32>, vector<1000x256xf32> -> vector<1000x256xf32>
    %get3A_28 = arith.constant 0 : index
    %get3A_29 = arith.constant 0 : index
    %get3A_30 = vector.load %arg6[%get3A_28, %get3A_29] : memref<1x256xf32, #tpu.memory_space<vmem>>, vector<1x256xf32>
    %add3A_31 = vector.broadcast %get3A_30 : vector<1x256xf32> to vector<1000x256xf32>
    %add3A_32 = arith.addf %dot_general3A_27, %add3A_31 : vector<1000x256xf32>
    %swap3A = arith.constant 0 : index
    %swap3A_33 = arith.constant 0 : index
    %swap3A_34 = vector.load %arg7[%swap3A, %swap3A_33] : memref<1000x256xf32, #tpu.memory_space<vmem>>, vector<1000x256xf32>
    tpu.vector_store %arg7[%swap3A, %swap3A_33], %add3A_32 {strides = array<i32>} : memref<1000x256xf32, #tpu.memory_space<vmem>>, vector<1000x256xf32>,
    return
  }
  func.func @transform_0(%arg0: i32) -> (i32, i32, i32) {
    %c0_i32 = arith.constant 0 : i32
    %c0_i32_0 = arith.constant 0 : i32
    %c0_i32_1 = arith.constant 0 : i32
    return %c0_i32, %arg0, %c0_i32_0 : i32, i32, i32
  }
  func.func @transform_1(%arg0: i32) -> (i32, i32) {
    %c0_i32 = arith.constant 0 : i32
    %c0_i32_0 = arith.constant 0 : i32
    return %arg0, %c0_i32 : i32, i32
  }
  func.func @transform_2(%arg0: i32) -> (i32, i32) {
    %c0_i32 = arith.constant 0 : i32
    %c0_i32_0 = arith.constant 0 : i32
    %c0_i32_1 = arith.constant 0 : i32
    return %c0_i32, %c0_i32_0 : i32, i32
  }
  func.func @transform_3(%arg0: i32) -> (i32, i32) {
    %c0_i32 = arith.constant 0 : i32
    %c0_i32_0 = arith.constant 0 : i32
    %c0_i32_1 = arith.constant 0 : i32
    return %c0_i32, %c0_i32_0 : i32, i32
  }
  func.func @transform_4(%arg0: i32) -> (i32, i32) {
    %c0_i32 = arith.constant 0 : i32
    %c0_i32_0 = arith.constant 0 : i32
    %c0_i32_1 = arith.constant 0 : i32
    return %c0_i32, %c0_i32_0 : i32, i32
  }
  func.func @transform_5(%arg0: i32) -> (i32, i32) {
    %c0_i32 = arith.constant 0 : i32
    %c0_i32_0 = arith.constant 0 : i32
    %c0_i32_1 = arith.constant 0 : i32
    return %c0_i32, %c0_i32_0 : i32, i32
  }
  func.func @transform_6(%arg0: i32) -> (i32, i32) {
    %c0_i32 = arith.constant 0 : i32
    %c0_i32_0 = arith.constant 0 : i32
    return %arg0, %c0_i32 : i32, i32
  }
}

</mosaic_0001>

<sc_bundles>
// kernel: kernel.11.cloned.1.call-start
scs
__scs_entry_jumppad:
0x0: {  	(pc) =	sbr.rel $0x88, $3  }
0x1: {  	(tag) =	ssettag $0x0;
	lr =	simm.s32 $0x1  }
0x2: {  	[smem:$0x3F94] =	sst lr;
	_ =	strace $0xD0000000  }
0x3: {  	_ = 	snop  }
0x4: {  	_ = 	snop  }
0x5: {  	_ = 	snop  }
0x6: {  	_ = 	snop  }
0x7: {  	_ = 	snop  }
__scs_overlays_trampoline_lowered:
0x8: {  	[smem:$0x3FA3] =	sst s0  }
0x9: {  	[smem:$0x3FA4] =	sst s1  }
0xa: {  	[smem:$0x3FA5] =	sst s2  }
0xb: {  	[smem:$0x3FA6] =	sst s3  }
0xc: {  	[smem:$0x3FA7] =	sst s4  }
0xd: {  	[smem:$0x3FA8] =	sst s5  }
0xe: {  	[smem:$0x3FA9] =	sst s6  }
0xf: {  	[smem:$0x3FAA] =	sst s7  }
0x10: {  	[smem:$0x3FAB] =	sst s8  }
0x11: {  	[smem:$0x3FAC] =	sst s9;
	s0 =	simm.s32 @!p0 $0x0  }
0x12: {  	s1 =	sld [smem:$0x3F92];
	s0 =	simm.s32 @p0 $0x1  }
0x13: {  	[smem:$0x3FAD] =	sst s0;
	s0 =	simm.s32 @!p1 $0x0  }
0x14: {  	s2 =	sld [smem:$0x3F91];
	s0 =	simm.s32 @p1 $0x1  }
0x15: {  	[smem:$0x3FAE] =	sst s0;
	s0 =	simm.s32 @!p2 $0x0  }
0x16: {  	s3 =	sld [smem:$0x3FDB];
	s0 =	simm.s32 @p2 $0x1  }
0x17: {  	s4 =	simm.s32 $0x1BF5;
	[smem:$0x3FB0] =	sst s0  }
0x18: {  	s0 =	sld [smem:$0x3F93];
	_ =	swait.ge [sflag:s4], $0x0  }
0x19: {  	s7 =	sld [smem:$0x3F94]  }
0x1a: {  	s8 =	sadd.s32 $0xFFFFE003, lr  }
0x1b: {  	s9 =	sadd.s32 $0xFFFFFEF7, lr;
	s5 =	simm.s32 $0xFFFFFFFF;
	p2 =	slt.u32 s8, $0xFFFFF086  }
0x1c: {  	p1 =	slt.u32 s9, $0xF7A;
	s5 =	simm.s32 @!p2 $0x0  }
0x1d: {  	s5 =	simm.s32 @p1 $0x1;
	p0 =	seq.s32 s7, s2  }
0x1e: {  	s7 =	smul.u32 @!p0 $0xF7A, s2;
	p2 =	seq.s32 @!p0 s5, $0x0  }
0x1f: {  	s9 =	smul.u32 $0xF7A, s1;
	s8 =	simm.s32 @!p0 $0x1BF5;
	p2 =	por !p2, p0  }
0x20: {  	[sflag:s8] =	ssyncset.s32 @!p0 $0xFFFFF086;
	s6 =	sadd.s32 @!p0 s3, s7;
	s7 =	simm.s32 @!p0 $0x108  }
0x21: {  	s3 =	sadd.s32 s3, s9;
	s6 =	sadd.s32 @!p0 $0x88, s6;
	s7 =	simm.s32 @p2 $0x1082  }
0x22: {  	[simem:s7], [sflag:s8] =	dma.local @!p0 [hbm:s6], $0xF7A  }
0x23: {  	s9 =	sor.u32 $0xD0000000, s2;
	s6 =	simm.s32 $0x108;
	_ =	swait.ge @!p0 [sflag:s8], $0x0  }
0x24: {  	s3 =	sadd.s32 $0x88, s3;
	s6 =	simm.s32 @!p1 $0x1082;
	[sflag:s4] =	ssyncset.s32 $0xFFFFF086  }
0x25: {  	[simem:s6], [sflag:s4] =	dma.local [hbm:s3], $0xF7A  }
0x26: {  	[smem:$0x3F94] =	sst s1;
	(tag) =	ssettag s2;
	_ =	strace s9  }
0x27: {  	s1 =	sld [smem:$0x3FA4]  }
0x28: {  	s2 =	sld [smem:$0x3FA5]  }
0x29: {  	s4 =	sld [smem:$0x3FA7]  }
0x2a: {  	p0 =	seq.s32 s5, $0x0;
	s5 =	sld [smem:$0x3FA8]  }
0x2b: {  	s6 =	sld [smem:$0x3FA9]  }
0x2c: {  	s7 =	sld [smem:$0x3FAA]  }
0x2d: {  	s3 =	simm.s32 $0x108;
	s8 =	sld [smem:$0x3FAB]  }
0x2e: {  	s3 =	simm.s32 @!p0 $0x1082;
	s9 =	sld [smem:$0x3FAC]  }
0x2f: {  	lr =	sadd.s32 s0, s3;
	s0 =	sld [smem:$0x3FA3]  }
0x30: {  	s3 =	sld [smem:$0x3FA6]  }
0x31: {  	[smem:$0x3FAF] =	sst s10  }
0x32: {  	s10 =	sld [smem:$0x3FAD];
	_ =	sdelay $0x3  }
0x33: {  	p0 =	seq.s32 s10, $0x1;
	s10 =	sld [smem:$0x3FAF];
	_ =	sdelay $0x3  }
0x34: {  	[smem:$0x3FAF] =	sst s10  }
0x35: {  	s10 =	sld [smem:$0x3FAE];
	_ =	sdelay $0x3  }
0x36: {  	p1 =	seq.s32 s10, $0x1;
	s10 =	sld [smem:$0x3FAF];
	_ =	sdelay $0x3  }
0x37: {  	[smem:$0x3FAF] =	sst s10  }
0x38: {  	s10 =	sld [smem:$0x3FB0]  }
0x39: {  	_ = 	snop;
	(pc) =	sbr.ind lr, $3  }
0x3a: {  	_ = 	snop  }
0x3b: {  	_ = 	snop  }
0x3c: {  	p2 =	seq.s32 s10, $0x1;
	s10 =	sld [smem:$0x3FAF]  }
0x3d: {  	_ =	shalt  }
0x3e: {  	_ =	shalt  }
0x3f: {  	_ =	shalt  }
0x40: {  	_ =	shalt  }
0x41: {  	_ =	shalt  }
0x42: {  	_ =	shalt  }
0x43: {  	_ =	shalt  }
0x44: {  	_ =	shalt  }
0x45: {  	_ =	shalt  }
0x46: {  	_ =	shalt  }
0x47: {  	_ =	shalt  }
0x48: {  	_ =	shalt  }
0x49: {  	_ =	shalt  }
0x4a: {  	_ =	shalt  }
0x4b: {  	_ =	shalt  }
0x4c: {  	_ =	shalt  }
0x4d: {  	_ =	shalt  }
0x4e: {  	_ =	shalt  }
0x4f: {  	_ =	shalt  }
0x50: {  	_ =	shalt  }
0x51: {  	_ =	shalt  }
0x52: {  	_ =	shalt  }
0x53: {  	_ =	shalt  }
0x54: {  	_ =	shalt  }
0x55: {  	_ =	shalt  }
0x56: {  	_ =	shalt  }
0x57: {  	_ =	shalt  }
0x58: {  	_ =	shalt  }
0x59: {  	_ =	shalt  }
0x5a: {  	_ =	shalt  }
0x5b: {  	_ =	shalt  }
0x5c: {  	_ =	shalt  }
0x5d: {  	_ =	shalt  }
0x5e: {  	_ =	shalt  }
0x5f: {  	_ =	shalt  }
0x60: {  	_ =	shalt  }
0x61: {  	_ =	shalt  }
0x62: {  	_ =	shalt  }
0x63: {  	_ =	shalt  }
0x64: {  	_ =	shalt  }
0x65: {  	_ =	shalt  }
0x66: {  	_ =	shalt  }
0x67: {  	_ =	shalt  }
0x68: {  	_ =	shalt  }
0x69: {  	_ =	shalt  }
0x6a: {  	_ =	shalt  }
0x6b: {  	_ =	shalt  }
0x6c: {  	_ =	shalt  }
0x6d: {  	_ =	shalt  }
0x6e: {  	_ =	shalt  }
0x6f: {  	_ =	shalt  }
0x70: {  	_ =	shalt  }
0x71: {  	_ =	shalt  }
0x72: {  	_ =	shalt  }
0x73: {  	_ =	shalt  }
0x74: {  	_ =	shalt  }
0x75: {  	_ =	shalt  }
0x76: {  	_ =	shalt  }
0x77: {  	_ =	shalt  }
0x78: {  	_ =	shalt  }
0x79: {  	_ =	shalt  }
0x7a: {  	_ =	shalt  }
0x7b: {  	_ =	shalt  }
0x7c: {  	_ =	shalt  }
0x7d: {  	_ =	shalt  }
0x7e: {  	_ =	shalt  }
0x7f: {  	_ =	shalt  }
0x80: {  	_ =	shalt  }
0x81: {  	_ =	shalt  }
0x82: {  	_ =	shalt  }
0x83: {  	_ =	shalt  }
0x84: {  	_ =	shalt  }
0x85: {  	_ =	shalt  }
0x86: {  	_ =	shalt  }
0x87: {  	_ =	shalt  }
.Lfunc_end0:
.L_simem_size_0:
called_computation.1_lowered:
.L_overlay_start_0:
0x88: {  	s2 =	sld [smem:$0x3FD9]  }
0x89: {  	s3 =	sld [smem:$0x3FFE];
	_ =	sdelay $0x1  }
0x8a: {  	s1 =	srdreg.scid  }
0x8b: {  	s0 =	sand.u32 $0x1, s1  }
0x8c: {  	s17 =	sshll.u32 s0, $0xA;
	s2 =	sadd.s32 s3, s2  }
0x8d: {  	s2 =	sadd.s32 s2, s17  }
0x8e: {  	[smem:$0x3FBB] =	sst s2  }
0x8f: {  	_ = 	snop  }
0x90: {  	s2 =	sld [smem:$0x3FD0];
	(tm) =	ssettm $0x1  }
0x91: {  	s18 =	sld [smem:$0x3FFB];
	_ =	sdelay $0x3  }
0x92: {  	_ =	strace s18  }
0x93: {  	s3 =	sld [smem:$0x3FFC];
	_ =	sdelay $0x3  }
0x94: {  	_ =	strace s3  }
0x95: {  	s3 =	sld [smem:$0x3FFD];
	_ =	sdelay $0x3  }
0x96: {  	_ =	strace s3  }
0x97: {  	_ =	strace $0x8FFFFFFF  }
0x98: {  	s19 =	sld [smem:$0x3FDB];
	_ =	sdelay $0x1  }
0x99: {  	s4 =	simm.s32 $_scs_section_size  }
0x9a: {  	s5 =	simm.s32 $_size__tile_overlayer_lowered;
	s6 =	simm.s32 $_tile_overlayer_lowered  }
0x9b: {  	s22 =	simm.s32 $0x1BFF;
	s21 =	sshll.u32 s6, $0x1;
	s3 =	sadd.s32 s4, s19  }
0x9c: {  	s7 =	simm.s32 $0x0;
	s20 =	sshll.u32 s5, $0x1;
	s5 =	sadd.s32 s21, s3  }
0x9d: {  	[timem:s7], [sflag:s22] =	dma.local [hbm:s5], s20  }
0x9e: {  	_ =	swait.ge [sflag:s22], s20  }
0x9f: {  	s4 =	ssub.s32 $0x0, s20;
	[sflag:s22] =	ssyncset.done $0x0  }
0xa0: {  	[sflag:s22] =	ssyncadd.s32 s4;
	_ =	sdelay $0x1  }
0xa1: {  	s23 =	simm.s32 $0x1B8B  }
0xa2: {  	_ =	swait.ge [sflag:s23], $0x1  }
0xa3: {  	[sflag:s23] =	ssyncset.done $0x0  }
0xa4: {  	s25 =	simm.s32 $0x1B8E;
	s24 =	sld [smem:$0x3FFE];
	[sflag:s23] =	ssyncadd.s32 $0xFFFFFFFF  }
0xa5: {  	s26 =	simm.s32 $execute0_lowered;
	[smem:$0x3FD2] =	sst s25  }
0xa6: {  	s5 =	sshll.u32 s26, $0x1;
	_ =	strace $0x80000049;
	[dreg:$0x1] =	wrdreg $0xFFFFFFFF  }
0xa7: {  	s28 =	simm.s32 $_size_execute0_lowered;
	s3 =	sadd.s32 s3, s5;
	[dreg:$0x0] =	wrdreg $0x0  }
0xa8: {  	s5 =	sshll.u32 s28, $0x1;
	[dreg:$0x2] =	wrdreg s3  }
0xa9: {  	[dreg:$0x3] =	wrdreg s5  }
0xaa: {  	[dreg:$0x4] =	wrdreg $0xC0  }
0xab: {  	_ =	task [dreg:s7], $0x5FFFF  }
0xac: {  	[dreg:$0x1] =	wrdreg $0xFFFFFFFF  }
0xad: {  	[dreg:$0x0] =	wrdreg $0x60  }
0xae: {  	[dreg:$0x2] =	wrdreg s2  }
0xaf: {  	[dreg:$0x3] =	wrdreg s24  }
0xb0: {  	[dreg:$0x4] =	wrdreg $0xC0000  }
0xb1: {  	[dreg:$0x5] =	wrdreg $0x9  }
0xb2: {  	_ =	task.clear_ibuf [dreg:s7], $0x6FFFF;
	_ =	strace $0x90000049  }
0xb3: {  	s29 =	simm.s32 $0x9;
	_ =	strace $0x8000004B  }
0xb4: {  	_ =	swait.ge [sflag:s29], $0x1  }
0xb5: {  	[sflag:s29] =	ssyncadd.s32 $0xFFFFFFFF  }
0xb6: {  	_ =	strace $0x9000004B  }
0xb7: {  	_ =	sfence  }
0xb8: {  	s30 =	sld [smem:$0x0];
	_ =	sdelay $0x2  }
0xb9: {  	s31 =	sshll.u32 s1, $0xD;
	s1 =	sshrl.u32 s1, $0x2  }
0xba: {  	s3 =	sand.u32 $0x4000, s31;
	s1 =	sadd.s32 s1, s30  }
0xbb: {  	s0 =	sor.u32 s3, s0;
	s1 =	sshll.u32 s1, $0x11  }
0xbc: {  	s0 =	sor.u32 s1, s0  }
0xbd: {  	s0 =	sadd.s32 $0x8F2B, s0  }
0xbe: {  	[sflag:s0] =	ssyncadd.remote.s32 $0x1  }
0xbf: {  	_ =	sfence.sel $0xFFFF  }
0xc0: {  	[dreg:$0x0] =	wrdreg $0xFFFFFFFF;
	(pc) =	sbr.abs _section_cstart, $3  }
0xc1: {  	[dreg:$0x1] =	wrdreg $0xFFFFFFFF  }
0xc2: {  	_ =	task.clear_ibuf [dreg:s7], $0x2FFFF;
	_ =	strace $0x9FFFFFFF  }
0xc3: {  	(tm) =	ssettm $0x7FFFFFFF  }
tec
execute0_lowered:
.L_overlay_start_1:
0x0: {  	(tag) =	ssettag $0x1  }
0x1: {  	s2 =	srdreg.scid;
	s1 =	rddreg [dreg:$0x0]  }
0x2: {  	s0 =	stileid.u32;
	s7 =	rddreg [dreg:$0x1]  }
0x3: {  	s3 =	rddreg [dreg:$0x2];
	s14 =	simm.s32 $0x400;
	s15 =	simm.s32 $0x2800  }
0x4: {  	s16 =	simm.s32 $0x6000;
	s17 =	simm.s32 $0x60;
	s18 =	simm.s32 $0x9000  }
0x5: {  	s19 =	simm.s32 $0x1;
	s20 =	simm.s32 $0x2760;
	s9 =	smul.u32 $0x700, s0  }
0x6: {  	s21 =	simm.s32 $0x5C00;
	s22 =	simm.s32 $0x5C80;
	s10 =	smul.u32 $0x13C00, s0  }
0x7: {  	s23 =	simm.s32 $0x0;
	s6 =	sand.u32 $0x1, s2;
	s26 =	smul.u32 $0x4F000, s0  }
0x8: {  	s24 =	sshrl.u32 s0, $0x3;
	s2 =	rddreg [dreg:$0x3];
	s4 =	smul.u32 $0x28000, s6  }
0x9: {  	s8 =	sshll.u32 s0, $0x7;
	s31 =	sshll.u32 s0, $0x6;
	s5 =	smul.u32 $0x14000, s24  }
0xa: {  	s8 =	sand.u32 $0x380, s8;
	s25 =	smul.u32 $0x13C000, s6;
	s6 =	ssub.s32 $0x2, s6  }
0xb: {  	s9 =	sadd.s32 s9, s7;
	s28 =	sshrl.u32 s6, $0x1;
	s29 =	sshrl.u32 s26, $0x2  }
0xc: {  	s5 =	sadd.s32 s4, s5;
	s4 =	simm.s32 $0x0;
	s30 =	ssub.s32 s6, s28  }
0xd: {  	s13 =	sadd.s32 s29, s3;
	s6 =	sor.u32 $0x1C02, s31;
	s5 =	sor.u32 s8, s5  }
0xe: {  	[smem:$0x7FF] =	sst s4;
	s8 =	sadd.s32 s10, s25;
	s10 =	smax.u32 s30, $0x1  }
0xf: {  	s5 =	sshrl.u32 s5, $0x3;
	_ =	strace $0x8000004A;
	s8 =	sshrl.u32 s8, $0x3  }
0x10: {  	s11 =	sadd.s32 s5, s7;
	s5 =	sadd.s32 $0x9600, s7;
	s12 =	sadd.s32 s8, s7  }
0x11: {  	s8 =	sadd.s32 $0x2600, s9;
	s7 =	sadd.s32 $0x5AE00, s11;
	s9 =	sadd.s32 $0x64E00, s12  }
0x12: {  	s11 =	sshrl.u32 s13, $0x3;
	s12 =	simm.s32 $0x2;
	s13 =	simm.s32 $0x80  }
.LBB2_1:
0x13: {  	[spmem:s11], [sflag:s6] =	dma.local [hbm:s5], $0x2780  }
0x14: {  	_ =	swait.ge [sflag:s12], $0x2780  }
0x15: {  	[sflag:s12] =	ssyncset.done $0x0  }
0x16: {  	[sflag:s12] =	ssyncadd.s32 $0xFFFFD880  }
0x17: {  	[tilespmem:s4], [sflag:$0x2] =	stream.strided.gather [hbm4b:s7+s13], $0x2800, s14, s13, $0x38;
	[tilespmem:$0x1FC00] =	vst v63  }
0x18: {  	_ =	swait.ge [sflag:s12], $0x2800  }
0x19: {  	[sflag:s12] =	ssyncset.done $0x0  }
0x1a: {  	[sflag:s12] =	ssyncadd.s32 $0xFFFFD800  }
0x1b: {  	[tilespmem:s15], [sflag:$0x2] =	stream.linear.gather [hbm4b:s8+s4], $0x3500, $0x38;
	[tilespmem:$0x1FC00] =	vst v63  }
0x1c: {  	_ =	swait.ge [sflag:s12], $0x3500  }
0x1d: {  	[sflag:s12] =	ssyncset.done $0x0  }
0x1e: {  	[sflag:s12] =	ssyncadd.s32 $0xFFFFCB00  }
0x1f: {  	[bflag:$0x0] =	sbarrier.arrive $0xFFFF  }
0x20: {  	[tilespmem:s16], [sflag:$0x1] =	stream.indirect.gather [hbm4b:s1+s17], $0x80, s4, s17, $0xb8;
	[tilespmem:$0x1FC00] =	vst v63  }
0x21: {  	_ = 	snop  }
0x22: {  	[tilespmem:s18], [sflag:$0x1] =	stream.indirect.gather [hbm4b:s1+s17], $0x80, s17, s17, $0xb8;
	[tilespmem:$0x1FC00] =	vst v63  }
0x23: {  	_ =	swait.ge [sflag:s19], $0x3000  }
0x24: {  	[sflag:s19] =	ssyncset.done $0x0  }
0x25: {  	s24 =	simm.s32 $0x2800;
	[sflag:s19] =	ssyncadd.s32 $0xFFFFD000  }
0x26: {  	[spmem:s3] =	stream.indirect.scatter.add.f32 [tilespmem:s16], [sflag:$0x2], $0x80, s24, s17, $0xb8;
	[tilespmem:$0x1FC00] =	vst v63  }
0x27: {  	_ =	swait.ge [sflag:s12], $0x3000  }
0x28: {  	[sflag:s12] =	ssyncset.done $0x0  }
0x29: {  	s30 =	simm.s32 $0xC0;
	[sflag:s12] =	ssyncadd.s32 $0xFFFFD000  }
0x2a: {  	[tilespmem:s16], [sflag:$0x1] =	stream.indirect.gather [hbm4b:s1+s17], $0x80, s30, s17, $0xb8;
	[tilespmem:$0x1FC00] =	vst v63  }
0x2b: {  	_ =	swait.ge [sflag:s19], $0x3000  }
0x2c: {  	[sflag:s19] =	ssyncset.done $0x0  }
0x2d: {  	s31 =	simm.s32 $0x2880;
	[sflag:s19] =	ssyncadd.s32 $0xFFFFD000  }
0x2e: {  	[spmem:s3] =	stream.indirect.scatter.add.f32 [tilespmem:s18], [sflag:$0x2], $0x80, s31, s17, $0xb8;
	[tilespmem:$0x1FC00] =	vst v63  }
0x2f: {  	_ =	swait.ge [sflag:s12], $0x3000  }
0x30: {  	s25 =	simm.s32 $0x60;
	s24 =	simm.s32 $0x400;
	[sflag:s12] =	ssyncset.done $0x0  }
.LBB2_2:
0x31: {  	p0 =	sne.s32 s24, $0xCC00;
	[sflag:s12] =	ssyncadd.s32 $0xFFFFD000;
	s25 =	sadd.s32 $0xC0, s25  }
0x32: {  	[tilespmem:s18], [sflag:$0x1] =	stream.indirect.gather [hbm4b:s1+s17], $0x80, s25, s17, $0xb8;
	[tilespmem:$0x1FC00] =	vst v63  }
0x33: {  	s26 =	smov.u32 s24;
	s24 =	sadd.s32 $0x400, s24;
	_ =	swait.ge [sflag:s19], $0x3000  }
0x34: {  	s26 =	sshra.s32 s26, $0x2;
	[sflag:s19] =	ssyncset.done $0x0  }
0x35: {  	s28 =	sadd.s32 $0x2800, s26;
	[sflag:s19] =	ssyncadd.s32 $0xFFFFD000  }
0x36: {  	[spmem:s3] =	stream.indirect.scatter.add.f32 [tilespmem:s16], [sflag:$0x2], $0x80, s28, s17, $0xb8;
	[tilespmem:$0x1FC00] =	vst v63  }
0x37: {  	_ =	swait.ge [sflag:s12], $0x3000  }
0x38: {  	[sflag:s12] =	ssyncset.done $0x0  }
0x39: {  	s28 =	sadd.s32 $0x60, s25;
	[sflag:s12] =	ssyncadd.s32 $0xFFFFD000  }
0x3a: {  	[tilespmem:s16], [sflag:$0x1] =	stream.indirect.gather [hbm4b:s1+s17], $0x80, s28, s17, $0xb8;
	[tilespmem:$0x1FC00] =	vst v63  }
0x3b: {  	_ =	swait.ge [sflag:s19], $0x3000  }
.Ltmp0:
0x3c: {  	[sflag:s19] =	ssyncset.done $0x0;
	(pc) =	sbr.rel @p0 .LBB2_2-.Ltmp0, $4  }
0x3d: {  	s26 =	sadd.s32 $0x2880, s26;
	[sflag:s19] =	ssyncadd.s32 $0xFFFFD000  }
0x3e: {  	[spmem:s3] =	stream.indirect.scatter.add.f32 [tilespmem:s18], [sflag:$0x2], $0x80, s26, s17, $0xb8;
	[tilespmem:$0x1FC00] =	vst v63  }
0x3f: {  	_ =	swait.ge [sflag:s12], $0x3000  }
0x40: {  	[sflag:s12] =	ssyncset.done $0x0  }
0x41: {  	[sflag:s12] =	ssyncadd.s32 $0xFFFFD000  }
0x42: {  	[tilespmem:s18], [sflag:$0x1] =	stream.indirect.gather [hbm4b:s1+s17], $0x80, s20, s17, $0xb8;
	[tilespmem:$0x1FC00] =	vst v63  }
0x43: {  	_ =	swait.ge [sflag:s19], $0x3000  }
0x44: {  	[sflag:s19] =	ssyncset.done $0x0  }
0x45: {  	[sflag:s19] =	ssyncadd.s32 $0xFFFFD000  }
0x46: {  	[spmem:s3] =	stream.indirect.scatter.add.f32 [tilespmem:s16], [sflag:$0x2], $0x80, s21, s17, $0xb8;
	[tilespmem:$0x1FC00] =	vst v63  }
0x47: {  	_ =	swait.ge [sflag:s12], $0x3000  }
0x48: {  	[sflag:s12] =	ssyncset.done $0x0  }
0x49: {  	[sflag:s12] =	ssyncadd.s32 $0xFFFFD000  }
0x4a: {  	_ =	swait.ge [sflag:s19], $0x3000  }
0x4b: {  	[sflag:s19] =	ssyncset.done $0x0  }
0x4c: {  	[sflag:s19] =	ssyncadd.s32 $0xFFFFD000  }
0x4d: {  	[spmem:s3] =	stream.indirect.scatter.add.f32 [tilespmem:s18], [sflag:$0x2], $0x80, s22, s17, $0xb8;
	[tilespmem:$0x1FC00] =	vst v63  }
0x4e: {  	_ =	swait.ge [sflag:s12], $0x3000  }
0x4f: {  	s23 =	sadd.s32 $0x1, s23;
	[sflag:s12] =	ssyncset.done $0x0  }
0x50: {  	p0 =	sne.s32 s23, s10;
	[sflag:s12] =	ssyncadd.s32 $0xFFFFD000  }
.Ltmp1:
0x51: {  	[bflag:$0x0] =	sbarrier.arrive $0xFFFF;
	(pc) =	sbr.rel @p0 .LBB2_1-.Ltmp1, $4  }
0x52: {  	[hbm:s9], [sflag:s6] =	dma.local [spmem:s11], $0x2780  }
0x53: {  	_ =	swait.ge [sflag:s12], $0x2780  }
0x54: {  	[sflag:s12] =	ssyncset.done $0x0  }
0x55: {  	[sflag:s12] =	ssyncadd.s32 $0xFFFFD880  }
0x56: {  	_ =	sfence.sel $0x180000  }
0x57: {  	[bflag:$0x0] =	sbarrier.arrive $0xFFFF  }
0x58: {  	p0 =	sne.s32 s0, $0x0;
	_ =	strace $0x9000004A  }
0x59: {  	s0 =	sadd.s32 @!p0 $0x100000, s2;
	[bflag:$0x2] =	sbarrier.arrive $0xFFFF  }
0x5a: {  	[sflag:s0] =	ssyncadd.tile.s32 @!p0 $0x1;
	_ =	shalt  }
.Lfunc_end2:
_tile_overlayer_lowered:
.L_overlay_start_2:
0x5b: {  	(tag) =	ssettag $0x2  }
0x5c: {  	s0 =	rddreg [dreg:$0x0];
	s2 =	stileid.u32  }
0x5d: {  	s1 =	rddreg [dreg:$0x1];
	p0 =	sne.s32 s2, $0x0  }
0x5e: {  	s3 =	rddreg [dreg:$0x2];
	[bflag:$0x3] =	sbarrier.arrive $0xFFFF;
	s2 =	simm.s32 @!p0 $0x1C02  }
0x5f: {  	[timem:s3], [sflag:s2] =	dma.local @!p0 [hbm:s0], s1  }
0x60: {  	s0 =	simm.s32 @!p0 $0x2  }
0x61: {  	_ =	swait.ge @!p0 [sflag:s0], s1  }
0x62: {  	s1 =	ssub.s32 @!p0 $0x0, s1;
	[sflag:s0] =	ssyncset.done @!p0 $0x0  }
0x63: {  	[sflag:s0] =	ssyncadd.s32 @!p0 s1  }
0x64: {  	[bflag:$0x3] =	sbarrier.arrive $0xFFFF  }
0x65: {  	_ =	shalt  }

// kernel: kernel.14.cloned.1.call-start
scs
__scs_entry_jumppad:
0x0: {  	(pc) =	sbr.rel $0x88, $3  }
0x1: {  	(tag) =	ssettag $0x0;
	lr =	simm.s32 $0x1  }
0x2: {  	[smem:$0x3F94] =	sst lr;
	_ =	strace $0xD0000000  }
0x3: {  	_ = 	snop  }
0x4: {  	_ = 	snop  }
0x5: {  	_ = 	snop  }
0x6: {  	_ = 	snop  }
0x7: {  	_ = 	snop  }
__scs_overlays_trampoline_lowered:
0x8: {  	[smem:$0x3FA3] =	sst s0  }
0x9: {  	[smem:$0x3FA4] =	sst s1  }
0xa: {  	[smem:$0x3FA5] =	sst s2  }
0xb: {  	[smem:$0x3FA6] =	sst s3  }
0xc: {  	[smem:$0x3FA7] =	sst s4  }
0xd: {  	[smem:$0x3FA8] =	sst s5  }
0xe: {  	[smem:$0x3FA9] =	sst s6  }
0xf: {  	[smem:$0x3FAA] =	sst s7  }
0x10: {  	[smem:$0x3FAB] =	sst s8  }
0x11: {  	[smem:$0x3FAC] =	sst s9;
	s0 =	simm.s32 @!p0 $0x0  }
0x12: {  	s1 =	sld [smem:$0x3F92];
	s0 =	simm.s32 @p0 $0x1  }
0x13: {  	[smem:$0x3FAD] =	sst s0;
	s0 =	simm.s32 @!p1 $0x0  }
0x14: {  	s2 =	sld [smem:$0x3F91];
	s0 =	simm.s32 @p1 $0x1  }
0x15: {  	[smem:$0x3FAE] =	sst s0;
	s0 =	simm.s32 @!p2 $0x0  }
0x16: {  	s3 =	sld [smem:$0x3FDB];
	s0 =	simm.s32 @p2 $0x1  }
0x17: {  	s4 =	simm.s32 $0x1BF5;
	[smem:$0x3FB0] =	sst s0  }
0x18: {  	s0 =	sld [smem:$0x3F93];
	_ =	swait.ge [sflag:s4], $0x0  }
0x19: {  	s7 =	sld [smem:$0x3F94]  }
0x1a: {  	s8 =	sadd.s32 $0xFFFFE003, lr  }
0x1b: {  	s9 =	sadd.s32 $0xFFFFFEF7, lr;
	s5 =	simm.s32 $0xFFFFFFFF;
	p2 =	slt.u32 s8, $0xFFFFF086  }
0x1c: {  	p1 =	slt.u32 s9, $0xF7A;
	s5 =	simm.s32 @!p2 $0x0  }
0x1d: {  	s5 =	simm.s32 @p1 $0x1;
	p0 =	seq.s32 s7, s2  }
0x1e: {  	s7 =	smul.u32 @!p0 $0xF7A, s2;
	p2 =	seq.s32 @!p0 s5, $0x0  }
0x1f: {  	s9 =	smul.u32 $0xF7A, s1;
	s8 =	simm.s32 @!p0 $0x1BF5;
	p2 =	por !p2, p0  }
0x20: {  	[sflag:s8] =	ssyncset.s32 @!p0 $0xFFFFF086;
	s6 =	sadd.s32 @!p0 s3, s7;
	s7 =	simm.s32 @!p0 $0x108  }
0x21: {  	s3 =	sadd.s32 s3, s9;
	s6 =	sadd.s32 @!p0 $0x88, s6;
	s7 =	simm.s32 @p2 $0x1082  }
0x22: {  	[simem:s7], [sflag:s8] =	dma.local @!p0 [hbm:s6], $0xF7A  }
0x23: {  	s9 =	sor.u32 $0xD0000000, s2;
	s6 =	simm.s32 $0x108;
	_ =	swait.ge @!p0 [sflag:s8], $0x0  }
0x24: {  	s3 =	sadd.s32 $0x88, s3;
	s6 =	simm.s32 @!p1 $0x1082;
	[sflag:s4] =	ssyncset.s32 $0xFFFFF086  }
0x25: {  	[simem:s6], [sflag:s4] =	dma.local [hbm:s3], $0xF7A  }
0x26: {  	[smem:$0x3F94] =	sst s1;
	(tag) =	ssettag s2;
	_ =	strace s9  }
0x27: {  	s1 =	sld [smem:$0x3FA4]  }
0x28: {  	s2 =	sld [smem:$0x3FA5]  }
0x29: {  	s4 =	sld [smem:$0x3FA7]  }
0x2a: {  	p0 =	seq.s32 s5, $0x0;
	s5 =	sld [smem:$0x3FA8]  }
0x2b: {  	s6 =	sld [smem:$0x3FA9]  }
0x2c: {  	s7 =	sld [smem:$0x3FAA]  }
0x2d: {  	s3 =	simm.s32 $0x108;
	s8 =	sld [smem:$0x3FAB]  }
0x2e: {  	s3 =	simm.s32 @!p0 $0x1082;
	s9 =	sld [smem:$0x3FAC]  }
0x2f: {  	lr =	sadd.s32 s0, s3;
	s0 =	sld [smem:$0x3FA3]  }
0x30: {  	s3 =	sld [smem:$0x3FA6]  }
0x31: {  	[smem:$0x3FAF] =	sst s10  }
0x32: {  	s10 =	sld [smem:$0x3FAD];
	_ =	sdelay $0x3  }
0x33: {  	p0 =	seq.s32 s10, $0x1;
	s10 =	sld [smem:$0x3FAF];
	_ =	sdelay $0x3  }
0x34: {  	[smem:$0x3FAF] =	sst s10  }
0x35: {  	s10 =	sld [smem:$0x3FAE];
	_ =	sdelay $0x3  }
0x36: {  	p1 =	seq.s32 s10, $0x1;
	s10 =	sld [smem:$0x3FAF];
	_ =	sdelay $0x3  }
0x37: {  	[smem:$0x3FAF] =	sst s10  }
0x38: {  	s10 =	sld [smem:$0x3FB0]  }
0x39: {  	_ = 	snop;
	(pc) =	sbr.ind lr, $3  }
0x3a: {  	_ = 	snop  }
0x3b: {  	_ = 	snop  }
0x3c: {  	p2 =	seq.s32 s10, $0x1;
	s10 =	sld [smem:$0x3FAF]  }
0x3d: {  	_ =	shalt  }
0x3e: {  	_ =	shalt  }
0x3f: {  	_ =	shalt  }
0x40: {  	_ =	shalt  }
0x41: {  	_ =	shalt  }
0x42: {  	_ =	shalt  }
0x43: {  	_ =	shalt  }
0x44: {  	_ =	shalt  }
0x45: {  	_ =	shalt  }
0x46: {  	_ =	shalt  }
0x47: {  	_ =	shalt  }
0x48: {  	_ =	shalt  }
0x49: {  	_ =	shalt  }
0x4a: {  	_ =	shalt  }
0x4b: {  	_ =	shalt  }
0x4c: {  	_ =	shalt  }
0x4d: {  	_ =	shalt  }
0x4e: {  	_ =	shalt  }
0x4f: {  	_ =	shalt  }
0x50: {  	_ =	shalt  }
0x51: {  	_ =	shalt  }
0x52: {  	_ =	shalt  }
0x53: {  	_ =	shalt  }
0x54: {  	_ =	shalt  }
0x55: {  	_ =	shalt  }
0x56: {  	_ =	shalt  }
0x57: {  	_ =	shalt  }
0x58: {  	_ =	shalt  }
0x59: {  	_ =	shalt  }
0x5a: {  	_ =	shalt  }
0x5b: {  	_ =	shalt  }
0x5c: {  	_ =	shalt  }
0x5d: {  	_ =	shalt  }
0x5e: {  	_ =	shalt  }
0x5f: {  	_ =	shalt  }
0x60: {  	_ =	shalt  }
0x61: {  	_ =	shalt  }
0x62: {  	_ =	shalt  }
0x63: {  	_ =	shalt  }
0x64: {  	_ =	shalt  }
0x65: {  	_ =	shalt  }
0x66: {  	_ =	shalt  }
0x67: {  	_ =	shalt  }
0x68: {  	_ =	shalt  }
0x69: {  	_ =	shalt  }
0x6a: {  	_ =	shalt  }
0x6b: {  	_ =	shalt  }
0x6c: {  	_ =	shalt  }
0x6d: {  	_ =	shalt  }
0x6e: {  	_ =	shalt  }
0x6f: {  	_ =	shalt  }
0x70: {  	_ =	shalt  }
0x71: {  	_ =	shalt  }
0x72: {  	_ =	shalt  }
0x73: {  	_ =	shalt  }
0x74: {  	_ =	shalt  }
0x75: {  	_ =	shalt  }
0x76: {  	_ =	shalt  }
0x77: {  	_ =	shalt  }
0x78: {  	_ =	shalt  }
0x79: {  	_ =	shalt  }
0x7a: {  	_ =	shalt  }
0x7b: {  	_ =	shalt  }
0x7c: {  	_ =	shalt  }
0x7d: {  	_ =	shalt  }
0x7e: {  	_ =	shalt  }
0x7f: {  	_ =	shalt  }
0x80: {  	_ =	shalt  }
0x81: {  	_ =	shalt  }
0x82: {  	_ =	shalt  }
0x83: {  	_ =	shalt  }
0x84: {  	_ =	shalt  }
0x85: {  	_ =	shalt  }
0x86: {  	_ =	shalt  }
0x87: {  	_ =	shalt  }
.Lfunc_end0:
.L_simem_size_0:
called_computation.2_lowered:
.L_overlay_start_0:
0x88: {  	s2 =	sld [smem:$0x3FD9]  }
0x89: {  	s3 =	sld [smem:$0x3FFE];
	_ =	sdelay $0x1  }
0x8a: {  	s1 =	srdreg.scid  }
0x8b: {  	s0 =	sand.u32 $0x1, s1  }
0x8c: {  	s17 =	sshll.u32 s0, $0xA;
	s2 =	sadd.s32 s3, s2  }
0x8d: {  	s2 =	sadd.s32 s2, s17  }
0x8e: {  	[smem:$0x3FBB] =	sst s2  }
0x8f: {  	_ = 	snop  }
0x90: {  	s2 =	sld [smem:$0x3FD0];
	(tm) =	ssettm $0x1  }
0x91: {  	s18 =	sld [smem:$0x3FFB];
	_ =	sdelay $0x3  }
0x92: {  	_ =	strace s18  }
0x93: {  	s3 =	sld [smem:$0x3FFC];
	_ =	sdelay $0x3  }
0x94: {  	_ =	strace s3  }
0x95: {  	s3 =	sld [smem:$0x3FFD];
	_ =	sdelay $0x3  }
0x96: {  	_ =	strace s3  }
0x97: {  	_ =	strace $0x8FFFFFFF  }
0x98: {  	s19 =	sld [smem:$0x3FDB];
	_ =	sdelay $0x1  }
0x99: {  	s4 =	simm.s32 $_scs_section_size  }
0x9a: {  	s5 =	simm.s32 $_size__tile_overlayer_lowered;
	s6 =	simm.s32 $_tile_overlayer_lowered  }
0x9b: {  	s22 =	simm.s32 $0x1BFF;
	s21 =	sshll.u32 s6, $0x1;
	s3 =	sadd.s32 s4, s19  }
0x9c: {  	s7 =	simm.s32 $0x0;
	s20 =	sshll.u32 s5, $0x1;
	s5 =	sadd.s32 s21, s3  }
0x9d: {  	[timem:s7], [sflag:s22] =	dma.local [hbm:s5], s20  }
0x9e: {  	_ =	swait.ge [sflag:s22], s20  }
0x9f: {  	s4 =	ssub.s32 $0x0, s20;
	[sflag:s22] =	ssyncset.done $0x0  }
0xa0: {  	[sflag:s22] =	ssyncadd.s32 s4;
	_ =	sdelay $0x1  }
0xa1: {  	s23 =	simm.s32 $0x1B8B  }
0xa2: {  	_ =	swait.ge [sflag:s23], $0x1  }
0xa3: {  	[sflag:s23] =	ssyncset.done $0x0  }
0xa4: {  	s25 =	simm.s32 $0x1B8E;
	s24 =	sld [smem:$0x3FFE];
	[sflag:s23] =	ssyncadd.s32 $0xFFFFFFFF  }
0xa5: {  	s26 =	simm.s32 $execute0_lowered;
	[smem:$0x3FD2] =	sst s25  }
0xa6: {  	s5 =	sshll.u32 s26, $0x1;
	_ =	strace $0x8000004C;
	[dreg:$0x1] =	wrdreg $0xFFFFFFFF  }
0xa7: {  	s28 =	simm.s32 $_size_execute0_lowered;
	s3 =	sadd.s32 s3, s5;
	[dreg:$0x0] =	wrdreg $0x0  }
0xa8: {  	s5 =	sshll.u32 s28, $0x1;
	[dreg:$0x2] =	wrdreg s3  }
0xa9: {  	[dreg:$0x3] =	wrdreg s5  }
0xaa: {  	[dreg:$0x4] =	wrdreg $0xC0  }
0xab: {  	_ =	task [dreg:s7], $0x5FFFF  }
0xac: {  	[dreg:$0x1] =	wrdreg $0xFFFFFFFF  }
0xad: {  	[dreg:$0x0] =	wrdreg $0x60  }
0xae: {  	[dreg:$0x2] =	wrdreg s2  }
0xaf: {  	[dreg:$0x3] =	wrdreg s24  }
0xb0: {  	[dreg:$0x4] =	wrdreg $0xC0000  }
0xb1: {  	[dreg:$0x5] =	wrdreg $0x9  }
0xb2: {  	_ =	task.clear_ibuf [dreg:s7], $0x6FFFF;
	_ =	strace $0x9000004C  }
0xb3: {  	s29 =	simm.s32 $0x9;
	_ =	strace $0x8000004E  }
0xb4: {  	_ =	swait.ge [sflag:s29], $0x1  }
0xb5: {  	[sflag:s29] =	ssyncadd.s32 $0xFFFFFFFF  }
0xb6: {  	_ =	strace $0x9000004E  }
0xb7: {  	_ =	sfence  }
0xb8: {  	s30 =	sld [smem:$0x0];
	_ =	sdelay $0x2  }
0xb9: {  	s31 =	sshll.u32 s1, $0xD;
	s1 =	sshrl.u32 s1, $0x2  }
0xba: {  	s3 =	sand.u32 $0x4000, s31;
	s1 =	sadd.s32 s1, s30  }
0xbb: {  	s0 =	sor.u32 s3, s0;
	s1 =	sshll.u32 s1, $0x11  }
0xbc: {  	s0 =	sor.u32 s1, s0  }
0xbd: {  	s0 =	sadd.s32 $0x8F2B, s0  }
0xbe: {  	[sflag:s0] =	ssyncadd.remote.s32 $0x1  }
0xbf: {  	_ =	sfence.sel $0xFFFF  }
0xc0: {  	[dreg:$0x0] =	wrdreg $0xFFFFFFFF;
	(pc) =	sbr.abs _section_cstart, $3  }
0xc1: {  	[dreg:$0x1] =	wrdreg $0xFFFFFFFF  }
0xc2: {  	_ =	task.clear_ibuf [dreg:s7], $0x2FFFF;
	_ =	strace $0x9FFFFFFF  }
0xc3: {  	(tm) =	ssettm $0x7FFFFFFF  }
tec
execute0_lowered:
.L_overlay_start_1:
0x0: {  	(tag) =	ssettag $0x1  }
0x1: {  	s2 =	srdreg.scid;
	s1 =	rddreg [dreg:$0x0]  }
0x2: {  	s0 =	stileid.u32;
	s7 =	rddreg [dreg:$0x1]  }
0x3: {  	s3 =	rddreg [dreg:$0x2];
	s14 =	simm.s32 $0x400;
	s15 =	simm.s32 $0x2800  }
0x4: {  	s16 =	simm.s32 $0x6000;
	s17 =	simm.s32 $0x60;
	s18 =	simm.s32 $0x9000  }
0x5: {  	s19 =	simm.s32 $0x1;
	s20 =	simm.s32 $0x2760;
	s9 =	smul.u32 $0x700, s0  }
0x6: {  	s21 =	simm.s32 $0x5C00;
	s22 =	simm.s32 $0x5C80;
	s10 =	smul.u32 $0x13C00, s0  }
0x7: {  	s23 =	simm.s32 $0x0;
	s6 =	sand.u32 $0x1, s2;
	s26 =	smul.u32 $0x4F000, s0  }
0x8: {  	s24 =	sshrl.u32 s0, $0x3;
	s2 =	rddreg [dreg:$0x3];
	s4 =	smul.u32 $0x28000, s6  }
0x9: {  	s8 =	sshll.u32 s0, $0x7;
	s31 =	sshll.u32 s0, $0x6;
	s5 =	smul.u32 $0x14000, s24  }
0xa: {  	s8 =	sand.u32 $0x380, s8;
	s25 =	smul.u32 $0x13C000, s6;
	s6 =	ssub.s32 $0x2, s6  }
0xb: {  	s9 =	sadd.s32 s9, s7;
	s28 =	sshrl.u32 s6, $0x1;
	s29 =	sshrl.u32 s26, $0x2  }
0xc: {  	s5 =	sadd.s32 s4, s5;
	s4 =	simm.s32 $0x0;
	s30 =	ssub.s32 s6, s28  }
0xd: {  	s13 =	sadd.s32 s29, s3;
	s6 =	sor.u32 $0x1C02, s31;
	s5 =	sor.u32 s8, s5  }
0xe: {  	[smem:$0x7FF] =	sst s4;
	s8 =	sadd.s32 s10, s25;
	s10 =	smax.u32 s30, $0x1  }
0xf: {  	s5 =	sshrl.u32 s5, $0x3;
	_ =	strace $0x8000004D;
	s8 =	sshrl.u32 s8, $0x3  }
0x10: {  	s11 =	sadd.s32 s5, s7;
	s5 =	sadd.s32 $0x9600, s7;
	s12 =	sadd.s32 s8, s7  }
0x11: {  	s8 =	sadd.s32 $0x2600, s9;
	s7 =	sadd.s32 $0x5AE00, s11;
	s9 =	sadd.s32 $0xBE00, s12  }
0x12: {  	s11 =	sshrl.u32 s13, $0x3;
	s12 =	simm.s32 $0x2;
	s13 =	simm.s32 $0x80  }
.LBB2_1:
0x13: {  	[spmem:s11], [sflag:s6] =	dma.local [hbm:s5], $0x2780  }
0x14: {  	_ =	swait.ge [sflag:s12], $0x2780  }
0x15: {  	[sflag:s12] =	ssyncset.done $0x0  }
0x16: {  	[sflag:s12] =	ssyncadd.s32 $0xFFFFD880  }
0x17: {  	[tilespmem:s4], [sflag:$0x2] =	stream.strided.gather [hbm4b:s7+s13], $0x2800, s14, s13, $0x38;
	[tilespmem:$0x1FC00] =	vst v63  }
0x18: {  	_ =	swait.ge [sflag:s12], $0x2800  }
0x19: {  	[sflag:s12] =	ssyncset.done $0x0  }
0x1a: {  	[sflag:s12] =	ssyncadd.s32 $0xFFFFD800  }
0x1b: {  	[tilespmem:s15], [sflag:$0x2] =	stream.linear.gather [hbm4b:s8+s4], $0x3500, $0x38;
	[tilespmem:$0x1FC00] =	vst v63  }
0x1c: {  	_ =	swait.ge [sflag:s12], $0x3500  }
0x1d: {  	[sflag:s12] =	ssyncset.done $0x0  }
0x1e: {  	[sflag:s12] =	ssyncadd.s32 $0xFFFFCB00  }
0x1f: {  	[bflag:$0x0] =	sbarrier.arrive $0xFFFF  }
0x20: {  	[tilespmem:s16], [sflag:$0x1] =	stream.indirect.gather [hbm4b:s1+s17], $0x80, s4, s17, $0xb8;
	[tilespmem:$0x1FC00] =	vst v63  }
0x21: {  	_ = 	snop  }
0x22: {  	[tilespmem:s18], [sflag:$0x1] =	stream.indirect.gather [hbm4b:s1+s17], $0x80, s17, s17, $0xb8;
	[tilespmem:$0x1FC00] =	vst v63  }
0x23: {  	_ =	swait.ge [sflag:s19], $0x3000  }
0x24: {  	[sflag:s19] =	ssyncset.done $0x0  }
0x25: {  	s24 =	simm.s32 $0x2800;
	[sflag:s19] =	ssyncadd.s32 $0xFFFFD000  }
0x26: {  	[spmem:s3] =	stream.indirect.scatter.add.f32 [tilespmem:s16], [sflag:$0x2], $0x80, s24, s17, $0xb8;
	[tilespmem:$0x1FC00] =	vst v63  }
0x27: {  	_ =	swait.ge [sflag:s12], $0x3000  }
0x28: {  	[sflag:s12] =	ssyncset.done $0x0  }
0x29: {  	s30 =	simm.s32 $0xC0;
	[sflag:s12] =	ssyncadd.s32 $0xFFFFD000  }
0x2a: {  	[tilespmem:s16], [sflag:$0x1] =	stream.indirect.gather [hbm4b:s1+s17], $0x80, s30, s17, $0xb8;
	[tilespmem:$0x1FC00] =	vst v63  }
0x2b: {  	_ =	swait.ge [sflag:s19], $0x3000  }
0x2c: {  	[sflag:s19] =	ssyncset.done $0x0  }
0x2d: {  	s31 =	simm.s32 $0x2880;
	[sflag:s19] =	ssyncadd.s32 $0xFFFFD000  }
0x2e: {  	[spmem:s3] =	stream.indirect.scatter.add.f32 [tilespmem:s18], [sflag:$0x2], $0x80, s31, s17, $0xb8;
	[tilespmem:$0x1FC00] =	vst v63  }
0x2f: {  	_ =	swait.ge [sflag:s12], $0x3000  }
0x30: {  	s25 =	simm.s32 $0x60;
	s24 =	simm.s32 $0x400;
	[sflag:s12] =	ssyncset.done $0x0  }
.LBB2_2:
0x31: {  	p0 =	sne.s32 s24, $0xCC00;
	[sflag:s12] =	ssyncadd.s32 $0xFFFFD000;
	s25 =	sadd.s32 $0xC0, s25  }
0x32: {  	[tilespmem:s18], [sflag:$0x1] =	stream.indirect.gather [hbm4b:s1+s17], $0x80, s25, s17, $0xb8;
	[tilespmem:$0x1FC00] =	vst v63  }
0x33: {  	s26 =	smov.u32 s24;
	s24 =	sadd.s32 $0x400, s24;
	_ =	swait.ge [sflag:s19], $0x3000  }
0x34: {  	s26 =	sshra.s32 s26, $0x2;
	[sflag:s19] =	ssyncset.done $0x0  }
0x35: {  	s28 =	sadd.s32 $0x2800, s26;
	[sflag:s19] =	ssyncadd.s32 $0xFFFFD000  }
0x36: {  	[spmem:s3] =	stream.indirect.scatter.add.f32 [tilespmem:s16], [sflag:$0x2], $0x80, s28, s17, $0xb8;
	[tilespmem:$0x1FC00] =	vst v63  }
0x37: {  	_ =	swait.ge [sflag:s12], $0x3000  }
0x38: {  	[sflag:s12] =	ssyncset.done $0x0  }
0x39: {  	s28 =	sadd.s32 $0x60, s25;
	[sflag:s12] =	ssyncadd.s32 $0xFFFFD000  }
0x3a: {  	[tilespmem:s16], [sflag:$0x1] =	stream.indirect.gather [hbm4b:s1+s17], $0x80, s28, s17, $0xb8;
	[tilespmem:$0x1FC00] =	vst v63  }
0x3b: {  	_ =	swait.ge [sflag:s19], $0x3000  }
.Ltmp0:
0x3c: {  	[sflag:s19] =	ssyncset.done $0x0;
	(pc) =	sbr.rel @p0 .LBB2_2-.Ltmp0, $4  }
0x3d: {  	s26 =	sadd.s32 $0x2880, s26;
	[sflag:s19] =	ssyncadd.s32 $0xFFFFD000  }
0x3e: {  	[spmem:s3] =	stream.indirect.scatter.add.f32 [tilespmem:s18], [sflag:$0x2], $0x80, s26, s17, $0xb8;
	[tilespmem:$0x1FC00] =	vst v63  }
0x3f: {  	_ =	swait.ge [sflag:s12], $0x3000  }
0x40: {  	[sflag:s12] =	ssyncset.done $0x0  }
0x41: {  	[sflag:s12] =	ssyncadd.s32 $0xFFFFD000  }
0x42: {  	[tilespmem:s18], [sflag:$0x1] =	stream.indirect.gather [hbm4b:s1+s17], $0x80, s20, s17, $0xb8;
	[tilespmem:$0x1FC00] =	vst v63  }
0x43: {  	_ =	swait.ge [sflag:s19], $0x3000  }
0x44: {  	[sflag:s19] =	ssyncset.done $0x0  }
0x45: {  	[sflag:s19] =	ssyncadd.s32 $0xFFFFD000  }
0x46: {  	[spmem:s3] =	stream.indirect.scatter.add.f32 [tilespmem:s16], [sflag:$0x2], $0x80, s21, s17, $0xb8;
	[tilespmem:$0x1FC00] =	vst v63  }
0x47: {  	_ =	swait.ge [sflag:s12], $0x3000  }
0x48: {  	[sflag:s12] =	ssyncset.done $0x0  }
0x49: {  	[sflag:s12] =	ssyncadd.s32 $0xFFFFD000  }
0x4a: {  	_ =	swait.ge [sflag:s19], $0x3000  }
0x4b: {  	[sflag:s19] =	ssyncset.done $0x0  }
0x4c: {  	[sflag:s19] =	ssyncadd.s32 $0xFFFFD000  }
0x4d: {  	[spmem:s3] =	stream.indirect.scatter.add.f32 [tilespmem:s18], [sflag:$0x2], $0x80, s22, s17, $0xb8;
	[tilespmem:$0x1FC00] =	vst v63  }
0x4e: {  	_ =	swait.ge [sflag:s12], $0x3000  }
0x4f: {  	s23 =	sadd.s32 $0x1, s23;
	[sflag:s12] =	ssyncset.done $0x0  }
0x50: {  	p0 =	sne.s32 s23, s10;
	[sflag:s12] =	ssyncadd.s32 $0xFFFFD000  }
.Ltmp1:
0x51: {  	[bflag:$0x0] =	sbarrier.arrive $0xFFFF;
	(pc) =	sbr.rel @p0 .LBB2_1-.Ltmp1, $4  }
0x52: {  	[hbm:s9], [sflag:s6] =	dma.local [spmem:s11], $0x2780  }
0x53: {  	_ =	swait.ge [sflag:s12], $0x2780  }
0x54: {  	[sflag:s12] =	ssyncset.done $0x0  }
0x55: {  	[sflag:s12] =	ssyncadd.s32 $0xFFFFD880  }
0x56: {  	_ =	sfence.sel $0x180000  }
0x57: {  	[bflag:$0x0] =	sbarrier.arrive $0xFFFF  }
0x58: {  	p0 =	sne.s32 s0, $0x0;
	_ =	strace $0x9000004D  }
0x59: {  	s0 =	sadd.s32 @!p0 $0x100000, s2;
	[bflag:$0x2] =	sbarrier.arrive $0xFFFF  }
0x5a: {  	[sflag:s0] =	ssyncadd.tile.s32 @!p0 $0x1;
	_ =	shalt  }
.Lfunc_end2:
_tile_overlayer_lowered:
.L_overlay_start_2:
0x5b: {  	(tag) =	ssettag $0x2  }
0x5c: {  	s0 =	rddreg [dreg:$0x0];
	s2 =	stileid.u32  }
0x5d: {  	s1 =	rddreg [dreg:$0x1];
	p0 =	sne.s32 s2, $0x0  }
0x5e: {  	s3 =	rddreg [dreg:$0x2];
	[bflag:$0x3] =	sbarrier.arrive $0xFFFF;
	s2 =	simm.s32 @!p0 $0x1C02  }
0x5f: {  	[timem:s3], [sflag:s2] =	dma.local @!p0 [hbm:s0], s1  }
0x60: {  	s0 =	simm.s32 @!p0 $0x2  }
0x61: {  	_ =	swait.ge @!p0 [sflag:s0], s1  }
0x62: {  	s1 =	ssub.s32 @!p0 $0x0, s1;
	[sflag:s0] =	ssyncset.done @!p0 $0x0  }
0x63: {  	[sflag:s0] =	ssyncadd.s32 @!p0 s1  }
0x64: {  	[bflag:$0x3] =	sbarrier.arrive $0xFFFF  }
0x65: {  	_ =	shalt  }

// kernel: kernel.8.cloned.1.call-start
scs
__scs_entry_jumppad:
0x0: {  	(pc) =	sbr.rel $0x88, $3  }
0x1: {  	(tag) =	ssettag $0x0;
	lr =	simm.s32 $0x1  }
0x2: {  	[smem:$0x3F94] =	sst lr;
	_ =	strace $0xD0000000  }
0x3: {  	_ = 	snop  }
0x4: {  	_ = 	snop  }
0x5: {  	_ = 	snop  }
0x6: {  	_ = 	snop  }
0x7: {  	_ = 	snop  }
__scs_overlays_trampoline_lowered:
0x8: {  	[smem:$0x3FA3] =	sst s0  }
0x9: {  	[smem:$0x3FA4] =	sst s1  }
0xa: {  	[smem:$0x3FA5] =	sst s2  }
0xb: {  	[smem:$0x3FA6] =	sst s3  }
0xc: {  	[smem:$0x3FA7] =	sst s4  }
0xd: {  	[smem:$0x3FA8] =	sst s5  }
0xe: {  	[smem:$0x3FA9] =	sst s6  }
0xf: {  	[smem:$0x3FAA] =	sst s7  }
0x10: {  	[smem:$0x3FAB] =	sst s8  }
0x11: {  	[smem:$0x3FAC] =	sst s9;
	s0 =	simm.s32 @!p0 $0x0  }
0x12: {  	s1 =	sld [smem:$0x3F92];
	s0 =	simm.s32 @p0 $0x1  }
0x13: {  	[smem:$0x3FAD] =	sst s0;
	s0 =	simm.s32 @!p1 $0x0  }
0x14: {  	s2 =	sld [smem:$0x3F91];
	s0 =	simm.s32 @p1 $0x1  }
0x15: {  	[smem:$0x3FAE] =	sst s0;
	s0 =	simm.s32 @!p2 $0x0  }
0x16: {  	s3 =	sld [smem:$0x3FDB];
	s0 =	simm.s32 @p2 $0x1  }
0x17: {  	s4 =	simm.s32 $0x1BF5;
	[smem:$0x3FB0] =	sst s0  }
0x18: {  	s0 =	sld [smem:$0x3F93];
	_ =	swait.ge [sflag:s4], $0x0  }
0x19: {  	s7 =	sld [smem:$0x3F94]  }
0x1a: {  	s8 =	sadd.s32 $0xFFFFE003, lr  }
0x1b: {  	s9 =	sadd.s32 $0xFFFFFEF7, lr;
	s5 =	simm.s32 $0xFFFFFFFF;
	p2 =	slt.u32 s8, $0xFFFFF086  }
0x1c: {  	p1 =	slt.u32 s9, $0xF7A;
	s5 =	simm.s32 @!p2 $0x0  }
0x1d: {  	s5 =	simm.s32 @p1 $0x1;
	p0 =	seq.s32 s7, s2  }
0x1e: {  	s7 =	smul.u32 @!p0 $0xF7A, s2;
	p2 =	seq.s32 @!p0 s5, $0x0  }
0x1f: {  	s9 =	smul.u32 $0xF7A, s1;
	s8 =	simm.s32 @!p0 $0x1BF5;
	p2 =	por !p2, p0  }
0x20: {  	[sflag:s8] =	ssyncset.s32 @!p0 $0xFFFFF086;
	s6 =	sadd.s32 @!p0 s3, s7;
	s7 =	simm.s32 @!p0 $0x108  }
0x21: {  	s3 =	sadd.s32 s3, s9;
	s6 =	sadd.s32 @!p0 $0x88, s6;
	s7 =	simm.s32 @p2 $0x1082  }
0x22: {  	[simem:s7], [sflag:s8] =	dma.local @!p0 [hbm:s6], $0xF7A  }
0x23: {  	s9 =	sor.u32 $0xD0000000, s2;
	s6 =	simm.s32 $0x108;
	_ =	swait.ge @!p0 [sflag:s8], $0x0  }
0x24: {  	s3 =	sadd.s32 $0x88, s3;
	s6 =	simm.s32 @!p1 $0x1082;
	[sflag:s4] =	ssyncset.s32 $0xFFFFF086  }
0x25: {  	[simem:s6], [sflag:s4] =	dma.local [hbm:s3], $0xF7A  }
0x26: {  	[smem:$0x3F94] =	sst s1;
	(tag) =	ssettag s2;
	_ =	strace s9  }
0x27: {  	s1 =	sld [smem:$0x3FA4]  }
0x28: {  	s2 =	sld [smem:$0x3FA5]  }
0x29: {  	s4 =	sld [smem:$0x3FA7]  }
0x2a: {  	p0 =	seq.s32 s5, $0x0;
	s5 =	sld [smem:$0x3FA8]  }
0x2b: {  	s6 =	sld [smem:$0x3FA9]  }
0x2c: {  	s7 =	sld [smem:$0x3FAA]  }
0x2d: {  	s3 =	simm.s32 $0x108;
	s8 =	sld [smem:$0x3FAB]  }
0x2e: {  	s3 =	simm.s32 @!p0 $0x1082;
	s9 =	sld [smem:$0x3FAC]  }
0x2f: {  	lr =	sadd.s32 s0, s3;
	s0 =	sld [smem:$0x3FA3]  }
0x30: {  	s3 =	sld [smem:$0x3FA6]  }
0x31: {  	[smem:$0x3FAF] =	sst s10  }
0x32: {  	s10 =	sld [smem:$0x3FAD];
	_ =	sdelay $0x3  }
0x33: {  	p0 =	seq.s32 s10, $0x1;
	s10 =	sld [smem:$0x3FAF];
	_ =	sdelay $0x3  }
0x34: {  	[smem:$0x3FAF] =	sst s10  }
0x35: {  	s10 =	sld [smem:$0x3FAE];
	_ =	sdelay $0x3  }
0x36: {  	p1 =	seq.s32 s10, $0x1;
	s10 =	sld [smem:$0x3FAF];
	_ =	sdelay $0x3  }
0x37: {  	[smem:$0x3FAF] =	sst s10  }
0x38: {  	s10 =	sld [smem:$0x3FB0]  }
0x39: {  	_ = 	snop;
	(pc) =	sbr.ind lr, $3  }
0x3a: {  	_ = 	snop  }
0x3b: {  	_ = 	snop  }
0x3c: {  	p2 =	seq.s32 s10, $0x1;
	s10 =	sld [smem:$0x3FAF]  }
0x3d: {  	_ =	shalt  }
0x3e: {  	_ =	shalt  }
0x3f: {  	_ =	shalt  }
0x40: {  	_ =	shalt  }
0x41: {  	_ =	shalt  }
0x42: {  	_ =	shalt  }
0x43: {  	_ =	shalt  }
0x44: {  	_ =	shalt  }
0x45: {  	_ =	shalt  }
0x46: {  	_ =	shalt  }
0x47: {  	_ =	shalt  }
0x48: {  	_ =	shalt  }
0x49: {  	_ =	shalt  }
0x4a: {  	_ =	shalt  }
0x4b: {  	_ =	shalt  }
0x4c: {  	_ =	shalt  }
0x4d: {  	_ =	shalt  }
0x4e: {  	_ =	shalt  }
0x4f: {  	_ =	shalt  }
0x50: {  	_ =	shalt  }
0x51: {  	_ =	shalt  }
0x52: {  	_ =	shalt  }
0x53: {  	_ =	shalt  }
0x54: {  	_ =	shalt  }
0x55: {  	_ =	shalt  }
0x56: {  	_ =	shalt  }
0x57: {  	_ =	shalt  }
0x58: {  	_ =	shalt  }
0x59: {  	_ =	shalt  }
0x5a: {  	_ =	shalt  }
0x5b: {  	_ =	shalt  }
0x5c: {  	_ =	shalt  }
0x5d: {  	_ =	shalt  }
0x5e: {  	_ =	shalt  }
0x5f: {  	_ =	shalt  }
0x60: {  	_ =	shalt  }
0x61: {  	_ =	shalt  }
0x62: {  	_ =	shalt  }
0x63: {  	_ =	shalt  }
0x64: {  	_ =	shalt  }
0x65: {  	_ =	shalt  }
0x66: {  	_ =	shalt  }
0x67: {  	_ =	shalt  }
0x68: {  	_ =	shalt  }
0x69: {  	_ =	shalt  }
0x6a: {  	_ =	shalt  }
0x6b: {  	_ =	shalt  }
0x6c: {  	_ =	shalt  }
0x6d: {  	_ =	shalt  }
0x6e: {  	_ =	shalt  }
0x6f: {  	_ =	shalt  }
0x70: {  	_ =	shalt  }
0x71: {  	_ =	shalt  }
0x72: {  	_ =	shalt  }
0x73: {  	_ =	shalt  }
0x74: {  	_ =	shalt  }
0x75: {  	_ =	shalt  }
0x76: {  	_ =	shalt  }
0x77: {  	_ =	shalt  }
0x78: {  	_ =	shalt  }
0x79: {  	_ =	shalt  }
0x7a: {  	_ =	shalt  }
0x7b: {  	_ =	shalt  }
0x7c: {  	_ =	shalt  }
0x7d: {  	_ =	shalt  }
0x7e: {  	_ =	shalt  }
0x7f: {  	_ =	shalt  }
0x80: {  	_ =	shalt  }
0x81: {  	_ =	shalt  }
0x82: {  	_ =	shalt  }
0x83: {  	_ =	shalt  }
0x84: {  	_ =	shalt  }
0x85: {  	_ =	shalt  }
0x86: {  	_ =	shalt  }
0x87: {  	_ =	shalt  }
.Lfunc_end0:
.L_simem_size_0:
called_computation_lowered:
.L_overlay_start_0:
0x88: {  	s2 =	sld [smem:$0x3FD9]  }
0x89: {  	s3 =	sld [smem:$0x3FFE];
	_ =	sdelay $0x1  }
0x8a: {  	s1 =	srdreg.scid  }
0x8b: {  	s0 =	sand.u32 $0x1, s1  }
0x8c: {  	s17 =	sshll.u32 s0, $0xA;
	s2 =	sadd.s32 s3, s2  }
0x8d: {  	s2 =	sadd.s32 s2, s17  }
0x8e: {  	[smem:$0x3FBB] =	sst s2  }
0x8f: {  	_ = 	snop  }
0x90: {  	s2 =	sld [smem:$0x3FC9]  }
0x91: {  	s18 =	sld [smem:$0x3FD0];
	(tm) =	ssettm $0x1  }
0x92: {  	s4 =	sld [smem:$0x3FFB];
	_ =	sdelay $0x3  }
0x93: {  	_ =	strace s4  }
0x94: {  	s4 =	sld [smem:$0x3FFC];
	_ =	sdelay $0x3  }
0x95: {  	_ =	strace s4  }
0x96: {  	s4 =	sld [smem:$0x3FFD];
	_ =	sdelay $0x3  }
0x97: {  	_ =	strace s4  }
0x98: {  	_ =	strace $0x8FFFFFFF  }
0x99: {  	s19 =	sld [smem:$0x3FDB];
	_ =	sdelay $0x1  }
0x9a: {  	s5 =	simm.s32 $_scs_section_size  }
0x9b: {  	s6 =	simm.s32 $_size__tile_overlayer_lowered;
	s7 =	simm.s32 $_tile_overlayer_lowered  }
0x9c: {  	s22 =	simm.s32 $0x1BFF;
	s21 =	sshll.u32 s7, $0x1;
	s4 =	sadd.s32 s5, s19  }
0x9d: {  	s8 =	simm.s32 $0x0;
	s20 =	sshll.u32 s6, $0x1;
	s6 =	sadd.s32 s21, s4  }
0x9e: {  	[timem:s8], [sflag:s22] =	dma.local [hbm:s6], s20  }
0x9f: {  	_ =	swait.ge [sflag:s22], s20  }
0xa0: {  	s5 =	ssub.s32 $0x0, s20;
	[sflag:s22] =	ssyncset.done $0x0  }
0xa1: {  	[sflag:s22] =	ssyncadd.s32 s5;
	_ =	sdelay $0x1  }
0xa2: {  	s23 =	simm.s32 $0x1B8B  }
0xa3: {  	_ =	swait.ge [sflag:s23], $0x1  }
0xa4: {  	[sflag:s23] =	ssyncset.done $0x0  }
0xa5: {  	s25 =	simm.s32 $0x1B8E;
	s24 =	sld [smem:$0x3FFE];
	[sflag:s23] =	ssyncadd.s32 $0xFFFFFFFF  }
0xa6: {  	s26 =	simm.s32 $execute0_lowered;
	[smem:$0x3FD2] =	sst s25  }
0xa7: {  	s6 =	sshll.u32 s26, $0x1;
	_ =	strace $0x80000046;
	[dreg:$0x1] =	wrdreg $0xFFFFFFFF  }
0xa8: {  	s28 =	simm.s32 $_size_execute0_lowered;
	s4 =	sadd.s32 s4, s6;
	[dreg:$0x0] =	wrdreg $0x0  }
0xa9: {  	s6 =	sshll.u32 s28, $0x1;
	[dreg:$0x2] =	wrdreg s4  }
0xaa: {  	[dreg:$0x3] =	wrdreg s6  }
0xab: {  	[dreg:$0x4] =	wrdreg $0xC0  }
0xac: {  	_ =	task [dreg:s8], $0x5FFFF  }
0xad: {  	[dreg:$0x1] =	wrdreg $0xFFFFFFFF  }
0xae: {  	[dreg:$0x0] =	wrdreg $0x60  }
0xaf: {  	[dreg:$0x2] =	wrdreg s2  }
0xb0: {  	[dreg:$0x3] =	wrdreg s18  }
0xb1: {  	[dreg:$0x4] =	wrdreg s24  }
0xb2: {  	[dreg:$0x5] =	wrdreg $0xC0000  }
0xb3: {  	[dreg:$0x6] =	wrdreg $0x9  }
0xb4: {  	_ =	task.clear_ibuf [dreg:s8], $0x7FFFF;
	_ =	strace $0x90000046  }
0xb5: {  	s29 =	simm.s32 $0x9;
	_ =	strace $0x80000048  }
0xb6: {  	_ =	swait.ge [sflag:s29], $0x1  }
0xb7: {  	[sflag:s29] =	ssyncadd.s32 $0xFFFFFFFF  }
0xb8: {  	_ =	strace $0x90000048  }
0xb9: {  	_ =	sfence  }
0xba: {  	s30 =	sld [smem:$0x0];
	_ =	sdelay $0x2  }
0xbb: {  	s31 =	sshll.u32 s1, $0xD;
	s1 =	sshrl.u32 s1, $0x2  }
0xbc: {  	s3 =	sand.u32 $0x4000, s31;
	s1 =	sadd.s32 s1, s30  }
0xbd: {  	s0 =	sor.u32 s3, s0;
	s1 =	sshll.u32 s1, $0x11  }
0xbe: {  	s0 =	sor.u32 s1, s0  }
0xbf: {  	s0 =	sadd.s32 $0x8F2B, s0  }
0xc0: {  	[sflag:s0] =	ssyncadd.remote.s32 $0x1  }
0xc1: {  	_ =	sfence.sel $0xFFFF  }
0xc2: {  	[dreg:$0x0] =	wrdreg $0xFFFFFFFF;
	(pc) =	sbr.abs _section_cstart, $3  }
0xc3: {  	[dreg:$0x1] =	wrdreg $0xFFFFFFFF  }
0xc4: {  	_ =	task.clear_ibuf [dreg:s8], $0x2FFFF;
	_ =	strace $0x9FFFFFFF  }
0xc5: {  	(tm) =	ssettm $0x7FFFFFFF  }
tec
execute0_lowered:
.L_overlay_start_1:
0x0: {  	(tag) =	ssettag $0x1  }
0x1: {  	s0 =	rddreg [dreg:$0x0]  }
0x2: {  	s1 =	rddreg [dreg:$0x1]  }
0x3: {  	s2 =	rddreg [dreg:$0x2];
	s4 =	srdreg.scid  }
0x4: {  	s3 =	rddreg [dreg:$0x3];
	s13 =	stileid.u32;
	s28 =	simm.s32 $0xBD00  }
0x5: {  	s29 =	simm.s32 $0xBD80;
	s30 =	simm.s32 $0xBE00;
	s31 =	simm.s32 $0xBE80  }
0x6: {  	s14 =	simm.s32 $0x1;
	s16 =	simm.s32 $0x60;
	s7 =	smul.u32 $0x13C00, s13  }
0x7: {  	s5 =	sand.u32 $0x1, s4;
	s4 =	simm.s32 $0x0;
	s8 =	smul.u32 $0x700, s13  }
0x8: {  	s18 =	sadd.s32 $0x9600, s2;
	s9 =	smul.u32 $0x4F000, s13;
	s10 =	sshrl.u32 s13, $0x3  }
0x9: {  	s12 =	sshll.u32 s13, $0x7;
	s22 =	sshll.u32 s13, $0x6;
	s13 =	simm.s32 $0x2  }
0xa: {  	s15 =	smov.u32 s0;
	s6 =	smul.u32 $0x13C000, s5;
	[smem:$0x7FF] =	sst s4  }
0xb: {  	s19 =	ssub.s32 $0x2, s5;
	s10 =	smul.u32 $0x14000, s10;
	s21 =	sand.u32 $0x380, s12  }
0xc: {  	p0 =	sne.s32 s5, $0x0;
	s5 =	simm.s32 $0x9000;
	_ =	strace $0x80000047  }
0xd: {  	s17 =	sadd.s32 s8, s2;
	[dreg:$0x5] =	wrdreg s18;
	s11 =	sshrl.u32 s19, $0x1  }
0xe: {  	s9 =	sshrl.u32 s9, $0x2;
	s18 =	simm.s32 $0x9080;
	s6 =	sadd.s32 s7, s6  }
0xf: {  	s20 =	ssub.s32 s19, s11;
	s8 =	sor.u32 s21, s10;
	s23 =	sadd.s32 s9, s3  }
0x10: {  	s11 =	sor.u32 $0x1C02, s22;
	s24 =	sadd.s32 $0x2600, s17;
	s9 =	sadd.s32 $0x80, s0  }
0x11: {  	s19 =	simm.s32 $0xB900;
	s21 =	simm.s32 $0xBA00;
	s22 =	simm.s32 $0xBA80  }
0x12: {  	s17 =	simm.s32 $0x6000;
	s6 =	sshrl.u32 s6, $0x3;
	s8 =	sshrl.u32 s8, $0x3  }
0x13: {  	v1 =	vlaneseq.u32;
	v0 =	vimm.s32 $0x1;
	vm2 =	vmmov $0x1;
	[dreg:$0x8] =	wrdreg s24;
	s26 =	smax.u32 s20, $0x1;
	s7 =	sshrl.u32 s23, $0x3  }
0x14: {  	v2 =	vimm.s32 $0x2;
	v3 =	vimm.s32 $0x3;
	v4 =	vimm.s32 $0x4;
	s15 =	smov.u32 @p0 s9;
	s20 =	simm.s32 $0xB980;
	s23 =	simm.s32 $0xBB00  }
.Ltmp0:
0x15: {  	v5 =	vimm.s32 $0x5;
	v6 =	vimm.s32 $0x6;
	v7 =	vimm.s32 $0x7;
	s24 =	simm.s32 $0xBB80;
	[dreg:$0x6] =	wrdreg s11;
	(pc) =	sbr.rel .LBB2_1-.Ltmp0, $4  }
0x16: {  	v8 =	vimm.s32 $0x8;
	v9 =	vimm.s32 $0x9;
	v10 =	vimm.s32 $0xA;
	s2 =	sadd.s32 s6, s2;
	s1 =	sadd.s32 s1, s8;
	[dreg:$0xa] =	wrdreg s26  }
0x17: {  	v11 =	vimm.s32 $0xB;
	v12 =	vimm.s32 $0xC;
	v13 =	vimm.s32 $0xD;
	s26 =	simm.s32 $0xBC80;
	s8 =	simm.s32 $0x0;
	[dreg:$0xb] =	wrdreg s7  }
0x18: {  	v14 =	vimm.s32 $0xE;
	v15 =	vimm.s32 $0xF;
	v16 =	vimm.s32 $0x0;
	[dreg:$0x7] =	wrdreg s1;
	s25 =	sadd.s32 $0xBE00, s2;
	s1 =	simm.s32 $0xBF00  }
0x19: {  	v1 =	vmul.u32 $0x8, v1;
	vm0 =	vmmov @p0 $0x1;
	vm1 =	vmmov @!p0 $0x1;
	s2 =	simm.s32 $0xBF80;
	[dreg:$0x9] =	wrdreg s25;
	s25 =	simm.s32 $0xBC00  }
.LBB2_5:
0x1a: {  	[bflag:$0x0] =	sbarrier.arrive $0xFFFF  }
0x1b: {  	s11 =	rddreg [dreg:$0x6]  }
0x1c: {  	s6 =	rddreg [dreg:$0x9]  }
0x1d: {  	s7 =	rddreg [dreg:$0xb]  }
0x1e: {  	[hbm:s6], [sflag:s11] =	dma.local [spmem:s7], $0x2780  }
0x1f: {  	_ =	swait.ge [sflag:s13], $0x2780  }
0x20: {  	s8 =	rddreg [dreg:$0xc]  }
0x21: {  	s12 =	rddreg [dreg:$0xa];
	s8 =	sadd.s32 $0x1, s8  }
0x22: {  	p1 =	sne.s32 s8, s12  }
.Ltmp1:
0x23: {  	_ = 	snop;
	(pc) =	sbr.rel @!p1 .LBB2_6-.Ltmp1, $3  }
0x24: {  	_ =	sdelay $0x1  }
0x25: {  	[sflag:s13] =	ssyncset.done $0x0  }
0x26: {  	[sflag:s13] =	ssyncadd.s32 $0xFFFFD880  }
.LBB2_1:
0x27: {  	[dreg:$0xc] =	wrdreg s8  }
0x28: {  	s6 =	rddreg [dreg:$0x5]  }
0x29: {  	[spmem:s7], [sflag:s11] =	dma.local [hbm:s6], $0x2780  }
0x2a: {  	_ =	swait.ge [sflag:s13], $0x2780  }
0x2b: {  	s12 =	simm.s32 $0x400;
	[sflag:s13] =	ssyncset.done $0x0  }
0x2c: {  	s11 =	simm.s32 $0x80;
	s10 =	rddreg [dreg:$0x7];
	[sflag:s13] =	ssyncadd.s32 $0xFFFFD880  }
0x2d: {  	[tilespmem:s4], [sflag:$0x2] =	stream.strided.gather [hbm4b:s10+s11], $0x2800, s12, s11, $0x38;
	[tilespmem:$0x1FC00] =	vst v63  }
0x2e: {  	_ =	swait.ge [sflag:s13], $0x2800  }
0x2f: {  	[sflag:s13] =	ssyncset.done $0x0  }
0x30: {  	s10 =	simm.s32 $0x2800;
	s8 =	rddreg [dreg:$0x8];
	[sflag:s13] =	ssyncadd.s32 $0xFFFFD800  }
0x31: {  	[tilespmem:s10], [sflag:$0x2] =	stream.linear.gather [hbm4b:s8+s4], $0x3500, $0x38;
	[tilespmem:$0x1FC00] =	vst v63  }
0x32: {  	_ =	swait.ge [sflag:s13], $0x3500  }
0x33: {  	[sflag:s13] =	ssyncset.done $0x0  }
0x34: {  	[sflag:s13] =	ssyncadd.s32 $0xFFFFCB00  }
0x35: {  	[bflag:$0x0] =	sbarrier.arrive $0xFFFF  }
0x36: {  	v17 =	vld @p0 [tilespmem:$0x0];
	_ =	sdelay $0x4  }
0x37: {  	v18 =	vshll.u32 @p0 v17, $0x1  }
0x38: {  	v17 =	vand.u32 @p0 $0x7, v17;
	v18 =	vand.u32 @p0 $0xFFFFFFF0, v18  }
0x39: {  	v21 =	vor.u32 @p0 v17, v18;
	v17 =	vimm.s32 @p0 $0x0;
	v18 =	vlaneseq.u32 @p0  }
0x3a: {  	v19 =	vperm.xlane @p0 v21, v17;
	v18 =	vmul.u32 @p0 $0x8, v18;
	_ =	sdelay $0x1  }
0x3b: {  	v19 =	vadd.s32 @p0 v18, v19;
	_ =	sdelay $0x3  }
0x3c: {  	s7 =	simm.s32 @p0 $0x0;
	s6 =	simm.s32 @p0 $0x6000  }
0x3d: {  	[tilespmem:s6], [sflag:$0x1] =	stream.indirect_vreg.gather @p0 [hbm4b:s9+s7], $0x80, v19, vm0, $0xb8;
	[tilespmem:$0x1FC00] =	vst v63  }
0x3e: {  	v19 =	vld @!p0 [tilespmem:$0x0];
	_ =	sdelay $0x4  }
0x3f: {  	v20 =	vshll.u32 @!p0 v19, $0x1  }
0x40: {  	v19 =	vand.u32 @!p0 $0x7, v19;
	v20 =	vand.u32 @!p0 $0xFFFFFFF0, v20  }
0x41: {  	v22 =	vor.u32 @!p0 v19, v20;
	v19 =	vimm.s32 @!p0 $0x0;
	v20 =	vlaneseq.u32 @!p0  }
0x42: {  	v23 =	vperm.xlane @!p0 v22, v19;
	v20 =	vmul.u32 @!p0 $0x8, v20  }
0x43: {  	v21 =	vpsel p0, v21, v22  }
0x44: {  	v22 =	vadd.s32 @!p0 v20, v23;
	v23 =	vperm.xlane v21, v0;
	_ =	sdelay $0x1  }
0x45: {  	v24 =	vperm.xlane v21, v2;
	v23 =	vadd.s32 v1, v23;
	_ =	sdelay $0x1  }
0x46: {  	s8 =	simm.s32 @!p0 $0x0;
	s6 =	simm.s32 @!p0 $0x6000;
	v25 =	vperm.xlane v21, v3;
	v24 =	vadd.s32 v1, v24  }
0x47: {  	[tilespmem:s6], [sflag:$0x1] =	stream.indirect_vreg.gather @!p0 [hbm4b:s0+s8], $0x80, v22, vm1, $0xb8;
	[tilespmem:$0x1FC00] =	vst v63  }
0x48: {  	s11 =	simm.s32 $0x6080;
	v36 =	vperm.xlane v21, v4;
	v22 =	vadd.s32 v1, v25  }
0x49: {  	[tilespmem:s11], [sflag:$0x1] =	stream.indirect_vreg.gather [hbm4b:s15+s4], $0x80, v23, vm2, $0xb8;
	[tilespmem:$0x1FC00] =	vst v63  }
0x4a: {  	s12 =	simm.s32 $0x6100;
	v37 =	vperm.xlane v21, v5;
	v23 =	vadd.s32 v1, v36  }
0x4b: {  	[tilespmem:s12], [sflag:$0x1] =	stream.indirect_vreg.gather [hbm4b:s15+s4], $0x80, v24, vm2, $0xb8;
	[tilespmem:$0x1FC00] =	vst v63  }
0x4c: {  	s10 =	simm.s32 $0x6180;
	v39 =	vperm.xlane v21, v6;
	v38 =	vadd.s32 v1, v37  }
0x4d: {  	[tilespmem:s10], [sflag:$0x1] =	stream.indirect_vreg.gather [hbm4b:s15+s4], $0x80, v22, vm2, $0xb8;
	[tilespmem:$0x1FC00] =	vst v63  }
0x4e: {  	v40 =	vperm.xlane v21, v7;
	s11 =	simm.s32 $0x6200;
	v22 =	vadd.s32 v1, v39  }
0x4f: {  	[tilespmem:s11], [sflag:$0x1] =	stream.indirect_vreg.gather [hbm4b:s15+s4], $0x80, v23, vm2, $0xb8;
	[tilespmem:$0x1FC00] =	vst v63  }
0x50: {  	v41 =	vperm.xlane v21, v8;
	s12 =	simm.s32 $0x6280;
	v23 =	vadd.s32 v1, v40  }
0x51: {  	[tilespmem:s12], [sflag:$0x1] =	stream.indirect_vreg.gather [hbm4b:s15+s4], $0x80, v38, vm2, $0xb8;
	[tilespmem:$0x1FC00] =	vst v63  }
0x52: {  	v43 =	vperm.xlane v21, v9;
	v42 =	vadd.s32 v1, v41;
	s10 =	simm.s32 $0x6300  }
0x53: {  	[tilespmem:s10], [sflag:$0x1] =	stream.indirect_vreg.gather [hbm4b:s15+s4], $0x80, v22, vm2, $0xb8;
	[tilespmem:$0x1FC00] =	vst v63  }
0x54: {  	v44 =	vperm.xlane v21, v10;
	s11 =	simm.s32 $0x6380;
	v22 =	vadd.s32 v1, v43  }
0x55: {  	[tilespmem:s11], [sflag:$0x1] =	stream.indirect_vreg.gather [hbm4b:s15+s4], $0x80, v23, vm2, $0xb8;
	[tilespmem:$0x1FC00] =	vst v63  }
0x56: {  	v45 =	vperm.xlane v21, v11;
	s12 =	simm.s32 $0x6400;
	v23 =	vadd.s32 v1, v44  }
0x57: {  	[tilespmem:s12], [sflag:$0x1] =	stream.indirect_vreg.gather [hbm4b:s15+s4], $0x80, v42, vm2, $0xb8;
	[tilespmem:$0x1FC00] =	vst v63  }
0x58: {  	v47 =	vperm.xlane v21, v12;
	v46 =	vadd.s32 v1, v45;
	s10 =	simm.s32 $0x6480  }
0x59: {  	[tilespmem:s10], [sflag:$0x1] =	stream.indirect_vreg.gather [hbm4b:s15+s4], $0x80, v22, vm2, $0xb8;
	[tilespmem:$0x1FC00] =	vst v63  }
0x5a: {  	v48 =	vperm.xlane v21, v13;
	s11 =	simm.s32 $0x6500;
	v22 =	vadd.s32 v1, v47  }
0x5b: {  	[tilespmem:s11], [sflag:$0x1] =	stream.indirect_vreg.gather [hbm4b:s15+s4], $0x80, v23, vm2, $0xb8;
	[tilespmem:$0x1FC00] =	vst v63  }
0x5c: {  	v49 =	vperm.xlane v21, v14;
	s12 =	simm.s32 $0x6580;
	v23 =	vadd.s32 v1, v48  }
0x5d: {  	[tilespmem:s12], [sflag:$0x1] =	stream.indirect_vreg.gather [hbm4b:s15+s4], $0x80, v46, vm2, $0xb8;
	[tilespmem:$0x1FC00] =	vst v63  }
0x5e: {  	v21 =	vperm.xlane v21, v15;
	v50 =	vadd.s32 v1, v49;
	s10 =	simm.s32 $0x6600  }
0x5f: {  	[tilespmem:s10], [sflag:$0x1] =	stream.indirect_vreg.gather [hbm4b:s15+s4], $0x80, v22, vm2, $0xb8;
	[tilespmem:$0x1FC00] =	vst v63  }
0x60: {  	v21 =	vadd.s32 v1, v21;
	s11 =	simm.s32 $0x6680  }
0x61: {  	[tilespmem:s11], [sflag:$0x1] =	stream.indirect_vreg.gather [hbm4b:s15+s4], $0x80, v23, vm2, $0xb8;
	[tilespmem:$0x1FC00] =	vst v63  }
0x62: {  	s12 =	simm.s32 $0x6700  }
0x63: {  	[tilespmem:s12], [sflag:$0x1] =	stream.indirect_vreg.gather [hbm4b:s15+s4], $0x80, v50, vm2, $0xb8;
	[tilespmem:$0x1FC00] =	vst v63  }
0x64: {  	s10 =	simm.s32 $0x6780  }
0x65: {  	[tilespmem:s10], [sflag:$0x1] =	stream.indirect_vreg.gather [hbm4b:s15+s4], $0x80, v21, vm2, $0xb8;
	[tilespmem:$0x1FC00] =	vst v63  }
0x66: {  	v21 =	vld [tilespmem:$0x10];
	_ =	sdelay $0x4  }
0x67: {  	v22 =	vshll.u32 v21, $0x1  }
0x68: {  	v21 =	vand.u32 $0x7, v21;
	v22 =	vand.u32 $0xFFFFFFF0, v22  }
0x69: {  	v21 =	vor.u32 v21, v22  }
0x6a: {  	v22 =	vperm.xlane v21, v16;
	_ =	sdelay $0x1  }
0x6b: {  	v23 =	vperm.xlane v21, v0;
	v22 =	vadd.s32 v1, v22;
	_ =	sdelay $0x1  }
0x6c: {  	v51 =	vperm.xlane v21, v2;
	v23 =	vadd.s32 v1, v23;
	_ =	sdelay $0x1  }
0x6d: {  	s11 =	simm.s32 $0x6800;
	v52 =	vperm.xlane v21, v3;
	v24 =	vadd.s32 v1, v51  }
0x6e: {  	[tilespmem:s11], [sflag:$0x1] =	stream.indirect_vreg.gather [hbm4b:s15+s4], $0x80, v22, vm2, $0xb8;
	[tilespmem:$0x1FC00] =	vst v63  }
0x6f: {  	s12 =	simm.s32 $0x6880;
	v53 =	vperm.xlane v21, v4;
	v22 =	vadd.s32 v1, v52  }
0x70: {  	[tilespmem:s12], [sflag:$0x1] =	stream.indirect_vreg.gather [hbm4b:s15+s4], $0x80, v23, vm2, $0xb8;
	[tilespmem:$0x1FC00] =	vst v63  }
0x71: {  	s10 =	simm.s32 $0x6900;
	v54 =	vperm.xlane v21, v5;
	v23 =	vadd.s32 v1, v53  }
0x72: {  	[tilespmem:s10], [sflag:$0x1] =	stream.indirect_vreg.gather [hbm4b:s15+s4], $0x80, v24, vm2, $0xb8;
	[tilespmem:$0x1FC00] =	vst v63  }
0x73: {  	v56 =	vperm.xlane v21, v6;
	v55 =	vadd.s32 v1, v54;
	s11 =	simm.s32 $0x6980  }
0x74: {  	[tilespmem:s11], [sflag:$0x1] =	stream.indirect_vreg.gather [hbm4b:s15+s4], $0x80, v22, vm2, $0xb8;
	[tilespmem:$0x1FC00] =	vst v63  }
0x75: {  	v57 =	vperm.xlane v21, v7;
	s12 =	simm.s32 $0x6A00;
	v22 =	vadd.s32 v1, v56  }
0x76: {  	[tilespmem:s12], [sflag:$0x1] =	stream.indirect_vreg.gather [hbm4b:s15+s4], $0x80, v23, vm2, $0xb8;
	[tilespmem:$0x1FC00] =	vst v63  }
0x77: {  	v58 =	vperm.xlane v21, v8;
	s10 =	simm.s32 $0x6A80;
	v23 =	vadd.s32 v1, v57  }
0x78: {  	[tilespmem:s10], [sflag:$0x1] =	stream.indirect_vreg.gather [hbm4b:s15+s4], $0x80, v55, vm2, $0xb8;
	[tilespmem:$0x1FC00] =	vst v63  }
0x79: {  	v60 =	vperm.xlane v21, v9;
	v59 =	vadd.s32 v1, v58;
	s11 =	simm.s32 $0x6B00  }
0x7a: {  	[tilespmem:s11], [sflag:$0x1] =	stream.indirect_vreg.gather [hbm4b:s15+s4], $0x80, v22, vm2, $0xb8;
	[tilespmem:$0x1FC00] =	vst v63  }
0x7b: {  	v61 =	vperm.xlane v21, v10;
	s12 =	simm.s32 $0x6B80;
	v22 =	vadd.s32 v1, v60  }
0x7c: {  	[tilespmem:s12], [sflag:$0x1] =	stream.indirect_vreg.gather [hbm4b:s15+s4], $0x80, v23, vm2, $0xb8;
	[tilespmem:$0x1FC00] =	vst v63  }
0x7d: {  	v62 =	vperm.xlane v21, v11;
	s10 =	simm.s32 $0x6C00;
	v23 =	vadd.s32 v1, v61  }
0x7e: {  	[tilespmem:s10], [sflag:$0x1] =	stream.indirect_vreg.gather [hbm4b:s15+s4], $0x80, v59, vm2, $0xb8;
	[tilespmem:$0x1FC00] =	vst v63  }
0x7f: {  	v28 =	vperm.xlane v21, v12;
	v63 =	vadd.s32 v1, v62;
	s11 =	simm.s32 $0x6C80  }
0x80: {  	[tilespmem:s11], [sflag:$0x1] =	stream.indirect_vreg.gather [hbm4b:s15+s4], $0x80, v22, vm2, $0xb8;
	[tilespmem:$0x1FC00] =	vst v63  }
0x81: {  	v29 =	vperm.xlane v21, v13;
	s12 =	simm.s32 $0x6D00;
	v22 =	vadd.s32 v1, v28  }
0x82: {  	[tilespmem:s12], [sflag:$0x1] =	stream.indirect_vreg.gather [hbm4b:s15+s4], $0x80, v23, vm2, $0xb8;
	[tilespmem:$0x1FC00] =	vst v63  }
0x83: {  	v30 =	vperm.xlane v21, v14;
	s10 =	simm.s32 $0x6D80;
	v23 =	vadd.s32 v1, v29  }
0x84: {  	[tilespmem:s10], [sflag:$0x1] =	stream.indirect_vreg.gather [hbm4b:s15+s4], $0x80, v63, vm2, $0xb8;
	[tilespmem:$0x1FC00] =	vst v63  }
0x85: {  	v21 =	vperm.xlane v21, v15;
	v31 =	vadd.s32 v1, v30;
	s11 =	simm.s32 $0x6E00  }
0x86: {  	[tilespmem:s11], [sflag:$0x1] =	stream.indirect_vreg.gather [hbm4b:s15+s4], $0x80, v22, vm2, $0xb8;
	[tilespmem:$0x1FC00] =	vst v63  }
0x87: {  	v21 =	vadd.s32 v1, v21;
	s12 =	simm.s32 $0x6E80  }
0x88: {  	[tilespmem:s12], [sflag:$0x1] =	stream.indirect_vreg.gather [hbm4b:s15+s4], $0x80, v23, vm2, $0xb8;
	[tilespmem:$0x1FC00] =	vst v63  }
0x89: {  	s10 =	simm.s32 $0x6F00  }
0x8a: {  	[tilespmem:s10], [sflag:$0x1] =	stream.indirect_vreg.gather [hbm4b:s15+s4], $0x80, v31, vm2, $0xb8;
	[tilespmem:$0x1FC00] =	vst v63  }
0x8b: {  	s11 =	simm.s32 $0x6F80  }
0x8c: {  	[tilespmem:s11], [sflag:$0x1] =	stream.indirect_vreg.gather [hbm4b:s15+s4], $0x80, v21, vm2, $0xb8;
	[tilespmem:$0x1FC00] =	vst v63  }
0x8d: {  	v21 =	vld [tilespmem:$0x20];
	_ =	sdelay $0x4  }
0x8e: {  	v22 =	vshll.u32 v21, $0x1  }
0x8f: {  	v21 =	vand.u32 $0x7, v21;
	v22 =	vand.u32 $0xFFFFFFF0, v22  }
0x90: {  	v21 =	vor.u32 v21, v22  }
0x91: {  	v22 =	vperm.xlane v21, v16;
	_ =	sdelay $0x1  }
0x92: {  	v23 =	vperm.xlane v21, v0;
	v22 =	vadd.s32 v1, v22;
	_ =	sdelay $0x1  }
0x93: {  	v32 =	vperm.xlane v21, v2;
	v23 =	vadd.s32 v1, v23;
	_ =	sdelay $0x1  }
0x94: {  	s12 =	simm.s32 $0x7000;
	v33 =	vperm.xlane v21, v3;
	v24 =	vadd.s32 v1, v32  }
0x95: {  	[tilespmem:s12], [sflag:$0x1] =	stream.indirect_vreg.gather [hbm4b:s15+s4], $0x80, v22, vm2, $0xb8;
	[tilespmem:$0x1FC00] =	vst v63  }
0x96: {  	s10 =	simm.s32 $0x7080;
	v34 =	vperm.xlane v21, v4;
	v22 =	vadd.s32 v1, v33  }
0x97: {  	[tilespmem:s10], [sflag:$0x1] =	stream.indirect_vreg.gather [hbm4b:s15+s4], $0x80, v23, vm2, $0xb8;
	[tilespmem:$0x1FC00] =	vst v63  }
0x98: {  	s11 =	simm.s32 $0x7100;
	v35 =	vperm.xlane v21, v5;
	v23 =	vadd.s32 v1, v34  }
0x99: {  	[tilespmem:s11], [sflag:$0x1] =	stream.indirect_vreg.gather [hbm4b:s15+s4], $0x80, v24, vm2, $0xb8;
	[tilespmem:$0x1FC00] =	vst v63  }
0x9a: {  	v37 =	vperm.xlane v21, v6;
	v36 =	vadd.s32 v1, v35;
	s12 =	simm.s32 $0x7180  }
0x9b: {  	[tilespmem:s12], [sflag:$0x1] =	stream.indirect_vreg.gather [hbm4b:s15+s4], $0x80, v22, vm2, $0xb8;
	[tilespmem:$0x1FC00] =	vst v63  }
0x9c: {  	v38 =	vperm.xlane v21, v7;
	s10 =	simm.s32 $0x7200;
	v22 =	vadd.s32 v1, v37  }
0x9d: {  	[tilespmem:s10], [sflag:$0x1] =	stream.indirect_vreg.gather [hbm4b:s15+s4], $0x80, v23, vm2, $0xb8;
	[tilespmem:$0x1FC00] =	vst v63  }
0x9e: {  	v39 =	vperm.xlane v21, v8;
	s11 =	simm.s32 $0x7280;
	v23 =	vadd.s32 v1, v38  }
0x9f: {  	[tilespmem:s11], [sflag:$0x1] =	stream.indirect_vreg.gather [hbm4b:s15+s4], $0x80, v36, vm2, $0xb8;
	[tilespmem:$0x1FC00] =	vst v63  }
0xa0: {  	v41 =	vperm.xlane v21, v9;
	v40 =	vadd.s32 v1, v39;
	s12 =	simm.s32 $0x7300  }
0xa1: {  	[tilespmem:s12], [sflag:$0x1] =	stream.indirect_vreg.gather [hbm4b:s15+s4], $0x80, v22, vm2, $0xb8;
	[tilespmem:$0x1FC00] =	vst v63  }
0xa2: {  	v42 =	vperm.xlane v21, v10;
	s10 =	simm.s32 $0x7380;
	v22 =	vadd.s32 v1, v41  }
0xa3: {  	[tilespmem:s10], [sflag:$0x1] =	stream.indirect_vreg.gather [hbm4b:s15+s4], $0x80, v23, vm2, $0xb8;
	[tilespmem:$0x1FC00] =	vst v63  }
0xa4: {  	v43 =	vperm.xlane v21, v11;
	s11 =	simm.s32 $0x7400;
	v23 =	vadd.s32 v1, v42  }
0xa5: {  	[tilespmem:s11], [sflag:$0x1] =	stream.indirect_vreg.gather [hbm4b:s15+s4], $0x80, v40, vm2, $0xb8;
	[tilespmem:$0x1FC00] =	vst v63  }
0xa6: {  	v45 =	vperm.xlane v21, v12;
	v44 =	vadd.s32 v1, v43;
	s12 =	simm.s32 $0x7480  }
0xa7: {  	[tilespmem:s12], [sflag:$0x1] =	stream.indirect_vreg.gather [hbm4b:s15+s4], $0x80, v22, vm2, $0xb8;
	[tilespmem:$0x1FC00] =	vst v63  }
0xa8: {  	v46 =	vperm.xlane v21, v13;
	s10 =	simm.s32 $0x7500;
	v22 =	vadd.s32 v1, v45  }
0xa9: {  	[tilespmem:s10], [sflag:$0x1] =	stream.indirect_vreg.gather [hbm4b:s15+s4], $0x80, v23, vm2, $0xb8;
	[tilespmem:$0x1FC00] =	vst v63  }
0xaa: {  	v47 =	vperm.xlane v21, v14;
	s11 =	simm.s32 $0x7580;
	v23 =	vadd.s32 v1, v46  }
0xab: {  	[tilespmem:s11], [sflag:$0x1] =	stream.indirect_vreg.gather [hbm4b:s15+s4], $0x80, v44, vm2, $0xb8;
	[tilespmem:$0x1FC00] =	vst v63  }
0xac: {  	v21 =	vperm.xlane v21, v15;
	v48 =	vadd.s32 v1, v47;
	s12 =	simm.s32 $0x7600  }
0xad: {  	[tilespmem:s12], [sflag:$0x1] =	stream.indirect_vreg.gather [hbm4b:s15+s4], $0x80, v22, vm2, $0xb8;
	[tilespmem:$0x1FC00] =	vst v63  }
0xae: {  	v21 =	vadd.s32 v1, v21;
	s10 =	simm.s32 $0x7680  }
0xaf: {  	[tilespmem:s10], [sflag:$0x1] =	stream.indirect_vreg.gather [hbm4b:s15+s4], $0x80, v23, vm2, $0xb8;
	[tilespmem:$0x1FC00] =	vst v63  }
0xb0: {  	s11 =	simm.s32 $0x7700  }
0xb1: {  	[tilespmem:s11], [sflag:$0x1] =	stream.indirect_vreg.gather [hbm4b:s15+s4], $0x80, v48, vm2, $0xb8;
	[tilespmem:$0x1FC00] =	vst v63  }
0xb2: {  	s12 =	simm.s32 $0x7780  }
0xb3: {  	[tilespmem:s12], [sflag:$0x1] =	stream.indirect_vreg.gather [hbm4b:s15+s4], $0x80, v21, vm2, $0xb8;
	[tilespmem:$0x1FC00] =	vst v63  }
0xb4: {  	v21 =	vld [tilespmem:$0x30];
	_ =	sdelay $0x4  }
0xb5: {  	v22 =	vshll.u32 v21, $0x1  }
0xb6: {  	v21 =	vand.u32 $0x7, v21;
	v22 =	vand.u32 $0xFFFFFFF0, v22  }
0xb7: {  	v21 =	vor.u32 v21, v22  }
0xb8: {  	v22 =	vperm.xlane v21, v16;
	_ =	sdelay $0x1  }
0xb9: {  	v23 =	vperm.xlane v21, v0;
	v22 =	vadd.s32 v1, v22;
	_ =	sdelay $0x1  }
0xba: {  	v49 =	vperm.xlane v21, v2;
	v23 =	vadd.s32 v1, v23;
	_ =	sdelay $0x1  }
0xbb: {  	s10 =	simm.s32 $0x7800;
	v50 =	vperm.xlane v21, v3;
	v24 =	vadd.s32 v1, v49  }
0xbc: {  	[tilespmem:s10], [sflag:$0x1] =	stream.indirect_vreg.gather [hbm4b:s15+s4], $0x80, v22, vm2, $0xb8;
	[tilespmem:$0x1FC00] =	vst v63  }
0xbd: {  	s11 =	simm.s32 $0x7880;
	v51 =	vperm.xlane v21, v4;
	v22 =	vadd.s32 v1, v50  }
0xbe: {  	[tilespmem:s11], [sflag:$0x1] =	stream.indirect_vreg.gather [hbm4b:s15+s4], $0x80, v23, vm2, $0xb8;
	[tilespmem:$0x1FC00] =	vst v63  }
0xbf: {  	s12 =	simm.s32 $0x7900;
	v52 =	vperm.xlane v21, v5;
	v23 =	vadd.s32 v1, v51  }
0xc0: {  	[tilespmem:s12], [sflag:$0x1] =	stream.indirect_vreg.gather [hbm4b:s15+s4], $0x80, v24, vm2, $0xb8;
	[tilespmem:$0x1FC00] =	vst v63  }
0xc1: {  	v54 =	vperm.xlane v21, v6;
	v53 =	vadd.s32 v1, v52;
	s10 =	simm.s32 $0x7980  }
0xc2: {  	[tilespmem:s10], [sflag:$0x1] =	stream.indirect_vreg.gather [hbm4b:s15+s4], $0x80, v22, vm2, $0xb8;
	[tilespmem:$0x1FC00] =	vst v63  }
0xc3: {  	v55 =	vperm.xlane v21, v7;
	s11 =	simm.s32 $0x7A00;
	v22 =	vadd.s32 v1, v54  }
0xc4: {  	[tilespmem:s11], [sflag:$0x1] =	stream.indirect_vreg.gather [hbm4b:s15+s4], $0x80, v23, vm2, $0xb8;
	[tilespmem:$0x1FC00] =	vst v63  }
0xc5: {  	v56 =	vperm.xlane v21, v8;
	s12 =	simm.s32 $0x7A80;
	v23 =	vadd.s32 v1, v55  }
0xc6: {  	[tilespmem:s12], [sflag:$0x1] =	stream.indirect_vreg.gather [hbm4b:s15+s4], $0x80, v53, vm2, $0xb8;
	[tilespmem:$0x1FC00] =	vst v63  }
0xc7: {  	v58 =	vperm.xlane v21, v9;
	v57 =	vadd.s32 v1, v56;
	s10 =	simm.s32 $0x7B00  }
0xc8: {  	[tilespmem:s10], [sflag:$0x1] =	stream.indirect_vreg.gather [hbm4b:s15+s4], $0x80, v22, vm2, $0xb8;
	[tilespmem:$0x1FC00] =	vst v63  }
0xc9: {  	v59 =	vperm.xlane v21, v10;
	s11 =	simm.s32 $0x7B80;
	v22 =	vadd.s32 v1, v58  }
0xca: {  	[tilespmem:s11], [sflag:$0x1] =	stream.indirect_vreg.gather [hbm4b:s15+s4], $0x80, v23, vm2, $0xb8;
	[tilespmem:$0x1FC00] =	vst v63  }
0xcb: {  	v60 =	vperm.xlane v21, v11;
	s12 =	simm.s32 $0x7C00;
	v23 =	vadd.s32 v1, v59  }
0xcc: {  	[tilespmem:s12], [sflag:$0x1] =	stream.indirect_vreg.gather [hbm4b:s15+s4], $0x80, v57, vm2, $0xb8;
	[tilespmem:$0x1FC00] =	vst v63  }
0xcd: {  	v62 =	vperm.xlane v21, v12;
	v61 =	vadd.s32 v1, v60;
	s10 =	simm.s32 $0x7C80  }
0xce: {  	[tilespmem:s10], [sflag:$0x1] =	stream.indirect_vreg.gather [hbm4b:s15+s4], $0x80, v22, vm2, $0xb8;
	[tilespmem:$0x1FC00] =	vst v63  }
0xcf: {  	v63 =	vperm.xlane v21, v13;
	s11 =	simm.s32 $0x7D00;
	v22 =	vadd.s32 v1, v62  }
0xd0: {  	[tilespmem:s11], [sflag:$0x1] =	stream.indirect_vreg.gather [hbm4b:s15+s4], $0x80, v23, vm2, $0xb8;
	[tilespmem:$0x1FC00] =	vst v63  }
0xd1: {  	v28 =	vperm.xlane v21, v14;
	s12 =	simm.s32 $0x7D80;
	v23 =	vadd.s32 v1, v63  }
0xd2: {  	[tilespmem:s12], [sflag:$0x1] =	stream.indirect_vreg.gather [hbm4b:s15+s4], $0x80, v61, vm2, $0xb8;
	[tilespmem:$0x1FC00] =	vst v63  }
0xd3: {  	v21 =	vperm.xlane v21, v15;
	v29 =	vadd.s32 v1, v28;
	s10 =	simm.s32 $0x7E00  }
0xd4: {  	[tilespmem:s10], [sflag:$0x1] =	stream.indirect_vreg.gather [hbm4b:s15+s4], $0x80, v22, vm2, $0xb8;
	[tilespmem:$0x1FC00] =	vst v63  }
0xd5: {  	v21 =	vadd.s32 v1, v21;
	s11 =	simm.s32 $0x7E80  }
0xd6: {  	[tilespmem:s11], [sflag:$0x1] =	stream.indirect_vreg.gather [hbm4b:s15+s4], $0x80, v23, vm2, $0xb8;
	[tilespmem:$0x1FC00] =	vst v63  }
0xd7: {  	s12 =	simm.s32 $0x7F00  }
0xd8: {  	[tilespmem:s12], [sflag:$0x1] =	stream.indirect_vreg.gather [hbm4b:s15+s4], $0x80, v29, vm2, $0xb8;
	[tilespmem:$0x1FC00] =	vst v63  }
0xd9: {  	s10 =	simm.s32 $0x7F80  }
0xda: {  	[tilespmem:s10], [sflag:$0x1] =	stream.indirect_vreg.gather [hbm4b:s15+s4], $0x80, v21, vm2, $0xb8;
	[tilespmem:$0x1FC00] =	vst v63  }
0xdb: {  	v21 =	vld [tilespmem:$0x40];
	_ =	sdelay $0x4  }
0xdc: {  	v22 =	vshll.u32 v21, $0x1  }
0xdd: {  	v21 =	vand.u32 $0x7, v21;
	v22 =	vand.u32 $0xFFFFFFF0, v22  }
0xde: {  	v21 =	vor.u32 v21, v22  }
0xdf: {  	v22 =	vperm.xlane v21, v16;
	_ =	sdelay $0x1  }
0xe0: {  	v23 =	vperm.xlane v21, v0;
	v22 =	vadd.s32 v1, v22;
	_ =	sdelay $0x1  }
0xe1: {  	v30 =	vperm.xlane v21, v2;
	v23 =	vadd.s32 v1, v23;
	_ =	sdelay $0x1  }
0xe2: {  	s11 =	simm.s32 $0x8000;
	v31 =	vperm.xlane v21, v3;
	v24 =	vadd.s32 v1, v30  }
0xe3: {  	[tilespmem:s11], [sflag:$0x1] =	stream.indirect_vreg.gather [hbm4b:s15+s4], $0x80, v22, vm2, $0xb8;
	[tilespmem:$0x1FC00] =	vst v63  }
0xe4: {  	s12 =	simm.s32 $0x8080;
	v32 =	vperm.xlane v21, v4;
	v22 =	vadd.s32 v1, v31  }
0xe5: {  	[tilespmem:s12], [sflag:$0x1] =	stream.indirect_vreg.gather [hbm4b:s15+s4], $0x80, v23, vm2, $0xb8;
	[tilespmem:$0x1FC00] =	vst v63  }
0xe6: {  	s10 =	simm.s32 $0x8100;
	v33 =	vperm.xlane v21, v5;
	v23 =	vadd.s32 v1, v32  }
0xe7: {  	[tilespmem:s10], [sflag:$0x1] =	stream.indirect_vreg.gather [hbm4b:s15+s4], $0x80, v24, vm2, $0xb8;
	[tilespmem:$0x1FC00] =	vst v63  }
0xe8: {  	v35 =	vperm.xlane v21, v6;
	v34 =	vadd.s32 v1, v33;
	s11 =	simm.s32 $0x8180  }
0xe9: {  	[tilespmem:s11], [sflag:$0x1] =	stream.indirect_vreg.gather [hbm4b:s15+s4], $0x80, v22, vm2, $0xb8;
	[tilespmem:$0x1FC00] =	vst v63  }
0xea: {  	v36 =	vperm.xlane v21, v7;
	s12 =	simm.s32 $0x8200;
	v22 =	vadd.s32 v1, v35  }
0xeb: {  	[tilespmem:s12], [sflag:$0x1] =	stream.indirect_vreg.gather [hbm4b:s15+s4], $0x80, v23, vm2, $0xb8;
	[tilespmem:$0x1FC00] =	vst v63  }
0xec: {  	v37 =	vperm.xlane v21, v8;
	s10 =	simm.s32 $0x8280;
	v23 =	vadd.s32 v1, v36  }
0xed: {  	[tilespmem:s10], [sflag:$0x1] =	stream.indirect_vreg.gather [hbm4b:s15+s4], $0x80, v34, vm2, $0xb8;
	[tilespmem:$0x1FC00] =	vst v63  }
0xee: {  	v39 =	vperm.xlane v21, v9;
	v38 =	vadd.s32 v1, v37;
	s11 =	simm.s32 $0x8300  }
0xef: {  	[tilespmem:s11], [sflag:$0x1] =	stream.indirect_vreg.gather [hbm4b:s15+s4], $0x80, v22, vm2, $0xb8;
	[tilespmem:$0x1FC00] =	vst v63  }
0xf0: {  	v40 =	vperm.xlane v21, v10;
	s12 =	simm.s32 $0x8380;
	v22 =	vadd.s32 v1, v39  }
0xf1: {  	[tilespmem:s12], [sflag:$0x1] =	stream.indirect_vreg.gather [hbm4b:s15+s4], $0x80, v23, vm2, $0xb8;
	[tilespmem:$0x1FC00] =	vst v63  }
0xf2: {  	v41 =	vperm.xlane v21, v11;
	s10 =	simm.s32 $0x8400;
	v23 =	vadd.s32 v1, v40  }
0xf3: {  	[tilespmem:s10], [sflag:$0x1] =	stream.indirect_vreg.gather [hbm4b:s15+s4], $0x80, v38, vm2, $0xb8;
	[tilespmem:$0x1FC00] =	vst v63  }
0xf4: {  	v43 =	vperm.xlane v21, v12;
	v42 =	vadd.s32 v1, v41;
	s11 =	simm.s32 $0x8480  }
0xf5: {  	[tilespmem:s11], [sflag:$0x1] =	stream.indirect_vreg.gather [hbm4b:s15+s4], $0x80, v22, vm2, $0xb8;
	[tilespmem:$0x1FC00] =	vst v63  }
0xf6: {  	v44 =	vperm.xlane v21, v13;
	s12 =	simm.s32 $0x8500;
	v22 =	vadd.s32 v1, v43  }
0xf7: {  	[tilespmem:s12], [sflag:$0x1] =	stream.indirect_vreg.gather [hbm4b:s15+s4], $0x80, v23, vm2, $0xb8;
	[tilespmem:$0x1FC00] =	vst v63  }
0xf8: {  	v45 =	vperm.xlane v21, v14;
	s10 =	simm.s32 $0x8580;
	v23 =	vadd.s32 v1, v44  }
0xf9: {  	[tilespmem:s10], [sflag:$0x1] =	stream.indirect_vreg.gather [hbm4b:s15+s4], $0x80, v42, vm2, $0xb8;
	[tilespmem:$0x1FC00] =	vst v63  }
0xfa: {  	v21 =	vperm.xlane v21, v15;
	v46 =	vadd.s32 v1, v45;
	s11 =	simm.s32 $0x8600  }
0xfb: {  	[tilespmem:s11], [sflag:$0x1] =	stream.indirect_vreg.gather [hbm4b:s15+s4], $0x80, v22, vm2, $0xb8;
	[tilespmem:$0x1FC00] =	vst v63  }
0xfc: {  	v21 =	vadd.s32 v1, v21;
	s12 =	simm.s32 $0x8680  }
0xfd: {  	[tilespmem:s12], [sflag:$0x1] =	stream.indirect_vreg.gather [hbm4b:s15+s4], $0x80, v23, vm2, $0xb8;
	[tilespmem:$0x1FC00] =	vst v63  }
0xfe: {  	s10 =	simm.s32 $0x8700  }
0xff: {  	[tilespmem:s10], [sflag:$0x1] =	stream.indirect_vreg.gather [hbm4b:s15+s4], $0x80, v46, vm2, $0xb8;
	[tilespmem:$0x1FC00] =	vst v63  }
0x100: {  	s11 =	simm.s32 $0x8780  }
0x101: {  	[tilespmem:s11], [sflag:$0x1] =	stream.indirect_vreg.gather [hbm4b:s15+s4], $0x80, v21, vm2, $0xb8;
	[tilespmem:$0x1FC00] =	vst v63  }
0x102: {  	v21 =	vld [tilespmem:$0x50];
	_ =	sdelay $0x4  }
0x103: {  	v22 =	vshll.u32 v21, $0x1  }
0x104: {  	v21 =	vand.u32 $0x7, v21;
	v22 =	vand.u32 $0xFFFFFFF0, v22  }
0x105: {  	v21 =	vor.u32 v21, v22  }
0x106: {  	v22 =	vperm.xlane v21, v16;
	_ =	sdelay $0x1  }
0x107: {  	v23 =	vperm.xlane v21, v0;
	v22 =	vadd.s32 v1, v22;
	_ =	sdelay $0x1  }
0x108: {  	v47 =	vperm.xlane v21, v2;
	v23 =	vadd.s32 v1, v23;
	_ =	sdelay $0x1  }
0x109: {  	s12 =	simm.s32 $0x8800;
	v48 =	vperm.xlane v21, v3;
	v24 =	vadd.s32 v1, v47  }
0x10a: {  	[tilespmem:s12], [sflag:$0x1] =	stream.indirect_vreg.gather [hbm4b:s15+s4], $0x80, v22, vm2, $0xb8;
	[tilespmem:$0x1FC00] =	vst v63  }
0x10b: {  	s10 =	simm.s32 $0x8880;
	v49 =	vperm.xlane v21, v4;
	v22 =	vadd.s32 v1, v48  }
0x10c: {  	[tilespmem:s10], [sflag:$0x1] =	stream.indirect_vreg.gather [hbm4b:s15+s4], $0x80, v23, vm2, $0xb8;
	[tilespmem:$0x1FC00] =	vst v63  }
0x10d: {  	s11 =	simm.s32 $0x8900;
	v50 =	vperm.xlane v21, v5;
	v23 =	vadd.s32 v1, v49  }
0x10e: {  	[tilespmem:s11], [sflag:$0x1] =	stream.indirect_vreg.gather [hbm4b:s15+s4], $0x80, v24, vm2, $0xb8;
	[tilespmem:$0x1FC00] =	vst v63  }
0x10f: {  	v52 =	vperm.xlane v21, v6;
	v51 =	vadd.s32 v1, v50;
	s12 =	simm.s32 $0x8980  }
0x110: {  	[tilespmem:s12], [sflag:$0x1] =	stream.indirect_vreg.gather [hbm4b:s15+s4], $0x80, v22, vm2, $0xb8;
	[tilespmem:$0x1FC00] =	vst v63  }
0x111: {  	v53 =	vperm.xlane v21, v7;
	s10 =	simm.s32 $0x8A00;
	v22 =	vadd.s32 v1, v52  }
0x112: {  	[tilespmem:s10], [sflag:$0x1] =	stream.indirect_vreg.gather [hbm4b:s15+s4], $0x80, v23, vm2, $0xb8;
	[tilespmem:$0x1FC00] =	vst v63  }
0x113: {  	v54 =	vperm.xlane v21, v8;
	s11 =	simm.s32 $0x8A80;
	v23 =	vadd.s32 v1, v53  }
0x114: {  	[tilespmem:s11], [sflag:$0x1] =	stream.indirect_vreg.gather [hbm4b:s15+s4], $0x80, v51, vm2, $0xb8;
	[tilespmem:$0x1FC00] =	vst v63  }
0x115: {  	v56 =	vperm.xlane v21, v9;
	v55 =	vadd.s32 v1, v54;
	s12 =	simm.s32 $0x8B00  }
0x116: {  	[tilespmem:s12], [sflag:$0x1] =	stream.indirect_vreg.gather [hbm4b:s15+s4], $0x80, v22, vm2, $0xb8;
	[tilespmem:$0x1FC00] =	vst v63  }
0x117: {  	v57 =	vperm.xlane v21, v10;
	s10 =	simm.s32 $0x8B80;
	v22 =	vadd.s32 v1, v56  }
0x118: {  	[tilespmem:s10], [sflag:$0x1] =	stream.indirect_vreg.gather [hbm4b:s15+s4], $0x80, v23, vm2, $0xb8;
	[tilespmem:$0x1FC00] =	vst v63  }
0x119: {  	v58 =	vperm.xlane v21, v11;
	s11 =	simm.s32 $0x8C00;
	v23 =	vadd.s32 v1, v57  }
0x11a: {  	[tilespmem:s11], [sflag:$0x1] =	stream.indirect_vreg.gather [hbm4b:s15+s4], $0x80, v55, vm2, $0xb8;
	[tilespmem:$0x1FC00] =	vst v63  }
0x11b: {  	v60 =	vperm.xlane v21, v12;
	v59 =	vadd.s32 v1, v58;
	s12 =	simm.s32 $0x8C80  }
0x11c: {  	[tilespmem:s12], [sflag:$0x1] =	stream.indirect_vreg.gather [hbm4b:s15+s4], $0x80, v22, vm2, $0xb8;
	[tilespmem:$0x1FC00] =	vst v63  }
0x11d: {  	v61 =	vperm.xlane v21, v13;
	s10 =	simm.s32 $0x8D00;
	v22 =	vadd.s32 v1, v60  }
0x11e: {  	[tilespmem:s10], [sflag:$0x1] =	stream.indirect_vreg.gather [hbm4b:s15+s4], $0x80, v23, vm2, $0xb8;
	[tilespmem:$0x1FC00] =	vst v63  }
0x11f: {  	s11 =	simm.s32 $0x8D80;
	v23 =	vadd.s32 v1, v61  }
0x120: {  	v62 =	vperm.xlane v21, v14;
	[tilespmem:s11], [sflag:$0x1] =	stream.indirect_vreg.gather [hbm4b:s15+s4], $0x80, v59, vm2, $0xb8;
	[tilespmem:$0x1FC00] =	vst v63  }
0x121: {  	s12 =	simm.s32 $0x8E00  }
0x122: {  	v21 =	vperm.xlane v21, v15;
	v63 =	vadd.s32 v1, v62;
	[tilespmem:s12], [sflag:$0x1] =	stream.indirect_vreg.gather [hbm4b:s15+s4], $0x80, v22, vm2, $0xb8;
	[tilespmem:$0x1FC00] =	vst v63  }
0x123: {  	s10 =	simm.s32 $0x8E80  }
0x124: {  	v21 =	vadd.s32 v1, v21;
	[tilespmem:s10], [sflag:$0x1] =	stream.indirect_vreg.gather [hbm4b:s15+s4], $0x80, v23, vm2, $0xb8;
	[tilespmem:$0x1FC00] =	vst v63  }
.Ltmp2:
0x125: {  	_ = 	snop;
	(pc) =	sbr.rel .LBB2_2-.Ltmp2, $4  }
0x126: {  	s11 =	simm.s32 $0x8F00  }
0x127: {  	[tilespmem:s11], [sflag:$0x1] =	stream.indirect_vreg.gather [hbm4b:s15+s4], $0x80, v63, vm2, $0xb8;
	[tilespmem:$0x1FC00] =	vst v63  }
0x128: {  	s12 =	simm.s32 $0x8F80;
	s10 =	simm.s32 $0x90;
	s11 =	simm.s32 $0x0  }
0x129: {  	[tilespmem:s12], [sflag:$0x1] =	stream.indirect_vreg.gather [hbm4b:s15+s4], $0x80, v21, vm2, $0xb8;
	[tilespmem:$0x1FC00] =	vst v63  }
.LBB2_4:
0x12a: {  	_ =	swait.ge [sflag:s14], $0x3000;
	s11 =	sadd.s32 $0x400, s11  }
0x12b: {  	[sflag:s14] =	ssyncset.done $0x0;
	p1 =	sne.s32 s11, $0xD400  }
.Ltmp3:
0x12c: {  	s6 =	sadd.s32 $0x2880, s6;
	[sflag:s14] =	ssyncadd.s32 $0xFFFFD000;
	(pc) =	sbr.rel @!p1 .LBB2_5-.Ltmp3, $4  }
0x12d: {  	[spmem:s3] =	stream.indirect.scatter.add.f32 [tilespmem:s5], [sflag:$0x2], $0x80, s6, s16, $0xb8;
	[tilespmem:$0x1FC00] =	vst v63  }
0x12e: {  	_ =	swait.ge [sflag:s13], $0x3000  }
0x12f: {  	[sflag:s13] =	ssyncset.done $0x0  }
0x130: {  	s10 =	sadd.s32 $0xC0, s10;
	[sflag:s13] =	ssyncadd.s32 $0xFFFFD000  }
.LBB2_2:
0x131: {  	v21 =	vld @p0 [tilespmem:s10+$0xFFFFFFD0];
	_ =	sdelay $0x4  }
0x132: {  	v22 =	vshll.u32 @p0 v21, $0x1  }
0x133: {  	v21 =	vand.u32 @p0 $0x7, v21;
	v22 =	vand.u32 @p0 $0xFFFFFFF0, v22  }
0x134: {  	v21 =	vor.u32 @p0 v21, v22  }
0x135: {  	v22 =	vperm.xlane @p0 v21, v17;
	_ =	sdelay $0x1  }
0x136: {  	v22 =	vadd.s32 @p0 v18, v22;
	_ =	sdelay $0x3  }
0x137: {  	s6 =	simm.s32 @p0 $0x9000  }
0x138: {  	[tilespmem:s6], [sflag:$0x1] =	stream.indirect_vreg.gather @p0 [hbm4b:s9+s7], $0x80, v22, vm0, $0xb8;
	[tilespmem:$0x1FC00] =	vst v63  }
0x139: {  	v22 =	vld @!p0 [tilespmem:s10+$0xFFFFFFD0];
	_ =	sdelay $0x4  }
0x13a: {  	v23 =	vshll.u32 @!p0 v22, $0x1  }
0x13b: {  	v22 =	vand.u32 @!p0 $0x7, v22;
	v23 =	vand.u32 @!p0 $0xFFFFFFF0, v23  }
0x13c: {  	v22 =	vor.u32 @!p0 v22, v23  }
0x13d: {  	v23 =	vperm.xlane @!p0 v22, v19  }
0x13e: {  	v21 =	vpsel p0, v21, v22  }
0x13f: {  	v22 =	vadd.s32 @!p0 v20, v23;
	v23 =	vperm.xlane v21, v0;
	_ =	sdelay $0x1  }
0x140: {  	v24 =	vperm.xlane v21, v2;
	v23 =	vadd.s32 v1, v23;
	_ =	sdelay $0x1  }
0x141: {  	s6 =	simm.s32 @!p0 $0x9000;
	v25 =	vperm.xlane v21, v3;
	v24 =	vadd.s32 v1, v24  }
0x142: {  	[tilespmem:s6], [sflag:$0x1] =	stream.indirect_vreg.gather @!p0 [hbm4b:s0+s8], $0x80, v22, vm1, $0xb8;
	[tilespmem:$0x1FC00] =	vst v63  }
0x143: {  	v36 =	vperm.xlane v21, v4;
	v22 =	vadd.s32 v1, v25  }
0x144: {  	[tilespmem:s18], [sflag:$0x1] =	stream.indirect_vreg.gather [hbm4b:s15+s4], $0x80, v23, vm2, $0xb8;
	[tilespmem:$0x1FC00] =	vst v63  }
0x145: {  	s12 =	simm.s32 $0x9100;
	v37 =	vperm.xlane v21, v5;
	v23 =	vadd.s32 v1, v36  }
0x146: {  	[tilespmem:s12], [sflag:$0x1] =	stream.indirect_vreg.gather [hbm4b:s15+s4], $0x80, v24, vm2, $0xb8;
	[tilespmem:$0x1FC00] =	vst v63  }
0x147: {  	v39 =	vperm.xlane v21, v6;
	v38 =	vadd.s32 v1, v37;
	s12 =	simm.s32 $0x9180  }
0x148: {  	[tilespmem:s12], [sflag:$0x1] =	stream.indirect_vreg.gather [hbm4b:s15+s4], $0x80, v22, vm2, $0xb8;
	[tilespmem:$0x1FC00] =	vst v63  }
0x149: {  	v40 =	vperm.xlane v21, v7;
	v22 =	vadd.s32 v1, v39;
	s12 =	simm.s32 $0x9200  }
0x14a: {  	[tilespmem:s12], [sflag:$0x1] =	stream.indirect_vreg.gather [hbm4b:s15+s4], $0x80, v23, vm2, $0xb8;
	[tilespmem:$0x1FC00] =	vst v63  }
0x14b: {  	v41 =	vperm.xlane v21, v8;
	v23 =	vadd.s32 v1, v40;
	s12 =	simm.s32 $0x9280  }
0x14c: {  	[tilespmem:s12], [sflag:$0x1] =	stream.indirect_vreg.gather [hbm4b:s15+s4], $0x80, v38, vm2, $0xb8;
	[tilespmem:$0x1FC00] =	vst v63  }
0x14d: {  	v43 =	vperm.xlane v21, v9;
	v42 =	vadd.s32 v1, v41;
	s12 =	simm.s32 $0x9300  }
0x14e: {  	[tilespmem:s12], [sflag:$0x1] =	stream.indirect_vreg.gather [hbm4b:s15+s4], $0x80, v22, vm2, $0xb8;
	[tilespmem:$0x1FC00] =	vst v63  }
0x14f: {  	v44 =	vperm.xlane v21, v10;
	v22 =	vadd.s32 v1, v43;
	s12 =	simm.s32 $0x9380  }
0x150: {  	[tilespmem:s12], [sflag:$0x1] =	stream.indirect_vreg.gather [hbm4b:s15+s4], $0x80, v23, vm2, $0xb8;
	[tilespmem:$0x1FC00] =	vst v63  }
0x151: {  	v45 =	vperm.xlane v21, v11;
	v23 =	vadd.s32 v1, v44;
	s12 =	simm.s32 $0x9400  }
0x152: {  	[tilespmem:s12], [sflag:$0x1] =	stream.indirect_vreg.gather [hbm4b:s15+s4], $0x80, v42, vm2, $0xb8;
	[tilespmem:$0x1FC00] =	vst v63  }
0x153: {  	v47 =	vperm.xlane v21, v12;
	v46 =	vadd.s32 v1, v45;
	s12 =	simm.s32 $0x9480  }
0x154: {  	[tilespmem:s12], [sflag:$0x1] =	stream.indirect_vreg.gather [hbm4b:s15+s4], $0x80, v22, vm2, $0xb8;
	[tilespmem:$0x1FC00] =	vst v63  }
0x155: {  	v48 =	vperm.xlane v21, v13;
	v22 =	vadd.s32 v1, v47;
	s12 =	simm.s32 $0x9500  }
0x156: {  	[tilespmem:s12], [sflag:$0x1] =	stream.indirect_vreg.gather [hbm4b:s15+s4], $0x80, v23, vm2, $0xb8;
	[tilespmem:$0x1FC00] =	vst v63  }
0x157: {  	v49 =	vperm.xlane v21, v14;
	v23 =	vadd.s32 v1, v48;
	s12 =	simm.s32 $0x9580  }
0x158: {  	[tilespmem:s12], [sflag:$0x1] =	stream.indirect_vreg.gather [hbm4b:s15+s4], $0x80, v46, vm2, $0xb8;
	[tilespmem:$0x1FC00] =	vst v63  }
0x159: {  	v21 =	vperm.xlane v21, v15;
	v50 =	vadd.s32 v1, v49;
	s12 =	simm.s32 $0x9600  }
0x15a: {  	[tilespmem:s12], [sflag:$0x1] =	stream.indirect_vreg.gather [hbm4b:s15+s4], $0x80, v22, vm2, $0xb8;
	[tilespmem:$0x1FC00] =	vst v63  }
0x15b: {  	v21 =	vadd.s32 v1, v21;
	s12 =	simm.s32 $0x9680  }
0x15c: {  	[tilespmem:s12], [sflag:$0x1] =	stream.indirect_vreg.gather [hbm4b:s15+s4], $0x80, v23, vm2, $0xb8;
	[tilespmem:$0x1FC00] =	vst v63  }
0x15d: {  	s12 =	simm.s32 $0x9700  }
0x15e: {  	[tilespmem:s12], [sflag:$0x1] =	stream.indirect_vreg.gather [hbm4b:s15+s4], $0x80, v50, vm2, $0xb8;
	[tilespmem:$0x1FC00] =	vst v63  }
0x15f: {  	s12 =	simm.s32 $0x9780  }
0x160: {  	[tilespmem:s12], [sflag:$0x1] =	stream.indirect_vreg.gather [hbm4b:s15+s4], $0x80, v21, vm2, $0xb8;
	[tilespmem:$0x1FC00] =	vst v63  }
0x161: {  	v21 =	vld [tilespmem:s10+$0xFFFFFFE0];
	_ =	sdelay $0x4  }
0x162: {  	v22 =	vshll.u32 v21, $0x1  }
0x163: {  	v21 =	vand.u32 $0x7, v21;
	v22 =	vand.u32 $0xFFFFFFF0, v22  }
0x164: {  	v21 =	vor.u32 v21, v22  }
0x165: {  	v22 =	vperm.xlane v21, v16;
	_ =	sdelay $0x1  }
0x166: {  	v23 =	vperm.xlane v21, v0;
	v22 =	vadd.s32 v1, v22;
	_ =	sdelay $0x1  }
0x167: {  	v51 =	vperm.xlane v21, v2;
	v23 =	vadd.s32 v1, v23;
	_ =	sdelay $0x1  }
0x168: {  	s12 =	simm.s32 $0x9800;
	v52 =	vperm.xlane v21, v3;
	v24 =	vadd.s32 v1, v51  }
0x169: {  	[tilespmem:s12], [sflag:$0x1] =	stream.indirect_vreg.gather [hbm4b:s15+s4], $0x80, v22, vm2, $0xb8;
	[tilespmem:$0x1FC00] =	vst v63  }
0x16a: {  	v53 =	vperm.xlane v21, v4;
	v22 =	vadd.s32 v1, v52;
	s12 =	simm.s32 $0x9880  }
0x16b: {  	[tilespmem:s12], [sflag:$0x1] =	stream.indirect_vreg.gather [hbm4b:s15+s4], $0x80, v23, vm2, $0xb8;
	[tilespmem:$0x1FC00] =	vst v63  }
0x16c: {  	v54 =	vperm.xlane v21, v5;
	v23 =	vadd.s32 v1, v53;
	s12 =	simm.s32 $0x9900  }
0x16d: {  	[tilespmem:s12], [sflag:$0x1] =	stream.indirect_vreg.gather [hbm4b:s15+s4], $0x80, v24, vm2, $0xb8;
	[tilespmem:$0x1FC00] =	vst v63  }
0x16e: {  	v56 =	vperm.xlane v21, v6;
	v55 =	vadd.s32 v1, v54;
	s12 =	simm.s32 $0x9980  }
0x16f: {  	[tilespmem:s12], [sflag:$0x1] =	stream.indirect_vreg.gather [hbm4b:s15+s4], $0x80, v22, vm2, $0xb8;
	[tilespmem:$0x1FC00] =	vst v63  }
0x170: {  	v57 =	vperm.xlane v21, v7;
	v22 =	vadd.s32 v1, v56;
	s12 =	simm.s32 $0x9A00  }
0x171: {  	[tilespmem:s12], [sflag:$0x1] =	stream.indirect_vreg.gather [hbm4b:s15+s4], $0x80, v23, vm2, $0xb8;
	[tilespmem:$0x1FC00] =	vst v63  }
0x172: {  	v58 =	vperm.xlane v21, v8;
	v23 =	vadd.s32 v1, v57;
	s12 =	simm.s32 $0x9A80  }
0x173: {  	[tilespmem:s12], [sflag:$0x1] =	stream.indirect_vreg.gather [hbm4b:s15+s4], $0x80, v55, vm2, $0xb8;
	[tilespmem:$0x1FC00] =	vst v63  }
0x174: {  	v60 =	vperm.xlane v21, v9;
	v59 =	vadd.s32 v1, v58;
	s12 =	simm.s32 $0x9B00  }
0x175: {  	[tilespmem:s12], [sflag:$0x1] =	stream.indirect_vreg.gather [hbm4b:s15+s4], $0x80, v22, vm2, $0xb8;
	[tilespmem:$0x1FC00] =	vst v63  }
0x176: {  	v61 =	vperm.xlane v21, v10;
	v22 =	vadd.s32 v1, v60;
	s12 =	simm.s32 $0x9B80  }
0x177: {  	[tilespmem:s12], [sflag:$0x1] =	stream.indirect_vreg.gather [hbm4b:s15+s4], $0x80, v23, vm2, $0xb8;
	[tilespmem:$0x1FC00] =	vst v63  }
0x178: {  	v62 =	vperm.xlane v21, v11;
	v23 =	vadd.s32 v1, v61;
	s12 =	simm.s32 $0x9C00  }
0x179: {  	[tilespmem:s12], [sflag:$0x1] =	stream.indirect_vreg.gather [hbm4b:s15+s4], $0x80, v59, vm2, $0xb8;
	[tilespmem:$0x1FC00] =	vst v63  }
0x17a: {  	v28 =	vperm.xlane v21, v12;
	v63 =	vadd.s32 v1, v62;
	s12 =	simm.s32 $0x9C80  }
0x17b: {  	[tilespmem:s12], [sflag:$0x1] =	stream.indirect_vreg.gather [hbm4b:s15+s4], $0x80, v22, vm2, $0xb8;
	[tilespmem:$0x1FC00] =	vst v63  }
0x17c: {  	v29 =	vperm.xlane v21, v13;
	v22 =	vadd.s32 v1, v28;
	s12 =	simm.s32 $0x9D00  }
0x17d: {  	[tilespmem:s12], [sflag:$0x1] =	stream.indirect_vreg.gather [hbm4b:s15+s4], $0x80, v23, vm2, $0xb8;
	[tilespmem:$0x1FC00] =	vst v63  }
0x17e: {  	v30 =	vperm.xlane v21, v14;
	v23 =	vadd.s32 v1, v29;
	s12 =	simm.s32 $0x9D80  }
0x17f: {  	[tilespmem:s12], [sflag:$0x1] =	stream.indirect_vreg.gather [hbm4b:s15+s4], $0x80, v63, vm2, $0xb8;
	[tilespmem:$0x1FC00] =	vst v63  }
0x180: {  	v21 =	vperm.xlane v21, v15;
	v31 =	vadd.s32 v1, v30;
	s12 =	simm.s32 $0x9E00  }
0x181: {  	[tilespmem:s12], [sflag:$0x1] =	stream.indirect_vreg.gather [hbm4b:s15+s4], $0x80, v22, vm2, $0xb8;
	[tilespmem:$0x1FC00] =	vst v63  }
0x182: {  	v21 =	vadd.s32 v1, v21;
	s12 =	simm.s32 $0x9E80  }
0x183: {  	[tilespmem:s12], [sflag:$0x1] =	stream.indirect_vreg.gather [hbm4b:s15+s4], $0x80, v23, vm2, $0xb8;
	[tilespmem:$0x1FC00] =	vst v63  }
0x184: {  	s12 =	simm.s32 $0x9F00  }
0x185: {  	[tilespmem:s12], [sflag:$0x1] =	stream.indirect_vreg.gather [hbm4b:s15+s4], $0x80, v31, vm2, $0xb8;
	[tilespmem:$0x1FC00] =	vst v63  }
0x186: {  	s12 =	simm.s32 $0x9F80  }
0x187: {  	[tilespmem:s12], [sflag:$0x1] =	stream.indirect_vreg.gather [hbm4b:s15+s4], $0x80, v21, vm2, $0xb8;
	[tilespmem:$0x1FC00] =	vst v63  }
0x188: {  	v21 =	vld [tilespmem:s10+$0xFFFFFFF0];
	_ =	sdelay $0x4  }
0x189: {  	v22 =	vshll.u32 v21, $0x1  }
0x18a: {  	v21 =	vand.u32 $0x7, v21;
	v22 =	vand.u32 $0xFFFFFFF0, v22  }
0x18b: {  	v21 =	vor.u32 v21, v22  }
0x18c: {  	v22 =	vperm.xlane v21, v16;
	_ =	sdelay $0x1  }
0x18d: {  	v23 =	vperm.xlane v21, v0;
	v22 =	vadd.s32 v1, v22;
	_ =	sdelay $0x1  }
0x18e: {  	v32 =	vperm.xlane v21, v2;
	v23 =	vadd.s32 v1, v23;
	_ =	sdelay $0x1  }
0x18f: {  	s12 =	simm.s32 $0xA000;
	v33 =	vperm.xlane v21, v3;
	v24 =	vadd.s32 v1, v32  }
0x190: {  	[tilespmem:s12], [sflag:$0x1] =	stream.indirect_vreg.gather [hbm4b:s15+s4], $0x80, v22, vm2, $0xb8;
	[tilespmem:$0x1FC00] =	vst v63  }
0x191: {  	v34 =	vperm.xlane v21, v4;
	v22 =	vadd.s32 v1, v33;
	s12 =	simm.s32 $0xA080  }
0x192: {  	[tilespmem:s12], [sflag:$0x1] =	stream.indirect_vreg.gather [hbm4b:s15+s4], $0x80, v23, vm2, $0xb8;
	[tilespmem:$0x1FC00] =	vst v63  }
0x193: {  	v35 =	vperm.xlane v21, v5;
	v23 =	vadd.s32 v1, v34;
	s12 =	simm.s32 $0xA100  }
0x194: {  	[tilespmem:s12], [sflag:$0x1] =	stream.indirect_vreg.gather [hbm4b:s15+s4], $0x80, v24, vm2, $0xb8;
	[tilespmem:$0x1FC00] =	vst v63  }
0x195: {  	v37 =	vperm.xlane v21, v6;
	v36 =	vadd.s32 v1, v35;
	s12 =	simm.s32 $0xA180  }
0x196: {  	[tilespmem:s12], [sflag:$0x1] =	stream.indirect_vreg.gather [hbm4b:s15+s4], $0x80, v22, vm2, $0xb8;
	[tilespmem:$0x1FC00] =	vst v63  }
0x197: {  	v38 =	vperm.xlane v21, v7;
	v22 =	vadd.s32 v1, v37;
	s12 =	simm.s32 $0xA200  }
0x198: {  	[tilespmem:s12], [sflag:$0x1] =	stream.indirect_vreg.gather [hbm4b:s15+s4], $0x80, v23, vm2, $0xb8;
	[tilespmem:$0x1FC00] =	vst v63  }
0x199: {  	v39 =	vperm.xlane v21, v8;
	v23 =	vadd.s32 v1, v38;
	s12 =	simm.s32 $0xA280  }
0x19a: {  	[tilespmem:s12], [sflag:$0x1] =	stream.indirect_vreg.gather [hbm4b:s15+s4], $0x80, v36, vm2, $0xb8;
	[tilespmem:$0x1FC00] =	vst v63  }
0x19b: {  	v41 =	vperm.xlane v21, v9;
	v40 =	vadd.s32 v1, v39;
	s12 =	simm.s32 $0xA300  }
0x19c: {  	[tilespmem:s12], [sflag:$0x1] =	stream.indirect_vreg.gather [hbm4b:s15+s4], $0x80, v22, vm2, $0xb8;
	[tilespmem:$0x1FC00] =	vst v63  }
0x19d: {  	v42 =	vperm.xlane v21, v10;
	v22 =	vadd.s32 v1, v41;
	s12 =	simm.s32 $0xA380  }
0x19e: {  	[tilespmem:s12], [sflag:$0x1] =	stream.indirect_vreg.gather [hbm4b:s15+s4], $0x80, v23, vm2, $0xb8;
	[tilespmem:$0x1FC00] =	vst v63  }
0x19f: {  	v43 =	vperm.xlane v21, v11;
	v23 =	vadd.s32 v1, v42;
	s12 =	simm.s32 $0xA400  }
0x1a0: {  	[tilespmem:s12], [sflag:$0x1] =	stream.indirect_vreg.gather [hbm4b:s15+s4], $0x80, v40, vm2, $0xb8;
	[tilespmem:$0x1FC00] =	vst v63  }
0x1a1: {  	v45 =	vperm.xlane v21, v12;
	v44 =	vadd.s32 v1, v43;
	s12 =	simm.s32 $0xA480  }
0x1a2: {  	[tilespmem:s12], [sflag:$0x1] =	stream.indirect_vreg.gather [hbm4b:s15+s4], $0x80, v22, vm2, $0xb8;
	[tilespmem:$0x1FC00] =	vst v63  }
0x1a3: {  	v46 =	vperm.xlane v21, v13;
	v22 =	vadd.s32 v1, v45;
	s12 =	simm.s32 $0xA500  }
0x1a4: {  	[tilespmem:s12], [sflag:$0x1] =	stream.indirect_vreg.gather [hbm4b:s15+s4], $0x80, v23, vm2, $0xb8;
	[tilespmem:$0x1FC00] =	vst v63  }
0x1a5: {  	v47 =	vperm.xlane v21, v14;
	v23 =	vadd.s32 v1, v46;
	s12 =	simm.s32 $0xA580  }
0x1a6: {  	[tilespmem:s12], [sflag:$0x1] =	stream.indirect_vreg.gather [hbm4b:s15+s4], $0x80, v44, vm2, $0xb8;
	[tilespmem:$0x1FC00] =	vst v63  }
0x1a7: {  	v21 =	vperm.xlane v21, v15;
	v48 =	vadd.s32 v1, v47;
	s12 =	simm.s32 $0xA600  }
0x1a8: {  	[tilespmem:s12], [sflag:$0x1] =	stream.indirect_vreg.gather [hbm4b:s15+s4], $0x80, v22, vm2, $0xb8;
	[tilespmem:$0x1FC00] =	vst v63  }
0x1a9: {  	v21 =	vadd.s32 v1, v21;
	s12 =	simm.s32 $0xA680  }
0x1aa: {  	[tilespmem:s12], [sflag:$0x1] =	stream.indirect_vreg.gather [hbm4b:s15+s4], $0x80, v23, vm2, $0xb8;
	[tilespmem:$0x1FC00] =	vst v63  }
0x1ab: {  	s12 =	simm.s32 $0xA700  }
0x1ac: {  	[tilespmem:s12], [sflag:$0x1] =	stream.indirect_vreg.gather [hbm4b:s15+s4], $0x80, v48, vm2, $0xb8;
	[tilespmem:$0x1FC00] =	vst v63  }
0x1ad: {  	s12 =	simm.s32 $0xA780  }
0x1ae: {  	[tilespmem:s12], [sflag:$0x1] =	stream.indirect_vreg.gather [hbm4b:s15+s4], $0x80, v21, vm2, $0xb8;
	[tilespmem:$0x1FC00] =	vst v63  }
0x1af: {  	v21 =	vld [tilespmem:s10+$0x0];
	_ =	sdelay $0x4  }
0x1b0: {  	v22 =	vshll.u32 v21, $0x1  }
0x1b1: {  	v21 =	vand.u32 $0x7, v21;
	v22 =	vand.u32 $0xFFFFFFF0, v22  }
0x1b2: {  	v21 =	vor.u32 v21, v22  }
0x1b3: {  	v22 =	vperm.xlane v21, v16;
	_ =	sdelay $0x1  }
0x1b4: {  	v23 =	vperm.xlane v21, v0;
	v22 =	vadd.s32 v1, v22;
	_ =	sdelay $0x1  }
0x1b5: {  	v49 =	vperm.xlane v21, v2;
	v23 =	vadd.s32 v1, v23;
	_ =	sdelay $0x1  }
0x1b6: {  	s12 =	simm.s32 $0xA800;
	v50 =	vperm.xlane v21, v3;
	v24 =	vadd.s32 v1, v49  }
0x1b7: {  	[tilespmem:s12], [sflag:$0x1] =	stream.indirect_vreg.gather [hbm4b:s15+s4], $0x80, v22, vm2, $0xb8;
	[tilespmem:$0x1FC00] =	vst v63  }
0x1b8: {  	v51 =	vperm.xlane v21, v4;
	v22 =	vadd.s32 v1, v50;
	s12 =	simm.s32 $0xA880  }
0x1b9: {  	[tilespmem:s12], [sflag:$0x1] =	stream.indirect_vreg.gather [hbm4b:s15+s4], $0x80, v23, vm2, $0xb8;
	[tilespmem:$0x1FC00] =	vst v63  }
0x1ba: {  	v52 =	vperm.xlane v21, v5;
	v23 =	vadd.s32 v1, v51;
	s12 =	simm.s32 $0xA900  }
0x1bb: {  	[tilespmem:s12], [sflag:$0x1] =	stream.indirect_vreg.gather [hbm4b:s15+s4], $0x80, v24, vm2, $0xb8;
	[tilespmem:$0x1FC00] =	vst v63  }
0x1bc: {  	v54 =	vperm.xlane v21, v6;
	v53 =	vadd.s32 v1, v52;
	s12 =	simm.s32 $0xA980  }
0x1bd: {  	[tilespmem:s12], [sflag:$0x1] =	stream.indirect_vreg.gather [hbm4b:s15+s4], $0x80, v22, vm2, $0xb8;
	[tilespmem:$0x1FC00] =	vst v63  }
0x1be: {  	v55 =	vperm.xlane v21, v7;
	v22 =	vadd.s32 v1, v54;
	s12 =	simm.s32 $0xAA00  }
0x1bf: {  	[tilespmem:s12], [sflag:$0x1] =	stream.indirect_vreg.gather [hbm4b:s15+s4], $0x80, v23, vm2, $0xb8;
	[tilespmem:$0x1FC00] =	vst v63  }
0x1c0: {  	v56 =	vperm.xlane v21, v8;
	v23 =	vadd.s32 v1, v55;
	s12 =	simm.s32 $0xAA80  }
0x1c1: {  	[tilespmem:s12], [sflag:$0x1] =	stream.indirect_vreg.gather [hbm4b:s15+s4], $0x80, v53, vm2, $0xb8;
	[tilespmem:$0x1FC00] =	vst v63  }
0x1c2: {  	v58 =	vperm.xlane v21, v9;
	v57 =	vadd.s32 v1, v56;
	s12 =	simm.s32 $0xAB00  }
0x1c3: {  	[tilespmem:s12], [sflag:$0x1] =	stream.indirect_vreg.gather [hbm4b:s15+s4], $0x80, v22, vm2, $0xb8;
	[tilespmem:$0x1FC00] =	vst v63  }
0x1c4: {  	v59 =	vperm.xlane v21, v10;
	v22 =	vadd.s32 v1, v58;
	s12 =	simm.s32 $0xAB80  }
0x1c5: {  	[tilespmem:s12], [sflag:$0x1] =	stream.indirect_vreg.gather [hbm4b:s15+s4], $0x80, v23, vm2, $0xb8;
	[tilespmem:$0x1FC00] =	vst v63  }
0x1c6: {  	v60 =	vperm.xlane v21, v11;
	v23 =	vadd.s32 v1, v59;
	s12 =	simm.s32 $0xAC00  }
0x1c7: {  	[tilespmem:s12], [sflag:$0x1] =	stream.indirect_vreg.gather [hbm4b:s15+s4], $0x80, v57, vm2, $0xb8;
	[tilespmem:$0x1FC00] =	vst v63  }
0x1c8: {  	v62 =	vperm.xlane v21, v12;
	v61 =	vadd.s32 v1, v60;
	s12 =	simm.s32 $0xAC80  }
0x1c9: {  	[tilespmem:s12], [sflag:$0x1] =	stream.indirect_vreg.gather [hbm4b:s15+s4], $0x80, v22, vm2, $0xb8;
	[tilespmem:$0x1FC00] =	vst v63  }
0x1ca: {  	v63 =	vperm.xlane v21, v13;
	v22 =	vadd.s32 v1, v62;
	s12 =	simm.s32 $0xAD00  }
0x1cb: {  	[tilespmem:s12], [sflag:$0x1] =	stream.indirect_vreg.gather [hbm4b:s15+s4], $0x80, v23, vm2, $0xb8;
	[tilespmem:$0x1FC00] =	vst v63  }
0x1cc: {  	v28 =	vperm.xlane v21, v14;
	v23 =	vadd.s32 v1, v63;
	s12 =	simm.s32 $0xAD80  }
0x1cd: {  	[tilespmem:s12], [sflag:$0x1] =	stream.indirect_vreg.gather [hbm4b:s15+s4], $0x80, v61, vm2, $0xb8;
	[tilespmem:$0x1FC00] =	vst v63  }
0x1ce: {  	v21 =	vperm.xlane v21, v15;
	v29 =	vadd.s32 v1, v28;
	s12 =	simm.s32 $0xAE00  }
0x1cf: {  	[tilespmem:s12], [sflag:$0x1] =	stream.indirect_vreg.gather [hbm4b:s15+s4], $0x80, v22, vm2, $0xb8;
	[tilespmem:$0x1FC00] =	vst v63  }
0x1d0: {  	v21 =	vadd.s32 v1, v21;
	s12 =	simm.s32 $0xAE80  }
0x1d1: {  	[tilespmem:s12], [sflag:$0x1] =	stream.indirect_vreg.gather [hbm4b:s15+s4], $0x80, v23, vm2, $0xb8;
	[tilespmem:$0x1FC00] =	vst v63  }
0x1d2: {  	s12 =	simm.s32 $0xAF00  }
0x1d3: {  	[tilespmem:s12], [sflag:$0x1] =	stream.indirect_vreg.gather [hbm4b:s15+s4], $0x80, v29, vm2, $0xb8;
	[tilespmem:$0x1FC00] =	vst v63  }
0x1d4: {  	s12 =	simm.s32 $0xAF80  }
0x1d5: {  	[tilespmem:s12], [sflag:$0x1] =	stream.indirect_vreg.gather [hbm4b:s15+s4], $0x80, v21, vm2, $0xb8;
	[tilespmem:$0x1FC00] =	vst v63  }
0x1d6: {  	v21 =	vld [tilespmem:s10+$0x10];
	_ =	sdelay $0x4  }
0x1d7: {  	v22 =	vshll.u32 v21, $0x1  }
0x1d8: {  	v21 =	vand.u32 $0x7, v21;
	v22 =	vand.u32 $0xFFFFFFF0, v22  }
0x1d9: {  	v21 =	vor.u32 v21, v22  }
0x1da: {  	v22 =	vperm.xlane v21, v16;
	_ =	sdelay $0x1  }
0x1db: {  	v23 =	vperm.xlane v21, v0;
	v22 =	vadd.s32 v1, v22;
	_ =	sdelay $0x1  }
0x1dc: {  	v30 =	vperm.xlane v21, v2;
	v23 =	vadd.s32 v1, v23;
	_ =	sdelay $0x1  }
0x1dd: {  	s12 =	simm.s32 $0xB000;
	v31 =	vperm.xlane v21, v3;
	v24 =	vadd.s32 v1, v30  }
0x1de: {  	[tilespmem:s12], [sflag:$0x1] =	stream.indirect_vreg.gather [hbm4b:s15+s4], $0x80, v22, vm2, $0xb8;
	[tilespmem:$0x1FC00] =	vst v63  }
0x1df: {  	v32 =	vperm.xlane v21, v4;
	v22 =	vadd.s32 v1, v31;
	s12 =	simm.s32 $0xB080  }
0x1e0: {  	[tilespmem:s12], [sflag:$0x1] =	stream.indirect_vreg.gather [hbm4b:s15+s4], $0x80, v23, vm2, $0xb8;
	[tilespmem:$0x1FC00] =	vst v63  }
0x1e1: {  	v33 =	vperm.xlane v21, v5;
	v23 =	vadd.s32 v1, v32;
	s12 =	simm.s32 $0xB100  }
0x1e2: {  	[tilespmem:s12], [sflag:$0x1] =	stream.indirect_vreg.gather [hbm4b:s15+s4], $0x80, v24, vm2, $0xb8;
	[tilespmem:$0x1FC00] =	vst v63  }
0x1e3: {  	v35 =	vperm.xlane v21, v6;
	v34 =	vadd.s32 v1, v33;
	s12 =	simm.s32 $0xB180  }
0x1e4: {  	[tilespmem:s12], [sflag:$0x1] =	stream.indirect_vreg.gather [hbm4b:s15+s4], $0x80, v22, vm2, $0xb8;
	[tilespmem:$0x1FC00] =	vst v63  }
0x1e5: {  	v36 =	vperm.xlane v21, v7;
	v22 =	vadd.s32 v1, v35;
	s12 =	simm.s32 $0xB200  }
0x1e6: {  	[tilespmem:s12], [sflag:$0x1] =	stream.indirect_vreg.gather [hbm4b:s15+s4], $0x80, v23, vm2, $0xb8;
	[tilespmem:$0x1FC00] =	vst v63  }
0x1e7: {  	v37 =	vperm.xlane v21, v8;
	v23 =	vadd.s32 v1, v36;
	s12 =	simm.s32 $0xB280  }
0x1e8: {  	[tilespmem:s12], [sflag:$0x1] =	stream.indirect_vreg.gather [hbm4b:s15+s4], $0x80, v34, vm2, $0xb8;
	[tilespmem:$0x1FC00] =	vst v63  }
0x1e9: {  	v39 =	vperm.xlane v21, v9;
	v38 =	vadd.s32 v1, v37;
	s12 =	simm.s32 $0xB300  }
0x1ea: {  	[tilespmem:s12], [sflag:$0x1] =	stream.indirect_vreg.gather [hbm4b:s15+s4], $0x80, v22, vm2, $0xb8;
	[tilespmem:$0x1FC00] =	vst v63  }
0x1eb: {  	v40 =	vperm.xlane v21, v10;
	v22 =	vadd.s32 v1, v39;
	s12 =	simm.s32 $0xB380  }
0x1ec: {  	[tilespmem:s12], [sflag:$0x1] =	stream.indirect_vreg.gather [hbm4b:s15+s4], $0x80, v23, vm2, $0xb8;
	[tilespmem:$0x1FC00] =	vst v63  }
0x1ed: {  	v41 =	vperm.xlane v21, v11;
	v23 =	vadd.s32 v1, v40;
	s12 =	simm.s32 $0xB400  }
0x1ee: {  	[tilespmem:s12], [sflag:$0x1] =	stream.indirect_vreg.gather [hbm4b:s15+s4], $0x80, v38, vm2, $0xb8;
	[tilespmem:$0x1FC00] =	vst v63  }
0x1ef: {  	v43 =	vperm.xlane v21, v12;
	v42 =	vadd.s32 v1, v41;
	s12 =	simm.s32 $0xB480  }
0x1f0: {  	[tilespmem:s12], [sflag:$0x1] =	stream.indirect_vreg.gather [hbm4b:s15+s4], $0x80, v22, vm2, $0xb8;
	[tilespmem:$0x1FC00] =	vst v63  }
0x1f1: {  	v44 =	vperm.xlane v21, v13;
	v22 =	vadd.s32 v1, v43;
	s12 =	simm.s32 $0xB500  }
0x1f2: {  	[tilespmem:s12], [sflag:$0x1] =	stream.indirect_vreg.gather [hbm4b:s15+s4], $0x80, v23, vm2, $0xb8;
	[tilespmem:$0x1FC00] =	vst v63  }
0x1f3: {  	v45 =	vperm.xlane v21, v14;
	v23 =	vadd.s32 v1, v44;
	s12 =	simm.s32 $0xB580  }
0x1f4: {  	[tilespmem:s12], [sflag:$0x1] =	stream.indirect_vreg.gather [hbm4b:s15+s4], $0x80, v42, vm2, $0xb8;
	[tilespmem:$0x1FC00] =	vst v63  }
0x1f5: {  	v21 =	vperm.xlane v21, v15;
	v46 =	vadd.s32 v1, v45;
	s12 =	simm.s32 $0xB600  }
0x1f6: {  	[tilespmem:s12], [sflag:$0x1] =	stream.indirect_vreg.gather [hbm4b:s15+s4], $0x80, v22, vm2, $0xb8;
	[tilespmem:$0x1FC00] =	vst v63  }
0x1f7: {  	v21 =	vadd.s32 v1, v21;
	s12 =	simm.s32 $0xB680  }
0x1f8: {  	[tilespmem:s12], [sflag:$0x1] =	stream.indirect_vreg.gather [hbm4b:s15+s4], $0x80, v23, vm2, $0xb8;
	[tilespmem:$0x1FC00] =	vst v63  }
0x1f9: {  	s12 =	simm.s32 $0xB700  }
0x1fa: {  	[tilespmem:s12], [sflag:$0x1] =	stream.indirect_vreg.gather [hbm4b:s15+s4], $0x80, v46, vm2, $0xb8;
	[tilespmem:$0x1FC00] =	vst v63  }
0x1fb: {  	s12 =	simm.s32 $0xB780  }
0x1fc: {  	[tilespmem:s12], [sflag:$0x1] =	stream.indirect_vreg.gather [hbm4b:s15+s4], $0x80, v21, vm2, $0xb8;
	[tilespmem:$0x1FC00] =	vst v63  }
0x1fd: {  	v21 =	vld [tilespmem:s10+$0x20];
	_ =	sdelay $0x4  }
0x1fe: {  	v22 =	vshll.u32 v21, $0x1  }
0x1ff: {  	v21 =	vand.u32 $0x7, v21;
	v22 =	vand.u32 $0xFFFFFFF0, v22  }
0x200: {  	v21 =	vor.u32 v21, v22  }
0x201: {  	v22 =	vperm.xlane v21, v16;
	_ =	sdelay $0x1  }
0x202: {  	v23 =	vperm.xlane v21, v0;
	v22 =	vadd.s32 v1, v22;
	_ =	sdelay $0x1  }
0x203: {  	v47 =	vperm.xlane v21, v2;
	v23 =	vadd.s32 v1, v23;
	_ =	sdelay $0x1  }
0x204: {  	s12 =	simm.s32 $0xB800;
	v48 =	vperm.xlane v21, v3;
	v24 =	vadd.s32 v1, v47  }
0x205: {  	[tilespmem:s12], [sflag:$0x1] =	stream.indirect_vreg.gather [hbm4b:s15+s4], $0x80, v22, vm2, $0xb8;
	[tilespmem:$0x1FC00] =	vst v63  }
0x206: {  	v49 =	vperm.xlane v21, v4;
	v22 =	vadd.s32 v1, v48;
	s12 =	simm.s32 $0xB880  }
0x207: {  	[tilespmem:s12], [sflag:$0x1] =	stream.indirect_vreg.gather [hbm4b:s15+s4], $0x80, v23, vm2, $0xb8;
	[tilespmem:$0x1FC00] =	vst v63  }
0x208: {  	v50 =	vperm.xlane v21, v5;
	v23 =	vadd.s32 v1, v49  }
0x209: {  	[tilespmem:s19], [sflag:$0x1] =	stream.indirect_vreg.gather [hbm4b:s15+s4], $0x80, v24, vm2, $0xb8;
	[tilespmem:$0x1FC00] =	vst v63  }
0x20a: {  	v52 =	vperm.xlane v21, v6;
	v51 =	vadd.s32 v1, v50  }
0x20b: {  	[tilespmem:s20], [sflag:$0x1] =	stream.indirect_vreg.gather [hbm4b:s15+s4], $0x80, v22, vm2, $0xb8;
	[tilespmem:$0x1FC00] =	vst v63  }
0x20c: {  	v53 =	vperm.xlane v21, v7;
	v22 =	vadd.s32 v1, v52  }
0x20d: {  	[tilespmem:s21], [sflag:$0x1] =	stream.indirect_vreg.gather [hbm4b:s15+s4], $0x80, v23, vm2, $0xb8;
	[tilespmem:$0x1FC00] =	vst v63  }
0x20e: {  	v54 =	vperm.xlane v21, v8;
	v23 =	vadd.s32 v1, v53  }
0x20f: {  	[tilespmem:s22], [sflag:$0x1] =	stream.indirect_vreg.gather [hbm4b:s15+s4], $0x80, v51, vm2, $0xb8;
	[tilespmem:$0x1FC00] =	vst v63  }
0x210: {  	v56 =	vperm.xlane v21, v9;
	v55 =	vadd.s32 v1, v54  }
0x211: {  	[tilespmem:s23], [sflag:$0x1] =	stream.indirect_vreg.gather [hbm4b:s15+s4], $0x80, v22, vm2, $0xb8;
	[tilespmem:$0x1FC00] =	vst v63  }
0x212: {  	v57 =	vperm.xlane v21, v10;
	v22 =	vadd.s32 v1, v56  }
0x213: {  	[tilespmem:s24], [sflag:$0x1] =	stream.indirect_vreg.gather [hbm4b:s15+s4], $0x80, v23, vm2, $0xb8;
	[tilespmem:$0x1FC00] =	vst v63  }
0x214: {  	v58 =	vperm.xlane v21, v11;
	v23 =	vadd.s32 v1, v57  }
0x215: {  	[tilespmem:s25], [sflag:$0x1] =	stream.indirect_vreg.gather [hbm4b:s15+s4], $0x80, v55, vm2, $0xb8;
	[tilespmem:$0x1FC00] =	vst v63  }
0x216: {  	v60 =	vperm.xlane v21, v12;
	v59 =	vadd.s32 v1, v58  }
0x217: {  	[tilespmem:s26], [sflag:$0x1] =	stream.indirect_vreg.gather [hbm4b:s15+s4], $0x80, v22, vm2, $0xb8;
	[tilespmem:$0x1FC00] =	vst v63  }
0x218: {  	v61 =	vperm.xlane v21, v13;
	v22 =	vadd.s32 v1, v60  }
0x219: {  	[tilespmem:s28], [sflag:$0x1] =	stream.indirect_vreg.gather [hbm4b:s15+s4], $0x80, v23, vm2, $0xb8;
	[tilespmem:$0x1FC00] =	vst v63  }
0x21a: {  	v62 =	vperm.xlane v21, v14;
	v23 =	vadd.s32 v1, v61  }
0x21b: {  	[tilespmem:s29], [sflag:$0x1] =	stream.indirect_vreg.gather [hbm4b:s15+s4], $0x80, v59, vm2, $0xb8;
	[tilespmem:$0x1FC00] =	vst v63  }
0x21c: {  	v21 =	vperm.xlane v21, v15;
	v63 =	vadd.s32 v1, v62  }
0x21d: {  	[tilespmem:s30], [sflag:$0x1] =	stream.indirect_vreg.gather [hbm4b:s15+s4], $0x80, v22, vm2, $0xb8;
	[tilespmem:$0x1FC00] =	vst v63  }
0x21e: {  	v21 =	vadd.s32 v1, v21  }
0x21f: {  	[tilespmem:s31], [sflag:$0x1] =	stream.indirect_vreg.gather [hbm4b:s15+s4], $0x80, v23, vm2, $0xb8;
	[tilespmem:$0x1FC00] =	vst v63  }
0x220: {  	_ = 	snop  }
0x221: {  	[tilespmem:s1], [sflag:$0x1] =	stream.indirect_vreg.gather [hbm4b:s15+s4], $0x80, v63, vm2, $0xb8;
	[tilespmem:$0x1FC00] =	vst v63  }
0x222: {  	_ = 	snop  }
0x223: {  	[tilespmem:s2], [sflag:$0x1] =	stream.indirect_vreg.gather [hbm4b:s15+s4], $0x80, v21, vm2, $0xb8;
	[tilespmem:$0x1FC00] =	vst v63  }
0x224: {  	_ =	swait.ge [sflag:s14], $0x3000  }
0x225: {  	p1 =	seq.s32 s11, $0xD000;
	s6 =	sshra.s32 s11, $0x2;
	[sflag:s14] =	ssyncset.done $0x0  }
.Ltmp4:
0x226: {  	s12 =	sadd.s32 $0x2800, s6;
	[sflag:s14] =	ssyncadd.s32 $0xFFFFD000;
	(pc) =	sbr.rel @p1 .LBB2_4-.Ltmp4, $4  }
0x227: {  	[spmem:s3] =	stream.indirect.scatter.add.f32 [tilespmem:s17], [sflag:$0x2], $0x80, s12, s16, $0xb8;
	[tilespmem:$0x1FC00] =	vst v63  }
0x228: {  	_ =	swait.ge [sflag:s13], $0x3000  }
0x229: {  	[sflag:s13] =	ssyncset.done $0x0  }
0x22a: {  	[sflag:s13] =	ssyncadd.s32 $0xFFFFD000  }
0x22b: {  	v21 =	vld @p0 [tilespmem:s10+$0x30];
	_ =	sdelay $0x4  }
0x22c: {  	v22 =	vshll.u32 @p0 v21, $0x1  }
0x22d: {  	v21 =	vand.u32 @p0 $0x7, v21;
	v22 =	vand.u32 @p0 $0xFFFFFFF0, v22  }
0x22e: {  	v23 =	vlaneseq.u32 @p0;
	v21 =	vor.u32 @p0 v21, v22;
	v22 =	vimm.s32 @p0 $0x0  }
0x22f: {  	v23 =	vmul.u32 @p0 $0x8, v23;
	v22 =	vperm.xlane @p0 v21, v22;
	_ =	sdelay $0x1  }
0x230: {  	v22 =	vadd.s32 @p0 v23, v22;
	_ =	sdelay $0x3  }
0x231: {  	s12 =	simm.s32 @p0 $0x0;
	s18 =	simm.s32 @p0 $0x6000  }
0x232: {  	[tilespmem:s18], [sflag:$0x1] =	stream.indirect_vreg.gather @p0 [hbm4b:s9+s12], $0x80, v22, vm0, $0xb8;
	[tilespmem:$0x1FC00] =	vst v63  }
0x233: {  	v22 =	vld @!p0 [tilespmem:s10+$0x30];
	_ =	sdelay $0x4  }
0x234: {  	v23 =	vshll.u32 @!p0 v22, $0x1  }
0x235: {  	v22 =	vand.u32 @!p0 $0x7, v22;
	v23 =	vand.u32 @!p0 $0xFFFFFFF0, v23  }
0x236: {  	v24 =	vlaneseq.u32 @!p0;
	v22 =	vor.u32 @!p0 v22, v23;
	v23 =	vimm.s32 @!p0 $0x0  }
0x237: {  	v24 =	vmul.u32 @!p0 $0x8, v24;
	v23 =	vperm.xlane @!p0 v22, v23  }
0x238: {  	v21 =	vpsel p0, v21, v22  }
0x239: {  	v22 =	vadd.s32 @!p0 v24, v23;
	v23 =	vperm.xlane v21, v0;
	_ =	sdelay $0x1  }
0x23a: {  	v35 =	vperm.xlane v21, v2;
	v23 =	vadd.s32 v1, v23;
	_ =	sdelay $0x1  }
0x23b: {  	s12 =	simm.s32 @!p0 $0x0;
	s18 =	simm.s32 @!p0 $0x6000;
	v25 =	vperm.xlane v21, v3;
	v24 =	vadd.s32 v1, v35  }
0x23c: {  	[tilespmem:s18], [sflag:$0x1] =	stream.indirect_vreg.gather @!p0 [hbm4b:s0+s12], $0x80, v22, vm1, $0xb8;
	[tilespmem:$0x1FC00] =	vst v63  }
0x23d: {  	v36 =	vperm.xlane v21, v4;
	v22 =	vadd.s32 v1, v25;
	s12 =	simm.s32 $0x6080  }
0x23e: {  	[tilespmem:s12], [sflag:$0x1] =	stream.indirect_vreg.gather [hbm4b:s15+s4], $0x80, v23, vm2, $0xb8;
	[tilespmem:$0x1FC00] =	vst v63  }
0x23f: {  	v37 =	vperm.xlane v21, v5;
	v23 =	vadd.s32 v1, v36;
	s12 =	simm.s32 $0x6100  }
0x240: {  	[tilespmem:s12], [sflag:$0x1] =	stream.indirect_vreg.gather [hbm4b:s15+s4], $0x80, v24, vm2, $0xb8;
	[tilespmem:$0x1FC00] =	vst v63  }
0x241: {  	v39 =	vperm.xlane v21, v6;
	v38 =	vadd.s32 v1, v37;
	s12 =	simm.s32 $0x6180  }
0x242: {  	[tilespmem:s12], [sflag:$0x1] =	stream.indirect_vreg.gather [hbm4b:s15+s4], $0x80, v22, vm2, $0xb8;
	[tilespmem:$0x1FC00] =	vst v63  }
0x243: {  	v40 =	vperm.xlane v21, v7;
	v22 =	vadd.s32 v1, v39;
	s12 =	simm.s32 $0x6200  }
0x244: {  	[tilespmem:s12], [sflag:$0x1] =	stream.indirect_vreg.gather [hbm4b:s15+s4], $0x80, v23, vm2, $0xb8;
	[tilespmem:$0x1FC00] =	vst v63  }
0x245: {  	v41 =	vperm.xlane v21, v8;
	v23 =	vadd.s32 v1, v40;
	s12 =	simm.s32 $0x6280  }
0x246: {  	[tilespmem:s12], [sflag:$0x1] =	stream.indirect_vreg.gather [hbm4b:s15+s4], $0x80, v38, vm2, $0xb8;
	[tilespmem:$0x1FC00] =	vst v63  }
0x247: {  	v43 =	vperm.xlane v21, v9;
	v42 =	vadd.s32 v1, v41;
	s12 =	simm.s32 $0x6300  }
0x248: {  	[tilespmem:s12], [sflag:$0x1] =	stream.indirect_vreg.gather [hbm4b:s15+s4], $0x80, v22, vm2, $0xb8;
	[tilespmem:$0x1FC00] =	vst v63  }
0x249: {  	v44 =	vperm.xlane v21, v10;
	v22 =	vadd.s32 v1, v43;
	s12 =	simm.s32 $0x6380  }
0x24a: {  	[tilespmem:s12], [sflag:$0x1] =	stream.indirect_vreg.gather [hbm4b:s15+s4], $0x80, v23, vm2, $0xb8;
	[tilespmem:$0x1FC00] =	vst v63  }
0x24b: {  	v45 =	vperm.xlane v21, v11;
	v23 =	vadd.s32 v1, v44;
	s12 =	simm.s32 $0x6400  }
0x24c: {  	[tilespmem:s12], [sflag:$0x1] =	stream.indirect_vreg.gather [hbm4b:s15+s4], $0x80, v42, vm2, $0xb8;
	[tilespmem:$0x1FC00] =	vst v63  }
0x24d: {  	v47 =	vperm.xlane v21, v12;
	v46 =	vadd.s32 v1, v45;
	s12 =	simm.s32 $0x6480  }
0x24e: {  	[tilespmem:s12], [sflag:$0x1] =	stream.indirect_vreg.gather [hbm4b:s15+s4], $0x80, v22, vm2, $0xb8;
	[tilespmem:$0x1FC00] =	vst v63  }
0x24f: {  	v48 =	vperm.xlane v21, v13;
	v22 =	vadd.s32 v1, v47;
	s12 =	simm.s32 $0x6500  }
0x250: {  	[tilespmem:s12], [sflag:$0x1] =	stream.indirect_vreg.gather [hbm4b:s15+s4], $0x80, v23, vm2, $0xb8;
	[tilespmem:$0x1FC00] =	vst v63  }
0x251: {  	v49 =	vperm.xlane v21, v14;
	v23 =	vadd.s32 v1, v48;
	s12 =	simm.s32 $0x6580  }
0x252: {  	[tilespmem:s12], [sflag:$0x1] =	stream.indirect_vreg.gather [hbm4b:s15+s4], $0x80, v46, vm2, $0xb8;
	[tilespmem:$0x1FC00] =	vst v63  }
0x253: {  	v21 =	vperm.xlane v21, v15;
	v50 =	vadd.s32 v1, v49;
	s12 =	simm.s32 $0x6600  }
0x254: {  	[tilespmem:s12], [sflag:$0x1] =	stream.indirect_vreg.gather [hbm4b:s15+s4], $0x80, v22, vm2, $0xb8;
	[tilespmem:$0x1FC00] =	vst v63  }
0x255: {  	v21 =	vadd.s32 v1, v21;
	s12 =	simm.s32 $0x6680  }
0x256: {  	[tilespmem:s12], [sflag:$0x1] =	stream.indirect_vreg.gather [hbm4b:s15+s4], $0x80, v23, vm2, $0xb8;
	[tilespmem:$0x1FC00] =	vst v63  }
0x257: {  	s12 =	simm.s32 $0x6700  }
0x258: {  	[tilespmem:s12], [sflag:$0x1] =	stream.indirect_vreg.gather [hbm4b:s15+s4], $0x80, v50, vm2, $0xb8;
	[tilespmem:$0x1FC00] =	vst v63  }
0x259: {  	s12 =	simm.s32 $0x6780  }
0x25a: {  	[tilespmem:s12], [sflag:$0x1] =	stream.indirect_vreg.gather [hbm4b:s15+s4], $0x80, v21, vm2, $0xb8;
	[tilespmem:$0x1FC00] =	vst v63  }
0x25b: {  	v21 =	vld [tilespmem:s10+$0x40];
	_ =	sdelay $0x4  }
0x25c: {  	v22 =	vshll.u32 v21, $0x1  }
0x25d: {  	v21 =	vand.u32 $0x7, v21;
	v22 =	vand.u32 $0xFFFFFFF0, v22  }
0x25e: {  	v21 =	vor.u32 v21, v22  }
0x25f: {  	v22 =	vperm.xlane v21, v16;
	_ =	sdelay $0x1  }
0x260: {  	v23 =	vperm.xlane v21, v0;
	v22 =	vadd.s32 v1, v22;
	_ =	sdelay $0x1  }
0x261: {  	v51 =	vperm.xlane v21, v2;
	v23 =	vadd.s32 v1, v23;
	_ =	sdelay $0x1  }
0x262: {  	s12 =	simm.s32 $0x6800;
	v52 =	vperm.xlane v21, v3;
	v24 =	vadd.s32 v1, v51  }
0x263: {  	[tilespmem:s12], [sflag:$0x1] =	stream.indirect_vreg.gather [hbm4b:s15+s4], $0x80, v22, vm2, $0xb8;
	[tilespmem:$0x1FC00] =	vst v63  }
0x264: {  	v53 =	vperm.xlane v21, v4;
	v22 =	vadd.s32 v1, v52;
	s12 =	simm.s32 $0x6880  }
0x265: {  	[tilespmem:s12], [sflag:$0x1] =	stream.indirect_vreg.gather [hbm4b:s15+s4], $0x80, v23, vm2, $0xb8;
	[tilespmem:$0x1FC00] =	vst v63  }
0x266: {  	v54 =	vperm.xlane v21, v5;
	v23 =	vadd.s32 v1, v53;
	s12 =	simm.s32 $0x6900  }
0x267: {  	[tilespmem:s12], [sflag:$0x1] =	stream.indirect_vreg.gather [hbm4b:s15+s4], $0x80, v24, vm2, $0xb8;
	[tilespmem:$0x1FC00] =	vst v63  }
0x268: {  	v56 =	vperm.xlane v21, v6;
	v55 =	vadd.s32 v1, v54;
	s12 =	simm.s32 $0x6980  }
0x269: {  	[tilespmem:s12], [sflag:$0x1] =	stream.indirect_vreg.gather [hbm4b:s15+s4], $0x80, v22, vm2, $0xb8;
	[tilespmem:$0x1FC00] =	vst v63  }
0x26a: {  	v57 =	vperm.xlane v21, v7;
	v22 =	vadd.s32 v1, v56;
	s12 =	simm.s32 $0x6A00  }
0x26b: {  	[tilespmem:s12], [sflag:$0x1] =	stream.indirect_vreg.gather [hbm4b:s15+s4], $0x80, v23, vm2, $0xb8;
	[tilespmem:$0x1FC00] =	vst v63  }
0x26c: {  	v58 =	vperm.xlane v21, v8;
	v23 =	vadd.s32 v1, v57;
	s12 =	simm.s32 $0x6A80  }
0x26d: {  	[tilespmem:s12], [sflag:$0x1] =	stream.indirect_vreg.gather [hbm4b:s15+s4], $0x80, v55, vm2, $0xb8;
	[tilespmem:$0x1FC00] =	vst v63  }
0x26e: {  	v60 =	vperm.xlane v21, v9;
	v59 =	vadd.s32 v1, v58;
	s12 =	simm.s32 $0x6B00  }
0x26f: {  	[tilespmem:s12], [sflag:$0x1] =	stream.indirect_vreg.gather [hbm4b:s15+s4], $0x80, v22, vm2, $0xb8;
	[tilespmem:$0x1FC00] =	vst v63  }
0x270: {  	v61 =	vperm.xlane v21, v10;
	v22 =	vadd.s32 v1, v60;
	s12 =	simm.s32 $0x6B80  }
0x271: {  	[tilespmem:s12], [sflag:$0x1] =	stream.indirect_vreg.gather [hbm4b:s15+s4], $0x80, v23, vm2, $0xb8;
	[tilespmem:$0x1FC00] =	vst v63  }
0x272: {  	v62 =	vperm.xlane v21, v11;
	v23 =	vadd.s32 v1, v61;
	s12 =	simm.s32 $0x6C00  }
0x273: {  	[tilespmem:s12], [sflag:$0x1] =	stream.indirect_vreg.gather [hbm4b:s15+s4], $0x80, v59, vm2, $0xb8;
	[tilespmem:$0x1FC00] =	vst v63  }
0x274: {  	v28 =	vperm.xlane v21, v12;
	v63 =	vadd.s32 v1, v62;
	s12 =	simm.s32 $0x6C80  }
0x275: {  	[tilespmem:s12], [sflag:$0x1] =	stream.indirect_vreg.gather [hbm4b:s15+s4], $0x80, v22, vm2, $0xb8;
	[tilespmem:$0x1FC00] =	vst v63  }
0x276: {  	v29 =	vperm.xlane v21, v13;
	v22 =	vadd.s32 v1, v28;
	s12 =	simm.s32 $0x6D00  }
0x277: {  	[tilespmem:s12], [sflag:$0x1] =	stream.indirect_vreg.gather [hbm4b:s15+s4], $0x80, v23, vm2, $0xb8;
	[tilespmem:$0x1FC00] =	vst v63  }
0x278: {  	v30 =	vperm.xlane v21, v14;
	v23 =	vadd.s32 v1, v29;
	s12 =	simm.s32 $0x6D80  }
0x279: {  	[tilespmem:s12], [sflag:$0x1] =	stream.indirect_vreg.gather [hbm4b:s15+s4], $0x80, v63, vm2, $0xb8;
	[tilespmem:$0x1FC00] =	vst v63  }
0x27a: {  	v21 =	vperm.xlane v21, v15;
	v31 =	vadd.s32 v1, v30;
	s12 =	simm.s32 $0x6E00  }
0x27b: {  	[tilespmem:s12], [sflag:$0x1] =	stream.indirect_vreg.gather [hbm4b:s15+s4], $0x80, v22, vm2, $0xb8;
	[tilespmem:$0x1FC00] =	vst v63  }
0x27c: {  	v21 =	vadd.s32 v1, v21;
	s12 =	simm.s32 $0x6E80  }
0x27d: {  	[tilespmem:s12], [sflag:$0x1] =	stream.indirect_vreg.gather [hbm4b:s15+s4], $0x80, v23, vm2, $0xb8;
	[tilespmem:$0x1FC00] =	vst v63  }
0x27e: {  	s12 =	simm.s32 $0x6F00  }
0x27f: {  	[tilespmem:s12], [sflag:$0x1] =	stream.indirect_vreg.gather [hbm4b:s15+s4], $0x80, v31, vm2, $0xb8;
	[tilespmem:$0x1FC00] =	vst v63  }
0x280: {  	s12 =	simm.s32 $0x6F80  }
0x281: {  	[tilespmem:s12], [sflag:$0x1] =	stream.indirect_vreg.gather [hbm4b:s15+s4], $0x80, v21, vm2, $0xb8;
	[tilespmem:$0x1FC00] =	vst v63  }
0x282: {  	v21 =	vld [tilespmem:s10+$0x50];
	_ =	sdelay $0x4  }
0x283: {  	v22 =	vshll.u32 v21, $0x1  }
0x284: {  	v21 =	vand.u32 $0x7, v21;
	v22 =	vand.u32 $0xFFFFFFF0, v22  }
0x285: {  	v21 =	vor.u32 v21, v22  }
0x286: {  	v22 =	vperm.xlane v21, v16;
	_ =	sdelay $0x1  }
0x287: {  	v23 =	vperm.xlane v21, v0;
	v22 =	vadd.s32 v1, v22;
	_ =	sdelay $0x1  }
0x288: {  	v32 =	vperm.xlane v21, v2;
	v23 =	vadd.s32 v1, v23;
	_ =	sdelay $0x1  }
0x289: {  	s12 =	simm.s32 $0x7000;
	v33 =	vperm.xlane v21, v3;
	v24 =	vadd.s32 v1, v32  }
0x28a: {  	[tilespmem:s12], [sflag:$0x1] =	stream.indirect_vreg.gather [hbm4b:s15+s4], $0x80, v22, vm2, $0xb8;
	[tilespmem:$0x1FC00] =	vst v63  }
0x28b: {  	v34 =	vperm.xlane v21, v4;
	v22 =	vadd.s32 v1, v33;
	s12 =	simm.s32 $0x7080  }
0x28c: {  	[tilespmem:s12], [sflag:$0x1] =	stream.indirect_vreg.gather [hbm4b:s15+s4], $0x80, v23, vm2, $0xb8;
	[tilespmem:$0x1FC00] =	vst v63  }
0x28d: {  	v35 =	vperm.xlane v21, v5;
	v23 =	vadd.s32 v1, v34;
	s12 =	simm.s32 $0x7100  }
0x28e: {  	[tilespmem:s12], [sflag:$0x1] =	stream.indirect_vreg.gather [hbm4b:s15+s4], $0x80, v24, vm2, $0xb8;
	[tilespmem:$0x1FC00] =	vst v63  }
0x28f: {  	v37 =	vperm.xlane v21, v6;
	v36 =	vadd.s32 v1, v35;
	s12 =	simm.s32 $0x7180  }
0x290: {  	[tilespmem:s12], [sflag:$0x1] =	stream.indirect_vreg.gather [hbm4b:s15+s4], $0x80, v22, vm2, $0xb8;
	[tilespmem:$0x1FC00] =	vst v63  }
0x291: {  	v38 =	vperm.xlane v21, v7;
	v22 =	vadd.s32 v1, v37;
	s12 =	simm.s32 $0x7200  }
0x292: {  	[tilespmem:s12], [sflag:$0x1] =	stream.indirect_vreg.gather [hbm4b:s15+s4], $0x80, v23, vm2, $0xb8;
	[tilespmem:$0x1FC00] =	vst v63  }
0x293: {  	v39 =	vperm.xlane v21, v8;
	v23 =	vadd.s32 v1, v38;
	s12 =	simm.s32 $0x7280  }
0x294: {  	[tilespmem:s12], [sflag:$0x1] =	stream.indirect_vreg.gather [hbm4b:s15+s4], $0x80, v36, vm2, $0xb8;
	[tilespmem:$0x1FC00] =	vst v63  }
0x295: {  	v41 =	vperm.xlane v21, v9;
	v40 =	vadd.s32 v1, v39;
	s12 =	simm.s32 $0x7300  }
0x296: {  	[tilespmem:s12], [sflag:$0x1] =	stream.indirect_vreg.gather [hbm4b:s15+s4], $0x80, v22, vm2, $0xb8;
	[tilespmem:$0x1FC00] =	vst v63  }
0x297: {  	v42 =	vperm.xlane v21, v10;
	v22 =	vadd.s32 v1, v41;
	s12 =	simm.s32 $0x7380  }
0x298: {  	[tilespmem:s12], [sflag:$0x1] =	stream.indirect_vreg.gather [hbm4b:s15+s4], $0x80, v23, vm2, $0xb8;
	[tilespmem:$0x1FC00] =	vst v63  }
0x299: {  	v43 =	vperm.xlane v21, v11;
	v23 =	vadd.s32 v1, v42;
	s12 =	simm.s32 $0x7400  }
0x29a: {  	[tilespmem:s12], [sflag:$0x1] =	stream.indirect_vreg.gather [hbm4b:s15+s4], $0x80, v40, vm2, $0xb8;
	[tilespmem:$0x1FC00] =	vst v63  }
0x29b: {  	v45 =	vperm.xlane v21, v12;
	v44 =	vadd.s32 v1, v43;
	s12 =	simm.s32 $0x7480  }
0x29c: {  	[tilespmem:s12], [sflag:$0x1] =	stream.indirect_vreg.gather [hbm4b:s15+s4], $0x80, v22, vm2, $0xb8;
	[tilespmem:$0x1FC00] =	vst v63  }
0x29d: {  	v46 =	vperm.xlane v21, v13;
	v22 =	vadd.s32 v1, v45;
	s12 =	simm.s32 $0x7500  }
0x29e: {  	[tilespmem:s12], [sflag:$0x1] =	stream.indirect_vreg.gather [hbm4b:s15+s4], $0x80, v23, vm2, $0xb8;
	[tilespmem:$0x1FC00] =	vst v63  }
0x29f: {  	v47 =	vperm.xlane v21, v14;
	v23 =	vadd.s32 v1, v46;
	s12 =	simm.s32 $0x7580  }
0x2a0: {  	[tilespmem:s12], [sflag:$0x1] =	stream.indirect_vreg.gather [hbm4b:s15+s4], $0x80, v44, vm2, $0xb8;
	[tilespmem:$0x1FC00] =	vst v63  }
0x2a1: {  	v21 =	vperm.xlane v21, v15;
	v48 =	vadd.s32 v1, v47;
	s12 =	simm.s32 $0x7600  }
0x2a2: {  	[tilespmem:s12], [sflag:$0x1] =	stream.indirect_vreg.gather [hbm4b:s15+s4], $0x80, v22, vm2, $0xb8;
	[tilespmem:$0x1FC00] =	vst v63  }
0x2a3: {  	v21 =	vadd.s32 v1, v21;
	s12 =	simm.s32 $0x7680  }
0x2a4: {  	[tilespmem:s12], [sflag:$0x1] =	stream.indirect_vreg.gather [hbm4b:s15+s4], $0x80, v23, vm2, $0xb8;
	[tilespmem:$0x1FC00] =	vst v63  }
0x2a5: {  	s12 =	simm.s32 $0x7700  }
0x2a6: {  	[tilespmem:s12], [sflag:$0x1] =	stream.indirect_vreg.gather [hbm4b:s15+s4], $0x80, v48, vm2, $0xb8;
	[tilespmem:$0x1FC00] =	vst v63  }
0x2a7: {  	s12 =	simm.s32 $0x7780  }
0x2a8: {  	[tilespmem:s12], [sflag:$0x1] =	stream.indirect_vreg.gather [hbm4b:s15+s4], $0x80, v21, vm2, $0xb8;
	[tilespmem:$0x1FC00] =	vst v63  }
0x2a9: {  	v21 =	vld [tilespmem:s10+$0x60];
	_ =	sdelay $0x4  }
0x2aa: {  	v22 =	vshll.u32 v21, $0x1  }
0x2ab: {  	v21 =	vand.u32 $0x7, v21;
	v22 =	vand.u32 $0xFFFFFFF0, v22  }
0x2ac: {  	v21 =	vor.u32 v21, v22  }
0x2ad: {  	v22 =	vperm.xlane v21, v16;
	_ =	sdelay $0x1  }
0x2ae: {  	v23 =	vperm.xlane v21, v0;
	v22 =	vadd.s32 v1, v22;
	_ =	sdelay $0x1  }
0x2af: {  	v49 =	vperm.xlane v21, v2;
	v23 =	vadd.s32 v1, v23;
	_ =	sdelay $0x1  }
0x2b0: {  	s12 =	simm.s32 $0x7800;
	v50 =	vperm.xlane v21, v3;
	v24 =	vadd.s32 v1, v49  }
0x2b1: {  	[tilespmem:s12], [sflag:$0x1] =	stream.indirect_vreg.gather [hbm4b:s15+s4], $0x80, v22, vm2, $0xb8;
	[tilespmem:$0x1FC00] =	vst v63  }
0x2b2: {  	v51 =	vperm.xlane v21, v4;
	v22 =	vadd.s32 v1, v50;
	s12 =	simm.s32 $0x7880  }
0x2b3: {  	[tilespmem:s12], [sflag:$0x1] =	stream.indirect_vreg.gather [hbm4b:s15+s4], $0x80, v23, vm2, $0xb8;
	[tilespmem:$0x1FC00] =	vst v63  }
0x2b4: {  	v52 =	vperm.xlane v21, v5;
	v23 =	vadd.s32 v1, v51;
	s12 =	simm.s32 $0x7900  }
0x2b5: {  	[tilespmem:s12], [sflag:$0x1] =	stream.indirect_vreg.gather [hbm4b:s15+s4], $0x80, v24, vm2, $0xb8;
	[tilespmem:$0x1FC00] =	vst v63  }
0x2b6: {  	v54 =	vperm.xlane v21, v6;
	v53 =	vadd.s32 v1, v52;
	s12 =	simm.s32 $0x7980  }
0x2b7: {  	[tilespmem:s12], [sflag:$0x1] =	stream.indirect_vreg.gather [hbm4b:s15+s4], $0x80, v22, vm2, $0xb8;
	[tilespmem:$0x1FC00] =	vst v63  }
0x2b8: {  	v55 =	vperm.xlane v21, v7;
	v22 =	vadd.s32 v1, v54;
	s12 =	simm.s32 $0x7A00  }
0x2b9: {  	[tilespmem:s12], [sflag:$0x1] =	stream.indirect_vreg.gather [hbm4b:s15+s4], $0x80, v23, vm2, $0xb8;
	[tilespmem:$0x1FC00] =	vst v63  }
0x2ba: {  	v56 =	vperm.xlane v21, v8;
	v23 =	vadd.s32 v1, v55;
	s12 =	simm.s32 $0x7A80  }
0x2bb: {  	[tilespmem:s12], [sflag:$0x1] =	stream.indirect_vreg.gather [hbm4b:s15+s4], $0x80, v53, vm2, $0xb8;
	[tilespmem:$0x1FC00] =	vst v63  }
0x2bc: {  	v58 =	vperm.xlane v21, v9;
	v57 =	vadd.s32 v1, v56;
	s12 =	simm.s32 $0x7B00  }
0x2bd: {  	[tilespmem:s12], [sflag:$0x1] =	stream.indirect_vreg.gather [hbm4b:s15+s4], $0x80, v22, vm2, $0xb8;
	[tilespmem:$0x1FC00] =	vst v63  }
0x2be: {  	v59 =	vperm.xlane v21, v10;
	v22 =	vadd.s32 v1, v58;
	s12 =	simm.s32 $0x7B80  }
0x2bf: {  	[tilespmem:s12], [sflag:$0x1] =	stream.indirect_vreg.gather [hbm4b:s15+s4], $0x80, v23, vm2, $0xb8;
	[tilespmem:$0x1FC00] =	vst v63  }
0x2c0: {  	v60 =	vperm.xlane v21, v11;
	v23 =	vadd.s32 v1, v59;
	s12 =	simm.s32 $0x7C00  }
0x2c1: {  	[tilespmem:s12], [sflag:$0x1] =	stream.indirect_vreg.gather [hbm4b:s15+s4], $0x80, v57, vm2, $0xb8;
	[tilespmem:$0x1FC00] =	vst v63  }
0x2c2: {  	v62 =	vperm.xlane v21, v12;
	v61 =	vadd.s32 v1, v60;
	s12 =	simm.s32 $0x7C80  }
0x2c3: {  	[tilespmem:s12], [sflag:$0x1] =	stream.indirect_vreg.gather [hbm4b:s15+s4], $0x80, v22, vm2, $0xb8;
	[tilespmem:$0x1FC00] =	vst v63  }
0x2c4: {  	v63 =	vperm.xlane v21, v13;
	v22 =	vadd.s32 v1, v62;
	s12 =	simm.s32 $0x7D00  }
0x2c5: {  	[tilespmem:s12], [sflag:$0x1] =	stream.indirect_vreg.gather [hbm4b:s15+s4], $0x80, v23, vm2, $0xb8;
	[tilespmem:$0x1FC00] =	vst v63  }
0x2c6: {  	v28 =	vperm.xlane v21, v14;
	v23 =	vadd.s32 v1, v63;
	s12 =	simm.s32 $0x7D80  }
0x2c7: {  	[tilespmem:s12], [sflag:$0x1] =	stream.indirect_vreg.gather [hbm4b:s15+s4], $0x80, v61, vm2, $0xb8;
	[tilespmem:$0x1FC00] =	vst v63  }
0x2c8: {  	v21 =	vperm.xlane v21, v15;
	v29 =	vadd.s32 v1, v28;
	s12 =	simm.s32 $0x7E00  }
0x2c9: {  	[tilespmem:s12], [sflag:$0x1] =	stream.indirect_vreg.gather [hbm4b:s15+s4], $0x80, v22, vm2, $0xb8;
	[tilespmem:$0x1FC00] =	vst v63  }
0x2ca: {  	v21 =	vadd.s32 v1, v21;
	s12 =	simm.s32 $0x7E80  }
0x2cb: {  	[tilespmem:s12], [sflag:$0x1] =	stream.indirect_vreg.gather [hbm4b:s15+s4], $0x80, v23, vm2, $0xb8;
	[tilespmem:$0x1FC00] =	vst v63  }
0x2cc: {  	s12 =	simm.s32 $0x7F00  }
0x2cd: {  	[tilespmem:s12], [sflag:$0x1] =	stream.indirect_vreg.gather [hbm4b:s15+s4], $0x80, v29, vm2, $0xb8;
	[tilespmem:$0x1FC00] =	vst v63  }
0x2ce: {  	s12 =	simm.s32 $0x7F80  }
0x2cf: {  	[tilespmem:s12], [sflag:$0x1] =	stream.indirect_vreg.gather [hbm4b:s15+s4], $0x80, v21, vm2, $0xb8;
	[tilespmem:$0x1FC00] =	vst v63  }
0x2d0: {  	v21 =	vld [tilespmem:s10+$0x70];
	_ =	sdelay $0x4  }
0x2d1: {  	v22 =	vshll.u32 v21, $0x1  }
0x2d2: {  	v21 =	vand.u32 $0x7, v21;
	v22 =	vand.u32 $0xFFFFFFF0, v22  }
0x2d3: {  	v21 =	vor.u32 v21, v22  }
0x2d4: {  	v22 =	vperm.xlane v21, v16;
	_ =	sdelay $0x1  }
0x2d5: {  	v23 =	vperm.xlane v21, v0;
	v22 =	vadd.s32 v1, v22;
	_ =	sdelay $0x1  }
0x2d6: {  	v30 =	vperm.xlane v21, v2;
	v23 =	vadd.s32 v1, v23;
	_ =	sdelay $0x1  }
0x2d7: {  	s12 =	simm.s32 $0x8000;
	v31 =	vperm.xlane v21, v3;
	v24 =	vadd.s32 v1, v30  }
0x2d8: {  	[tilespmem:s12], [sflag:$0x1] =	stream.indirect_vreg.gather [hbm4b:s15+s4], $0x80, v22, vm2, $0xb8;
	[tilespmem:$0x1FC00] =	vst v63  }
0x2d9: {  	v32 =	vperm.xlane v21, v4;
	v22 =	vadd.s32 v1, v31;
	s12 =	simm.s32 $0x8080  }
0x2da: {  	[tilespmem:s12], [sflag:$0x1] =	stream.indirect_vreg.gather [hbm4b:s15+s4], $0x80, v23, vm2, $0xb8;
	[tilespmem:$0x1FC00] =	vst v63  }
0x2db: {  	v33 =	vperm.xlane v21, v5;
	v23 =	vadd.s32 v1, v32;
	s12 =	simm.s32 $0x8100  }
0x2dc: {  	[tilespmem:s12], [sflag:$0x1] =	stream.indirect_vreg.gather [hbm4b:s15+s4], $0x80, v24, vm2, $0xb8;
	[tilespmem:$0x1FC00] =	vst v63  }
0x2dd: {  	v35 =	vperm.xlane v21, v6;
	v34 =	vadd.s32 v1, v33;
	s12 =	simm.s32 $0x8180  }
0x2de: {  	[tilespmem:s12], [sflag:$0x1] =	stream.indirect_vreg.gather [hbm4b:s15+s4], $0x80, v22, vm2, $0xb8;
	[tilespmem:$0x1FC00] =	vst v63  }
0x2df: {  	v36 =	vperm.xlane v21, v7;
	v22 =	vadd.s32 v1, v35;
	s12 =	simm.s32 $0x8200  }
0x2e0: {  	[tilespmem:s12], [sflag:$0x1] =	stream.indirect_vreg.gather [hbm4b:s15+s4], $0x80, v23, vm2, $0xb8;
	[tilespmem:$0x1FC00] =	vst v63  }
0x2e1: {  	v37 =	vperm.xlane v21, v8;
	v23 =	vadd.s32 v1, v36;
	s12 =	simm.s32 $0x8280  }
0x2e2: {  	[tilespmem:s12], [sflag:$0x1] =	stream.indirect_vreg.gather [hbm4b:s15+s4], $0x80, v34, vm2, $0xb8;
	[tilespmem:$0x1FC00] =	vst v63  }
0x2e3: {  	v39 =	vperm.xlane v21, v9;
	v38 =	vadd.s32 v1, v37;
	s12 =	simm.s32 $0x8300  }
0x2e4: {  	[tilespmem:s12], [sflag:$0x1] =	stream.indirect_vreg.gather [hbm4b:s15+s4], $0x80, v22, vm2, $0xb8;
	[tilespmem:$0x1FC00] =	vst v63  }
0x2e5: {  	v40 =	vperm.xlane v21, v10;
	v22 =	vadd.s32 v1, v39;
	s12 =	simm.s32 $0x8380  }
0x2e6: {  	[tilespmem:s12], [sflag:$0x1] =	stream.indirect_vreg.gather [hbm4b:s15+s4], $0x80, v23, vm2, $0xb8;
	[tilespmem:$0x1FC00] =	vst v63  }
0x2e7: {  	v41 =	vperm.xlane v21, v11;
	v23 =	vadd.s32 v1, v40;
	s12 =	simm.s32 $0x8400  }
0x2e8: {  	[tilespmem:s12], [sflag:$0x1] =	stream.indirect_vreg.gather [hbm4b:s15+s4], $0x80, v38, vm2, $0xb8;
	[tilespmem:$0x1FC00] =	vst v63  }
0x2e9: {  	v43 =	vperm.xlane v21, v12;
	v42 =	vadd.s32 v1, v41;
	s12 =	simm.s32 $0x8480  }
0x2ea: {  	[tilespmem:s12], [sflag:$0x1] =	stream.indirect_vreg.gather [hbm4b:s15+s4], $0x80, v22, vm2, $0xb8;
	[tilespmem:$0x1FC00] =	vst v63  }
0x2eb: {  	v44 =	vperm.xlane v21, v13;
	v22 =	vadd.s32 v1, v43;
	s12 =	simm.s32 $0x8500  }
0x2ec: {  	[tilespmem:s12], [sflag:$0x1] =	stream.indirect_vreg.gather [hbm4b:s15+s4], $0x80, v23, vm2, $0xb8;
	[tilespmem:$0x1FC00] =	vst v63  }
0x2ed: {  	v45 =	vperm.xlane v21, v14;
	v23 =	vadd.s32 v1, v44;
	s12 =	simm.s32 $0x8580  }
0x2ee: {  	[tilespmem:s12], [sflag:$0x1] =	stream.indirect_vreg.gather [hbm4b:s15+s4], $0x80, v42, vm2, $0xb8;
	[tilespmem:$0x1FC00] =	vst v63  }
0x2ef: {  	v21 =	vperm.xlane v21, v15;
	v46 =	vadd.s32 v1, v45;
	s12 =	simm.s32 $0x8600  }
0x2f0: {  	[tilespmem:s12], [sflag:$0x1] =	stream.indirect_vreg.gather [hbm4b:s15+s4], $0x80, v22, vm2, $0xb8;
	[tilespmem:$0x1FC00] =	vst v63  }
0x2f1: {  	v21 =	vadd.s32 v1, v21;
	s12 =	simm.s32 $0x8680  }
0x2f2: {  	[tilespmem:s12], [sflag:$0x1] =	stream.indirect_vreg.gather [hbm4b:s15+s4], $0x80, v23, vm2, $0xb8;
	[tilespmem:$0x1FC00] =	vst v63  }
0x2f3: {  	s12 =	simm.s32 $0x8700  }
0x2f4: {  	[tilespmem:s12], [sflag:$0x1] =	stream.indirect_vreg.gather [hbm4b:s15+s4], $0x80, v46, vm2, $0xb8;
	[tilespmem:$0x1FC00] =	vst v63  }
0x2f5: {  	s12 =	simm.s32 $0x8780  }
0x2f6: {  	[tilespmem:s12], [sflag:$0x1] =	stream.indirect_vreg.gather [hbm4b:s15+s4], $0x80, v21, vm2, $0xb8;
	[tilespmem:$0x1FC00] =	vst v63  }
0x2f7: {  	v21 =	vld [tilespmem:s10+$0x80];
	_ =	sdelay $0x4  }
0x2f8: {  	v22 =	vshll.u32 v21, $0x1  }
0x2f9: {  	v21 =	vand.u32 $0x7, v21;
	v22 =	vand.u32 $0xFFFFFFF0, v22  }
0x2fa: {  	v21 =	vor.u32 v21, v22  }
0x2fb: {  	v22 =	vperm.xlane v21, v16;
	_ =	sdelay $0x1  }
0x2fc: {  	v23 =	vperm.xlane v21, v0;
	v22 =	vadd.s32 v1, v22;
	_ =	sdelay $0x1  }
0x2fd: {  	v47 =	vperm.xlane v21, v2;
	v23 =	vadd.s32 v1, v23;
	_ =	sdelay $0x1  }
0x2fe: {  	s12 =	simm.s32 $0x8800;
	v48 =	vperm.xlane v21, v3;
	v24 =	vadd.s32 v1, v47  }
0x2ff: {  	[tilespmem:s12], [sflag:$0x1] =	stream.indirect_vreg.gather [hbm4b:s15+s4], $0x80, v22, vm2, $0xb8;
	[tilespmem:$0x1FC00] =	vst v63  }
0x300: {  	v49 =	vperm.xlane v21, v4;
	v22 =	vadd.s32 v1, v48;
	s12 =	simm.s32 $0x8880  }
0x301: {  	[tilespmem:s12], [sflag:$0x1] =	stream.indirect_vreg.gather [hbm4b:s15+s4], $0x80, v23, vm2, $0xb8;
	[tilespmem:$0x1FC00] =	vst v63  }
0x302: {  	v50 =	vperm.xlane v21, v5;
	v23 =	vadd.s32 v1, v49;
	s12 =	simm.s32 $0x8900  }
0x303: {  	[tilespmem:s12], [sflag:$0x1] =	stream.indirect_vreg.gather [hbm4b:s15+s4], $0x80, v24, vm2, $0xb8;
	[tilespmem:$0x1FC00] =	vst v63  }
0x304: {  	v52 =	vperm.xlane v21, v6;
	v51 =	vadd.s32 v1, v50;
	s12 =	simm.s32 $0x8980  }
0x305: {  	[tilespmem:s12], [sflag:$0x1] =	stream.indirect_vreg.gather [hbm4b:s15+s4], $0x80, v22, vm2, $0xb8;
	[tilespmem:$0x1FC00] =	vst v63  }
0x306: {  	v53 =	vperm.xlane v21, v7;
	v22 =	vadd.s32 v1, v52;
	s12 =	simm.s32 $0x8A00  }
0x307: {  	[tilespmem:s12], [sflag:$0x1] =	stream.indirect_vreg.gather [hbm4b:s15+s4], $0x80, v23, vm2, $0xb8;
	[tilespmem:$0x1FC00] =	vst v63  }
0x308: {  	v54 =	vperm.xlane v21, v8;
	v23 =	vadd.s32 v1, v53;
	s12 =	simm.s32 $0x8A80  }
0x309: {  	[tilespmem:s12], [sflag:$0x1] =	stream.indirect_vreg.gather [hbm4b:s15+s4], $0x80, v51, vm2, $0xb8;
	[tilespmem:$0x1FC00] =	vst v63  }
0x30a: {  	v56 =	vperm.xlane v21, v9;
	v55 =	vadd.s32 v1, v54;
	s12 =	simm.s32 $0x8B00  }
0x30b: {  	[tilespmem:s12], [sflag:$0x1] =	stream.indirect_vreg.gather [hbm4b:s15+s4], $0x80, v22, vm2, $0xb8;
	[tilespmem:$0x1FC00] =	vst v63  }
0x30c: {  	v57 =	vperm.xlane v21, v10;
	v22 =	vadd.s32 v1, v56;
	s12 =	simm.s32 $0x8B80  }
0x30d: {  	[tilespmem:s12], [sflag:$0x1] =	stream.indirect_vreg.gather [hbm4b:s15+s4], $0x80, v23, vm2, $0xb8;
	[tilespmem:$0x1FC00] =	vst v63  }
0x30e: {  	v58 =	vperm.xlane v21, v11;
	v23 =	vadd.s32 v1, v57;
	s12 =	simm.s32 $0x8C00  }
0x30f: {  	[tilespmem:s12], [sflag:$0x1] =	stream.indirect_vreg.gather [hbm4b:s15+s4], $0x80, v55, vm2, $0xb8;
	[tilespmem:$0x1FC00] =	vst v63  }
0x310: {  	v60 =	vperm.xlane v21, v12;
	v59 =	vadd.s32 v1, v58;
	s12 =	simm.s32 $0x8C80  }
0x311: {  	[tilespmem:s12], [sflag:$0x1] =	stream.indirect_vreg.gather [hbm4b:s15+s4], $0x80, v22, vm2, $0xb8;
	[tilespmem:$0x1FC00] =	vst v63  }
0x312: {  	v61 =	vperm.xlane v21, v13;
	v22 =	vadd.s32 v1, v60;
	s12 =	simm.s32 $0x8D00  }
0x313: {  	[tilespmem:s12], [sflag:$0x1] =	stream.indirect_vreg.gather [hbm4b:s15+s4], $0x80, v23, vm2, $0xb8;
	[tilespmem:$0x1FC00] =	vst v63  }
0x314: {  	v23 =	vadd.s32 v1, v61;
	s12 =	simm.s32 $0x8D80  }
0x315: {  	v62 =	vperm.xlane v21, v14;
	[tilespmem:s12], [sflag:$0x1] =	stream.indirect_vreg.gather [hbm4b:s15+s4], $0x80, v59, vm2, $0xb8;
	[tilespmem:$0x1FC00] =	vst v63  }
0x316: {  	s12 =	simm.s32 $0x8E00  }
0x317: {  	v21 =	vperm.xlane v21, v15;
	v63 =	vadd.s32 v1, v62;
	[tilespmem:s12], [sflag:$0x1] =	stream.indirect_vreg.gather [hbm4b:s15+s4], $0x80, v22, vm2, $0xb8;
	[tilespmem:$0x1FC00] =	vst v63  }
0x318: {  	s12 =	simm.s32 $0x8E80  }
0x319: {  	v21 =	vadd.s32 v1, v21;
	[tilespmem:s12], [sflag:$0x1] =	stream.indirect_vreg.gather [hbm4b:s15+s4], $0x80, v23, vm2, $0xb8;
	[tilespmem:$0x1FC00] =	vst v63  }
.Ltmp5:
0x31a: {  	_ = 	snop;
	(pc) =	sbr.rel .LBB2_4-.Ltmp5, $4  }
0x31b: {  	s12 =	simm.s32 $0x8F00  }
0x31c: {  	[tilespmem:s12], [sflag:$0x1] =	stream.indirect_vreg.gather [hbm4b:s15+s4], $0x80, v63, vm2, $0xb8;
	[tilespmem:$0x1FC00] =	vst v63  }
0x31d: {  	s18 =	simm.s32 $0x9080;
	s12 =	simm.s32 $0x8F80  }
0x31e: {  	[tilespmem:s12], [sflag:$0x1] =	stream.indirect_vreg.gather [hbm4b:s15+s4], $0x80, v21, vm2, $0xb8;
	[tilespmem:$0x1FC00] =	vst v63  }
.LBB2_6:
0x31f: {  	_ =	sfence.sel $0x180000  }
0x320: {  	[bflag:$0x0] =	sbarrier.arrive $0xFFFF  }
0x321: {  	_ =	strace $0x90000047  }
0x322: {  	s0 =	stileid.u32;
	[bflag:$0x2] =	sbarrier.arrive $0xFFFF  }
0x323: {  	p0 =	sne.s32 s0, $0x0;
	s0 =	rddreg [dreg:$0x4]  }
0x324: {  	s0 =	sadd.s32 @!p0 $0x100000, s0  }
0x325: {  	[sflag:s0] =	ssyncadd.tile.s32 @!p0 $0x1;
	_ =	shalt  }
.Lfunc_end2:
_tile_overlayer_lowered:
.L_overlay_start_2:
0x326: {  	(tag) =	ssettag $0x2  }
0x327: {  	s0 =	rddreg [dreg:$0x0];
	s2 =	stileid.u32  }
0x328: {  	s1 =	rddreg [dreg:$0x1];
	p0 =	sne.s32 s2, $0x0  }
0x329: {  	s3 =	rddreg [dreg:$0x2];
	[bflag:$0x3] =	sbarrier.arrive $0xFFFF;
	s2 =	simm.s32 @!p0 $0x1C02  }
0x32a: {  	[timem:s3], [sflag:s2] =	dma.local @!p0 [hbm:s0], s1  }
0x32b: {  	s0 =	simm.s32 @!p0 $0x2  }
0x32c: {  	_ =	swait.ge @!p0 [sflag:s0], s1  }
0x32d: {  	s1 =	ssub.s32 @!p0 $0x0, s1;
	[sflag:s0] =	ssyncset.done @!p0 $0x0  }
0x32e: {  	[sflag:s0] =	ssyncadd.s32 @!p0 s1  }
0x32f: {  	[bflag:$0x3] =	sbarrier.arrive $0xFFFF  }
0x330: {  	_ =	shalt  }

</sc_bundles>
